<compile_context>
chip_gen: v7x
topology: tpu7x:2x2x1
jax: 0.10.2.dev20260603
libtpu: 0.0.44.dev20260713+nightly
codegen_flags: <defaults>
</compile_context>

<pallas_src>
import functools

import jax
import jax.numpy as jnp
from jax import lax
from jax.experimental import pallas as pl
from jax.experimental.pallas import tpu as pltpu
from jax.experimental.pallas import tpu_sc as plsc

N_NODES = 10000
D = 128
DP = D // 2
NC = 2
NS = 16
NW = NC * NS
CHUNK = 128
N_CHUNKS = 80
N_PHASES = 2
PH_CHUNKS = N_CHUNKS // N_PHASES
E_PAD = NW * N_CHUNKS * CHUNK
N_ACC = 10240
ROWS_PER_TILE = N_ACC // NS
ZROWS = 128


def _sc_scatter(T, src, dst, ew):
    mesh = plsc.VectorSubcoreMesh(
        core_axis_name="c", subcore_axis_name="s",
        num_cores=NC, num_subcores=NS)

    @functools.partial(
        pl.kernel,
        out_type=jax.ShapeDtypeStruct((NC, N_ACC, D), jnp.bfloat16),
        mesh=mesh,
        scratch_types=[
            pltpu.VMEM((PH_CHUNKS, CHUNK), jnp.int32),
            pltpu.VMEM((PH_CHUNKS, CHUNK), jnp.int32),
            pltpu.VMEM((PH_CHUNKS, CHUNK), jnp.uint32),
            pltpu.VMEM((CHUNK, D), jnp.bfloat16),
            pltpu.VMEM((CHUNK, D), jnp.bfloat16),
            pltpu.VMEM((CHUNK, D), jnp.bfloat16),
            pltpu.VMEM((CHUNK, D), jnp.bfloat16),
            pltpu.VMEM_SHARED((N_ACC, D), jnp.bfloat16),
            pltpu.VMEM_SHARED((N_ACC, D), jnp.bfloat16),
            pltpu.SemaphoreType.DMA,
            pltpu.SemaphoreType.DMA,
            pltpu.SemaphoreType.DMA,
            pltpu.SemaphoreType.DMA,
        ],
        compiler_params=pltpu.CompilerParams(use_tc_tiling_on_sc=False,
                                             needs_layout_passes=False),
    )
    def k(t_hbm, src_hbm, dst_hbm, ew_hbm, out_hbm,
          src_v, dst_v, ew_v, g0, g1, s0, s1, tbl, acc,
          sem_g0, sem_g1, sem_s0, sem_s1):
        gbufs = (g0, g1)
        sbufs = (s0, s1)
        sems_g = (sem_g0, sem_g1)
        sems_s = (sem_s0, sem_s1)
        c = lax.axis_index("c")
        s = lax.axis_index("s")
        gwid = c * NS + s
        base = s * ROWS_PER_TILE

        pltpu.sync_copy(t_hbm.at[pl.ds(base, ROWS_PER_TILE)],
                        tbl.at[pl.ds(base, ROWS_PER_TILE)])

        def zrow(i, carry):
            for v in range(D // 32):
                s0[i, pl.ds(32 * v, 32)] = jnp.zeros((32,), jnp.bfloat16)
            return carry
        lax.fori_loop(0, ZROWS, zrow, 0)
        for t in range(ROWS_PER_TILE // ZROWS):
            pltpu.sync_copy(s0, acc.at[pl.ds(base + t * ZROWS, ZROWS)])
        plsc.subcore_barrier()

        def scale(j, src_buf, dst_buf):
            def group(g, gcarry):
                wv = ew_v[j, pl.ds(g * 16, 16)]
                ws = [plsc.bitcast(jnp.full((16,), wv[i], jnp.uint32),
                                   jnp.bfloat16)
                      for i in range(16)]

                def blk(v, bcarry):
                    psl = pl.ds(v * 32, 32)
                    for i in range(16):
                        e = g * 16 + i
                        dst_buf[e, psl] = src_buf[e, psl] * ws[i]
                    return bcarry
                lax.fori_loop(0, D // 32, blk, 0)
                return gcarry
            lax.fori_loop(0, CHUNK // 16, group, 0)

        for phase in range(N_PHASES):
            p0 = phase * PH_CHUNKS
            pltpu.sync_copy(src_hbm.at[gwid, pl.ds(p0, PH_CHUNKS)], src_v)
            pltpu.sync_copy(dst_hbm.at[gwid, pl.ds(p0, PH_CHUNKS)], dst_v)
            pltpu.sync_copy(ew_hbm.at[gwid, pl.ds(p0, PH_CHUNKS)], ew_v)

            for b in range(2):
                pltpu.async_copy(tbl.at[src_v.at[b]], gbufs[b], sems_g[b])

            def pair(q, carry):
                for b in range(2):
                    j = 2 * q + b
                    jn = jnp.minimum(j + 2, PH_CHUNKS - 1)

                    pltpu.make_async_copy(
                        tbl.at[src_v.at[j]], gbufs[b], sems_g[b]).wait()

                    @pl.when(j >= 2)
                    def _():
                        pltpu.make_async_copy(
                            sbufs[b], acc.at[dst_v.at[j]], sems_s[b]).wait()
                    scale(j, gbufs[b], sbufs[b])
                    pltpu.async_copy(sbufs[b], acc.at[dst_v.at[j]],
                                     sems_s[b], add=True)
                    pltpu.async_copy(tbl.at[src_v.at[jn]], gbufs[b],
                                     sems_g[b])
                return carry
            lax.fori_loop(0, PH_CHUNKS // 2, pair, 0)
            for b in range(2):
                pltpu.make_async_copy(
                    tbl.at[src_v.at[0]], gbufs[b], sems_g[b]).wait()
                pltpu.make_async_copy(
                    sbufs[b], acc.at[dst_v.at[0]], sems_s[b]).wait()

        plsc.subcore_barrier()
        for t in range(ROWS_PER_TILE // ZROWS):
            lo = base + t * ZROWS
            pltpu.sync_copy(acc.at[pl.ds(lo, ZROWS)],
                            out_hbm.at[c, pl.ds(lo, ZROWS)])

    return k(T, src, dst, ew)


def _pack_table(X):
    return jnp.pad(X.astype(jnp.bfloat16), ((0, N_ACC - N_NODES), (0, 0)))


def _tc_body(p0_ref, p1_ref, w_ref, b_ref, o_ref):
    h = p0_ref[...].astype(jnp.float32) + p1_ref[...].astype(jnp.float32)
    o_ref[...] = (
        lax.dot_general(h, w_ref[...], (((1,), (1,)), ((), ())),
                        preferred_element_type=jnp.float32)
        + b_ref[...])


def _tc_linear(p0, p1, W, b2d):
    rows = 1000
    return pl.pallas_call(
        _tc_body,
        grid=(N_NODES // rows,),
        in_specs=[
            pl.BlockSpec((rows, D), lambda i: (i, 0)),
            pl.BlockSpec((rows, D), lambda i: (i, 0)),
            pl.BlockSpec((D, D), lambda i: (0, 0)),
            pl.BlockSpec((1, D), lambda i: (0, 0)),
        ],
        out_specs=pl.BlockSpec((rows, D), lambda i: (i, 0)),
        out_shape=jax.ShapeDtypeStruct((N_NODES, D), jnp.float32),
    )(p0, p1, W, b2d)


def kernel(X, edge_index, edge_weight, W, b):
    src = edge_index[1].astype(jnp.int32)
    dst = edge_index[0].astype(jnp.int32)
    wu16 = jax.lax.bitcast_convert_type(
        edge_weight.astype(jnp.bfloat16), jnp.uint16).astype(jnp.uint32)
    ew = wu16 | (wu16 << 16)
    pad = E_PAD - src.shape[0]
    src = jnp.pad(src, (0, pad)).reshape(NW, N_CHUNKS, CHUNK)
    dst = jnp.pad(dst, (0, pad)).reshape(NW, N_CHUNKS, CHUNK)
    ew = jnp.pad(ew, (0, pad)).reshape(NW, N_CHUNKS, CHUNK)
    part = _sc_scatter(_pack_table(X), src, dst, ew)
    return _tc_linear(part[0, :N_NODES], part[1, :N_NODES], W,
                      b.reshape(1, D))

# --- scband reference (transcript-rebuilt; emitter-appended) ---
"""Pipeline reference for scband-gcnlayer-566935683471 (READ-ONLY COPY).

The authoritative reference and input builder live on the scoring server;
editing this copy changes nothing except your own understanding.
"""

import jax, jax.numpy as jnp
import numpy as np

N_NODES = 10000
N_EDGES = 320000
D_IN = 128
D_OUT = 128


def setup_inputs(seed: int = 0) -> dict:
    key = jax.random.key(seed)
    k1, k2, k3, k4, k5 = jax.random.split(key, 5)
    X = jax.random.normal(k1, (N_NODES, D_IN), dtype=jnp.float32)
    edge_index = jax.random.randint(k2, (2, N_EDGES), 0, N_NODES, dtype=jnp.int64)
    edge_weight = jax.random.uniform(k3, (N_EDGES,), dtype=jnp.float32)
    # Linear layer params (xavier_uniform weight, zero bias), torch Linear: y = x @ W.T + b
    limit = float(np.sqrt(6.0 / (D_IN + D_OUT)))
    W = jax.random.uniform(k4, (D_OUT, D_IN), dtype=jnp.float32, minval=-limit, maxval=limit)
    b = jnp.zeros((D_OUT,), dtype=jnp.float32)
    return {"X": X, "edge_index": edge_index, "edge_weight": edge_weight, "W": W, "b": b}


def reference(X, edge_index, edge_weight, W, b):
    # h = A_sparse @ X, where A_sparse is COO with (row=dst, col=src, val=edge_weight)
    src = edge_index[1]
    dst = edge_index[0]
    msgs = jnp.take(X, src, axis=0) * edge_weight[:, None]
    h = jax.ops.segment_sum(msgs, dst, num_segments=X.shape[0])
    # self.linear(h)
    return h @ W.T + b

if __name__ == "__main__":
    import jax
    _d = setup_inputs()
    print(jax.jit(kernel)(*tuple(_d.values())))

</pallas_src>

<mosaic_0001>
#map = affine_map<(d0, d1) -> (0, 0)>
#map1 = affine_map<(d0, d1) -> (0, 0, 0)>
module attributes {stable_mosaic.version = 14 : i64} {
  func.func @k(%arg0: i32, %arg1: i32, %arg2: memref<10240x128xbf16, #tpu.memory_space<hbm>>, %arg3: memref<32x80x128xi32, #tpu.memory_space<hbm>>, %arg4: memref<32x80x128xi32, #tpu.memory_space<hbm>>, %arg5: memref<32x80x128xi32, #tpu.memory_space<hbm>>, %arg6: memref<2x10240x128xbf16, #tpu.memory_space<hbm>>, %arg7: memref<40x128xi32, #tpu.memory_space<vmem>>, %arg8: memref<40x128xi32, #tpu.memory_space<vmem>>, %arg9: memref<40x128xi32, #tpu.memory_space<vmem>>, %arg10: memref<128x128xbf16, #tpu.memory_space<vmem>>, %arg11: memref<128x128xbf16, #tpu.memory_space<vmem>>, %arg12: memref<128x128xbf16, #tpu.memory_space<vmem>>, %arg13: memref<128x128xbf16, #tpu.memory_space<vmem>>, %arg14: memref<10240x128xbf16, #tpu.memory_space<vmem_shared>>, %arg15: memref<10240x128xbf16, #tpu.memory_space<vmem_shared>>, %arg16: memref<!tpu.dma_semaphore, #tpu.memory_space<semaphore_mem>>, %arg17: memref<!tpu.dma_semaphore, #tpu.memory_space<semaphore_mem>>, %arg18: memref<!tpu.dma_semaphore, #tpu.memory_space<semaphore_mem>>, %arg19: memref<!tpu.dma_semaphore, #tpu.memory_space<semaphore_mem>>) attributes {dimension_semantics = [#tpu.dimension_semantics<core_parallel>, #tpu.dimension_semantics<subcore_parallel>], iteration_bounds = array<i64: 2, 16>, scalar_prefetch = 0 : i64, scratch_operands = 13 : i64, tpu.core_type = #tpu.core_type<sc_vector_subcore>, window_params = [{transform_indices = #map}, {transform_indices = #map1}, {transform_indices = #map1}, {transform_indices = #map1}, {transform_indices = #map1}]} {
    %mul3A = arith.constant 16 : i32
    %mul3A_0 = arith.muli %arg0, %mul3A : i32
    %add3A = arith.addi %mul3A_0, %arg1 : i32
    %mul3A_1 = arith.constant 640 : i32
    %mul3A_2 = arith.muli %arg1, %mul3A_1 : i32
    "tpu.region"() ({
      %run_scoped3A = tpu.sem_alloc : memref<!tpu.dma_semaphore, #tpu.memory_space<semaphore_mem>>
      %dma_start3A_123 = arith.constant 0 : i32
      %dma_start3A_124 = tpu.memref_slice %arg14[%mul3A_2, %dma_start3A_123] : memref<10240x128xbf16, #tpu.memory_space<vmem_shared>> -> memref<640x128xbf16, #tpu.memory_space<vmem_shared>>
      %dma_start3A_125 = arith.constant 0 : i32
      %dma_start3A_126 = tpu.memref_slice %arg2[%mul3A_2, %dma_start3A_125] : memref<10240x128xbf16, #tpu.memory_space<hbm>> -> memref<640x128xbf16, #tpu.memory_space<hbm>>
      tpu.enqueue_dma source(%dma_start3A_126 : memref<640x128xbf16, #tpu.memory_space<hbm>>) target(%dma_start3A_124 : memref<640x128xbf16, #tpu.memory_space<vmem_shared>>) target_semaphore(%run_scoped3A : memref<!tpu.dma_semaphore, #tpu.memory_space<semaphore_mem>>)
      %dma_wait3A_127 = arith.constant 0 : i32
      %dma_wait3A_128 = tpu.memref_slice %arg14[%mul3A_2, %dma_wait3A_127] : memref<10240x128xbf16, #tpu.memory_space<vmem_shared>> -> memref<640x128xbf16, #tpu.memory_space<vmem_shared>>
      %dma_wait3A_129 = arith.constant 0 : i32
      %dma_wait3A_130 = tpu.memref_slice %arg2[%mul3A_2, %dma_wait3A_129] : memref<10240x128xbf16, #tpu.memory_space<hbm>> -> memref<640x128xbf16, #tpu.memory_space<hbm>>
      tpu.wait_dma2 semaphore(%run_scoped3A : memref<!tpu.dma_semaphore, #tpu.memory_space<semaphore_mem>>) src(%dma_wait3A_130 : memref<640x128xbf16, #tpu.memory_space<hbm>>) dst(%dma_wait3A_128 : memref<640x128xbf16, #tpu.memory_space<vmem_shared>>)
      tpu.yield
    }) : () -> ()
    %scan3A = arith.constant 0 : i32
    %scan3A_3 = arith.constant 0 : i32
    %scan3A_4 = arith.constant 128 : i32
    %scan3A_5 = arith.addi %scan3A_3, %scan3A_4 : i32
    %scan3A_6 = arith.constant 1 : i32
    scf.for %scan3A_123 = %scan3A_3 to %scan3A_5 step %scan3A_6  : i32 {
      %broadcast_in_dim3A = arith.constant 0.000000e+00 : bf16
      %broadcast_in_dim3A_124 = vector.broadcast %broadcast_in_dim3A : bf16 to vector<32xbf16>
      %swap3A = arith.index_cast %scan3A_123 : i32 to index
      %swap3A_125 = arith.constant 0 : index
      %swap3A_126 = tpu.vector_load %arg12[%swap3A, %swap3A_125] {strides = array<i32>} : memref<128x128xbf16, #tpu.memory_space<vmem>>, vector<32xbf16>,
      tpu.vector_store %arg12[%swap3A, %swap3A_125], %broadcast_in_dim3A_124 {strides = array<i32>} : memref<128x128xbf16, #tpu.memory_space<vmem>>, vector<32xbf16>,
      %broadcast_in_dim3A_127 = arith.constant 0.000000e+00 : bf16
      %broadcast_in_dim3A_128 = vector.broadcast %broadcast_in_dim3A_127 : bf16 to vector<32xbf16>
      %swap3A_129 = arith.index_cast %scan3A_123 : i32 to index
      %swap3A_130 = arith.constant 32 : index
      %swap3A_131 = tpu.vector_load %arg12[%swap3A_129, %swap3A_130] {strides = array<i32>} : memref<128x128xbf16, #tpu.memory_space<vmem>>, vector<32xbf16>,
      tpu.vector_store %arg12[%swap3A_129, %swap3A_130], %broadcast_in_dim3A_128 {strides = array<i32>} : memref<128x128xbf16, #tpu.memory_space<vmem>>, vector<32xbf16>,
      %broadcast_in_dim3A_132 = arith.constant 0.000000e+00 : bf16
      %broadcast_in_dim3A_133 = vector.broadcast %broadcast_in_dim3A_132 : bf16 to vector<32xbf16>
      %swap3A_134 = arith.index_cast %scan3A_123 : i32 to index
      %swap3A_135 = arith.constant 64 : index
      %swap3A_136 = tpu.vector_load %arg12[%swap3A_134, %swap3A_135] {strides = array<i32>} : memref<128x128xbf16, #tpu.memory_space<vmem>>, vector<32xbf16>,
      tpu.vector_store %arg12[%swap3A_134, %swap3A_135], %broadcast_in_dim3A_133 {strides = array<i32>} : memref<128x128xbf16, #tpu.memory_space<vmem>>, vector<32xbf16>,
      %broadcast_in_dim3A_137 = arith.constant 0.000000e+00 : bf16
      %broadcast_in_dim3A_138 = vector.broadcast %broadcast_in_dim3A_137 : bf16 to vector<32xbf16>
      %swap3A_139 = arith.index_cast %scan3A_123 : i32 to index
      %swap3A_140 = arith.constant 96 : index
      %swap3A_141 = tpu.vector_load %arg12[%swap3A_139, %swap3A_140] {strides = array<i32>} : memref<128x128xbf16, #tpu.memory_space<vmem>>, vector<32xbf16>,
      tpu.vector_store %arg12[%swap3A_139, %swap3A_140], %broadcast_in_dim3A_138 {strides = array<i32>} : memref<128x128xbf16, #tpu.memory_space<vmem>>, vector<32xbf16>,
    }
    %scan3A_7 = arith.constant 128 : i32
    %add3A_8 = arith.constant 0 : i32
    %add3A_9 = arith.addi %mul3A_2, %add3A_8 : i32
    "tpu.region"() ({
      %run_scoped3A = tpu.sem_alloc : memref<!tpu.dma_semaphore, #tpu.memory_space<semaphore_mem>>
      %dma_start3A_123 = arith.constant 0 : i32
      %dma_start3A_124 = tpu.memref_slice %arg15[%add3A_9, %dma_start3A_123] : memref<10240x128xbf16, #tpu.memory_space<vmem_shared>> -> memref<128x128xbf16, #tpu.memory_space<vmem_shared>>
      %dma_start3A_125 = arith.constant 0 : i32
      %dma_start3A_126 = tpu.memref_slice %arg15[%add3A_9, %dma_start3A_125] : memref<10240x128xbf16, #tpu.memory_space<vmem_shared>> -> memref<128x128xbf16, #tpu.memory_space<vmem_shared>>
      tpu.enqueue_dma source(%arg12 : memref<128x128xbf16, #tpu.memory_space<vmem>>) target(%dma_start3A_126 : memref<128x128xbf16, #tpu.memory_space<vmem_shared>>) target_semaphore(%run_scoped3A : memref<!tpu.dma_semaphore, #tpu.memory_space<semaphore_mem>>)
      %dma_wait3A_127 = arith.constant 0 : i32
      %dma_wait3A_128 = tpu.memref_slice %arg15[%add3A_9, %dma_wait3A_127] : memref<10240x128xbf16, #tpu.memory_space<vmem_shared>> -> memref<128x128xbf16, #tpu.memory_space<vmem_shared>>
      %dma_wait3A_129 = arith.constant 0 : i32
      %dma_wait3A_130 = tpu.memref_slice %arg15[%add3A_9, %dma_wait3A_129] : memref<10240x128xbf16, #tpu.memory_space<vmem_shared>> -> memref<128x128xbf16, #tpu.memory_space<vmem_shared>>
      tpu.wait_dma2 semaphore(%run_scoped3A : memref<!tpu.dma_semaphore, #tpu.memory_space<semaphore_mem>>) src(%arg12 : memref<128x128xbf16, #tpu.memory_space<vmem>>) dst(%dma_wait3A_130 : memref<128x128xbf16, #tpu.memory_space<vmem_shared>>)
      tpu.yield
    }) : () -> ()
    %add3A_10 = arith.constant 128 : i32
    %add3A_11 = arith.addi %mul3A_2, %add3A_10 : i32
    "tpu.region"() ({
      %run_scoped3A = tpu.sem_alloc : memref<!tpu.dma_semaphore, #tpu.memory_space<semaphore_mem>>
      %dma_start3A_123 = arith.constant 0 : i32
      %dma_start3A_124 = tpu.memref_slice %arg15[%add3A_11, %dma_start3A_123] : memref<10240x128xbf16, #tpu.memory_space<vmem_shared>> -> memref<128x128xbf16, #tpu.memory_space<vmem_shared>>
      %dma_start3A_125 = arith.constant 0 : i32
      %dma_start3A_126 = tpu.memref_slice %arg15[%add3A_11, %dma_start3A_125] : memref<10240x128xbf16, #tpu.memory_space<vmem_shared>> -> memref<128x128xbf16, #tpu.memory_space<vmem_shared>>
      tpu.enqueue_dma source(%arg12 : memref<128x128xbf16, #tpu.memory_space<vmem>>) target(%dma_start3A_126 : memref<128x128xbf16, #tpu.memory_space<vmem_shared>>) target_semaphore(%run_scoped3A : memref<!tpu.dma_semaphore, #tpu.memory_space<semaphore_mem>>)
      %dma_wait3A_127 = arith.constant 0 : i32
      %dma_wait3A_128 = tpu.memref_slice %arg15[%add3A_11, %dma_wait3A_127] : memref<10240x128xbf16, #tpu.memory_space<vmem_shared>> -> memref<128x128xbf16, #tpu.memory_space<vmem_shared>>
      %dma_wait3A_129 = arith.constant 0 : i32
      %dma_wait3A_130 = tpu.memref_slice %arg15[%add3A_11, %dma_wait3A_129] : memref<10240x128xbf16, #tpu.memory_space<vmem_shared>> -> memref<128x128xbf16, #tpu.memory_space<vmem_shared>>
      tpu.wait_dma2 semaphore(%run_scoped3A : memref<!tpu.dma_semaphore, #tpu.memory_space<semaphore_mem>>) src(%arg12 : memref<128x128xbf16, #tpu.memory_space<vmem>>) dst(%dma_wait3A_130 : memref<128x128xbf16, #tpu.memory_space<vmem_shared>>)
      tpu.yield
    }) : () -> ()
    %add3A_12 = arith.constant 256 : i32
    %add3A_13 = arith.addi %mul3A_2, %add3A_12 : i32
    "tpu.region"() ({
      %run_scoped3A = tpu.sem_alloc : memref<!tpu.dma_semaphore, #tpu.memory_space<semaphore_mem>>
      %dma_start3A_123 = arith.constant 0 : i32
      %dma_start3A_124 = tpu.memref_slice %arg15[%add3A_13, %dma_start3A_123] : memref<10240x128xbf16, #tpu.memory_space<vmem_shared>> -> memref<128x128xbf16, #tpu.memory_space<vmem_shared>>
      %dma_start3A_125 = arith.constant 0 : i32
      %dma_start3A_126 = tpu.memref_slice %arg15[%add3A_13, %dma_start3A_125] : memref<10240x128xbf16, #tpu.memory_space<vmem_shared>> -> memref<128x128xbf16, #tpu.memory_space<vmem_shared>>
      tpu.enqueue_dma source(%arg12 : memref<128x128xbf16, #tpu.memory_space<vmem>>) target(%dma_start3A_126 : memref<128x128xbf16, #tpu.memory_space<vmem_shared>>) target_semaphore(%run_scoped3A : memref<!tpu.dma_semaphore, #tpu.memory_space<semaphore_mem>>)
      %dma_wait3A_127 = arith.constant 0 : i32
      %dma_wait3A_128 = tpu.memref_slice %arg15[%add3A_13, %dma_wait3A_127] : memref<10240x128xbf16, #tpu.memory_space<vmem_shared>> -> memref<128x128xbf16, #tpu.memory_space<vmem_shared>>
      %dma_wait3A_129 = arith.constant 0 : i32
      %dma_wait3A_130 = tpu.memref_slice %arg15[%add3A_13, %dma_wait3A_129] : memref<10240x128xbf16, #tpu.memory_space<vmem_shared>> -> memref<128x128xbf16, #tpu.memory_space<vmem_shared>>
      tpu.wait_dma2 semaphore(%run_scoped3A : memref<!tpu.dma_semaphore, #tpu.memory_space<semaphore_mem>>) src(%arg12 : memref<128x128xbf16, #tpu.memory_space<vmem>>) dst(%dma_wait3A_130 : memref<128x128xbf16, #tpu.memory_space<vmem_shared>>)
      tpu.yield
    }) : () -> ()
    %add3A_14 = arith.constant 384 : i32
    %add3A_15 = arith.addi %mul3A_2, %add3A_14 : i32
    "tpu.region"() ({
      %run_scoped3A = tpu.sem_alloc : memref<!tpu.dma_semaphore, #tpu.memory_space<semaphore_mem>>
      %dma_start3A_123 = arith.constant 0 : i32
      %dma_start3A_124 = tpu.memref_slice %arg15[%add3A_15, %dma_start3A_123] : memref<10240x128xbf16, #tpu.memory_space<vmem_shared>> -> memref<128x128xbf16, #tpu.memory_space<vmem_shared>>
      %dma_start3A_125 = arith.constant 0 : i32
      %dma_start3A_126 = tpu.memref_slice %arg15[%add3A_15, %dma_start3A_125] : memref<10240x128xbf16, #tpu.memory_space<vmem_shared>> -> memref<128x128xbf16, #tpu.memory_space<vmem_shared>>
      tpu.enqueue_dma source(%arg12 : memref<128x128xbf16, #tpu.memory_space<vmem>>) target(%dma_start3A_126 : memref<128x128xbf16, #tpu.memory_space<vmem_shared>>) target_semaphore(%run_scoped3A : memref<!tpu.dma_semaphore, #tpu.memory_space<semaphore_mem>>)
      %dma_wait3A_127 = arith.constant 0 : i32
      %dma_wait3A_128 = tpu.memref_slice %arg15[%add3A_15, %dma_wait3A_127] : memref<10240x128xbf16, #tpu.memory_space<vmem_shared>> -> memref<128x128xbf16, #tpu.memory_space<vmem_shared>>
      %dma_wait3A_129 = arith.constant 0 : i32
      %dma_wait3A_130 = tpu.memref_slice %arg15[%add3A_15, %dma_wait3A_129] : memref<10240x128xbf16, #tpu.memory_space<vmem_shared>> -> memref<128x128xbf16, #tpu.memory_space<vmem_shared>>
      tpu.wait_dma2 semaphore(%run_scoped3A : memref<!tpu.dma_semaphore, #tpu.memory_space<semaphore_mem>>) src(%arg12 : memref<128x128xbf16, #tpu.memory_space<vmem>>) dst(%dma_wait3A_130 : memref<128x128xbf16, #tpu.memory_space<vmem_shared>>)
      tpu.yield
    }) : () -> ()
    %add3A_16 = arith.constant 512 : i32
    %add3A_17 = arith.addi %mul3A_2, %add3A_16 : i32
    "tpu.region"() ({
      %run_scoped3A = tpu.sem_alloc : memref<!tpu.dma_semaphore, #tpu.memory_space<semaphore_mem>>
      %dma_start3A_123 = arith.constant 0 : i32
      %dma_start3A_124 = tpu.memref_slice %arg15[%add3A_17, %dma_start3A_123] : memref<10240x128xbf16, #tpu.memory_space<vmem_shared>> -> memref<128x128xbf16, #tpu.memory_space<vmem_shared>>
      %dma_start3A_125 = arith.constant 0 : i32
      %dma_start3A_126 = tpu.memref_slice %arg15[%add3A_17, %dma_start3A_125] : memref<10240x128xbf16, #tpu.memory_space<vmem_shared>> -> memref<128x128xbf16, #tpu.memory_space<vmem_shared>>
      tpu.enqueue_dma source(%arg12 : memref<128x128xbf16, #tpu.memory_space<vmem>>) target(%dma_start3A_126 : memref<128x128xbf16, #tpu.memory_space<vmem_shared>>) target_semaphore(%run_scoped3A : memref<!tpu.dma_semaphore, #tpu.memory_space<semaphore_mem>>)
      %dma_wait3A_127 = arith.constant 0 : i32
      %dma_wait3A_128 = tpu.memref_slice %arg15[%add3A_17, %dma_wait3A_127] : memref<10240x128xbf16, #tpu.memory_space<vmem_shared>> -> memref<128x128xbf16, #tpu.memory_space<vmem_shared>>
      %dma_wait3A_129 = arith.constant 0 : i32
      %dma_wait3A_130 = tpu.memref_slice %arg15[%add3A_17, %dma_wait3A_129] : memref<10240x128xbf16, #tpu.memory_space<vmem_shared>> -> memref<128x128xbf16, #tpu.memory_space<vmem_shared>>
      tpu.wait_dma2 semaphore(%run_scoped3A : memref<!tpu.dma_semaphore, #tpu.memory_space<semaphore_mem>>) src(%arg12 : memref<128x128xbf16, #tpu.memory_space<vmem>>) dst(%dma_wait3A_130 : memref<128x128xbf16, #tpu.memory_space<vmem_shared>>)
      tpu.yield
    }) : () -> ()
    %barrier3A = arith.constant 0 : index
    tpu.barrier barrier_id(%barrier3A)
    "tpu.region"() ({
      %run_scoped3A = tpu.sem_alloc : memref<!tpu.dma_semaphore, #tpu.memory_space<semaphore_mem>>
      %dma_start3A_123 = arith.constant 0 : i32
      %dma_start3A_124 = arith.constant 0 : i32
      %dma_start3A_125 = tpu.memref_slice %arg3[%add3A, %dma_start3A_123, %dma_start3A_124] : memref<32x80x128xi32, #tpu.memory_space<hbm>> -> memref<1x40x128xi32, #tpu.memory_space<hbm>>
      %dma_start3A_126 = tpu.memref_squeeze %dma_start3A_125 : memref<1x40x128xi32, #tpu.memory_space<hbm>> -> memref<40x128xi32, #tpu.memory_space<hbm>>
      %dma_start3A_127 = arith.constant 0 : i32
      %dma_start3A_128 = arith.constant 0 : i32
      %dma_start3A_129 = tpu.memref_slice %arg3[%add3A, %dma_start3A_127, %dma_start3A_128] : memref<32x80x128xi32, #tpu.memory_space<hbm>> -> memref<1x40x128xi32, #tpu.memory_space<hbm>>
      %dma_start3A_130 = tpu.memref_squeeze %dma_start3A_129 : memref<1x40x128xi32, #tpu.memory_space<hbm>> -> memref<40x128xi32, #tpu.memory_space<hbm>>
      tpu.enqueue_dma source(%dma_start3A_130 : memref<40x128xi32, #tpu.memory_space<hbm>>) target(%arg7 : memref<40x128xi32, #tpu.memory_space<vmem>>) target_semaphore(%run_scoped3A : memref<!tpu.dma_semaphore, #tpu.memory_space<semaphore_mem>>)
      %dma_wait3A_131 = arith.constant 0 : i32
      %dma_wait3A_132 = arith.constant 0 : i32
      %dma_wait3A_133 = tpu.memref_slice %arg3[%add3A, %dma_wait3A_131, %dma_wait3A_132] : memref<32x80x128xi32, #tpu.memory_space<hbm>> -> memref<1x40x128xi32, #tpu.memory_space<hbm>>
      %dma_wait3A_134 = tpu.memref_squeeze %dma_wait3A_133 : memref<1x40x128xi32, #tpu.memory_space<hbm>> -> memref<40x128xi32, #tpu.memory_space<hbm>>
      %dma_wait3A_135 = arith.constant 0 : i32
      %dma_wait3A_136 = arith.constant 0 : i32
      %dma_wait3A_137 = tpu.memref_slice %arg3[%add3A, %dma_wait3A_135, %dma_wait3A_136] : memref<32x80x128xi32, #tpu.memory_space<hbm>> -> memref<1x40x128xi32, #tpu.memory_space<hbm>>
      %dma_wait3A_138 = tpu.memref_squeeze %dma_wait3A_137 : memref<1x40x128xi32, #tpu.memory_space<hbm>> -> memref<40x128xi32, #tpu.memory_space<hbm>>
      tpu.wait_dma2 semaphore(%run_scoped3A : memref<!tpu.dma_semaphore, #tpu.memory_space<semaphore_mem>>) src(%dma_wait3A_138 : memref<40x128xi32, #tpu.memory_space<hbm>>) dst(%arg7 : memref<40x128xi32, #tpu.memory_space<vmem>>)
      tpu.yield
    }) : () -> ()
    "tpu.region"() ({
      %run_scoped3A = tpu.sem_alloc : memref<!tpu.dma_semaphore, #tpu.memory_space<semaphore_mem>>
      %dma_start3A_123 = arith.constant 0 : i32
      %dma_start3A_124 = arith.constant 0 : i32
      %dma_start3A_125 = tpu.memref_slice %arg4[%add3A, %dma_start3A_123, %dma_start3A_124] : memref<32x80x128xi32, #tpu.memory_space<hbm>> -> memref<1x40x128xi32, #tpu.memory_space<hbm>>
      %dma_start3A_126 = tpu.memref_squeeze %dma_start3A_125 : memref<1x40x128xi32, #tpu.memory_space<hbm>> -> memref<40x128xi32, #tpu.memory_space<hbm>>
      %dma_start3A_127 = arith.constant 0 : i32
      %dma_start3A_128 = arith.constant 0 : i32
      %dma_start3A_129 = tpu.memref_slice %arg4[%add3A, %dma_start3A_127, %dma_start3A_128] : memref<32x80x128xi32, #tpu.memory_space<hbm>> -> memref<1x40x128xi32, #tpu.memory_space<hbm>>
      %dma_start3A_130 = tpu.memref_squeeze %dma_start3A_129 : memref<1x40x128xi32, #tpu.memory_space<hbm>> -> memref<40x128xi32, #tpu.memory_space<hbm>>
      tpu.enqueue_dma source(%dma_start3A_130 : memref<40x128xi32, #tpu.memory_space<hbm>>) target(%arg8 : memref<40x128xi32, #tpu.memory_space<vmem>>) target_semaphore(%run_scoped3A : memref<!tpu.dma_semaphore, #tpu.memory_space<semaphore_mem>>)
      %dma_wait3A_131 = arith.constant 0 : i32
      %dma_wait3A_132 = arith.constant 0 : i32
      %dma_wait3A_133 = tpu.memref_slice %arg4[%add3A, %dma_wait3A_131, %dma_wait3A_132] : memref<32x80x128xi32, #tpu.memory_space<hbm>> -> memref<1x40x128xi32, #tpu.memory_space<hbm>>
      %dma_wait3A_134 = tpu.memref_squeeze %dma_wait3A_133 : memref<1x40x128xi32, #tpu.memory_space<hbm>> -> memref<40x128xi32, #tpu.memory_space<hbm>>
      %dma_wait3A_135 = arith.constant 0 : i32
      %dma_wait3A_136 = arith.constant 0 : i32
      %dma_wait3A_137 = tpu.memref_slice %arg4[%add3A, %dma_wait3A_135, %dma_wait3A_136] : memref<32x80x128xi32, #tpu.memory_space<hbm>> -> memref<1x40x128xi32, #tpu.memory_space<hbm>>
      %dma_wait3A_138 = tpu.memref_squeeze %dma_wait3A_137 : memref<1x40x128xi32, #tpu.memory_space<hbm>> -> memref<40x128xi32, #tpu.memory_space<hbm>>
      tpu.wait_dma2 semaphore(%run_scoped3A : memref<!tpu.dma_semaphore, #tpu.memory_space<semaphore_mem>>) src(%dma_wait3A_138 : memref<40x128xi32, #tpu.memory_space<hbm>>) dst(%arg8 : memref<40x128xi32, #tpu.memory_space<vmem>>)
      tpu.yield
    }) : () -> ()
    "tpu.region"() ({
      %run_scoped3A = tpu.sem_alloc : memref<!tpu.dma_semaphore, #tpu.memory_space<semaphore_mem>>
      %dma_start3A_123 = arith.constant 0 : i32
      %dma_start3A_124 = arith.constant 0 : i32
      %dma_start3A_125 = tpu.memref_slice %arg5[%add3A, %dma_start3A_123, %dma_start3A_124] : memref<32x80x128xi32, #tpu.memory_space<hbm>> -> memref<1x40x128xi32, #tpu.memory_space<hbm>>
      %dma_start3A_126 = tpu.memref_squeeze %dma_start3A_125 : memref<1x40x128xi32, #tpu.memory_space<hbm>> -> memref<40x128xi32, #tpu.memory_space<hbm>>
      %dma_start3A_127 = arith.constant 0 : i32
      %dma_start3A_128 = arith.constant 0 : i32
      %dma_start3A_129 = tpu.memref_slice %arg5[%add3A, %dma_start3A_127, %dma_start3A_128] : memref<32x80x128xi32, #tpu.memory_space<hbm>> -> memref<1x40x128xi32, #tpu.memory_space<hbm>>
      %dma_start3A_130 = tpu.memref_squeeze %dma_start3A_129 : memref<1x40x128xi32, #tpu.memory_space<hbm>> -> memref<40x128xi32, #tpu.memory_space<hbm>>
      tpu.enqueue_dma source(%dma_start3A_130 : memref<40x128xi32, #tpu.memory_space<hbm>>) target(%arg9 : memref<40x128xi32, #tpu.memory_space<vmem>>) target_semaphore(%run_scoped3A : memref<!tpu.dma_semaphore, #tpu.memory_space<semaphore_mem>>)
      %dma_wait3A_131 = arith.constant 0 : i32
      %dma_wait3A_132 = arith.constant 0 : i32
      %dma_wait3A_133 = tpu.memref_slice %arg5[%add3A, %dma_wait3A_131, %dma_wait3A_132] : memref<32x80x128xi32, #tpu.memory_space<hbm>> -> memref<1x40x128xi32, #tpu.memory_space<hbm>>
      %dma_wait3A_134 = tpu.memref_squeeze %dma_wait3A_133 : memref<1x40x128xi32, #tpu.memory_space<hbm>> -> memref<40x128xi32, #tpu.memory_space<hbm>>
      %dma_wait3A_135 = arith.constant 0 : i32
      %dma_wait3A_136 = arith.constant 0 : i32
      %dma_wait3A_137 = tpu.memref_slice %arg5[%add3A, %dma_wait3A_135, %dma_wait3A_136] : memref<32x80x128xi32, #tpu.memory_space<hbm>> -> memref<1x40x128xi32, #tpu.memory_space<hbm>>
      %dma_wait3A_138 = tpu.memref_squeeze %dma_wait3A_137 : memref<1x40x128xi32, #tpu.memory_space<hbm>> -> memref<40x128xi32, #tpu.memory_space<hbm>>
      tpu.wait_dma2 semaphore(%run_scoped3A : memref<!tpu.dma_semaphore, #tpu.memory_space<semaphore_mem>>) src(%dma_wait3A_138 : memref<40x128xi32, #tpu.memory_space<hbm>>) dst(%arg9 : memref<40x128xi32, #tpu.memory_space<vmem>>)
      tpu.yield
    }) : () -> ()
    %dma_start3A = arith.constant 0 : i32
    %dma_start3A_18 = arith.constant 0 : i32
    %dma_start3A_19 = tpu.memref_slice %arg7[%dma_start3A, %dma_start3A_18] : memref<40x128xi32, #tpu.memory_space<vmem>> -> memref<1x128xi32, #tpu.memory_space<vmem>>
    %dma_start3A_20 = tpu.memref_squeeze %dma_start3A_19 : memref<1x128xi32, #tpu.memory_space<vmem>> -> memref<128xi32, #tpu.memory_space<vmem>>
    %dma_start3A_21 = arith.constant 0 : i32
    %dma_start3A_22 = arith.constant 0 : i32
    %dma_start3A_23 = tpu.memref_slice %arg14[%dma_start3A_21, %dma_start3A_22] : memref<10240x128xbf16, #tpu.memory_space<vmem_shared>> -> memref<10240x128xbf16, #tpu.memory_space<vmem_shared>>
    tpu.enqueue_indirect_dma source(%dma_start3A_23 : memref<10240x128xbf16, #tpu.memory_space<vmem_shared>>) target(%arg10 : memref<128x128xbf16, #tpu.memory_space<vmem>>) offsets(%dma_start3A_20 : memref<128xi32, #tpu.memory_space<vmem>>) semaphore(%arg16 : memref<!tpu.dma_semaphore, #tpu.memory_space<semaphore_mem>>)
    %dma_start3A_24 = arith.constant 1 : i32
    %dma_start3A_25 = arith.constant 0 : i32
    %dma_start3A_26 = tpu.memref_slice %arg7[%dma_start3A_24, %dma_start3A_25] : memref<40x128xi32, #tpu.memory_space<vmem>> -> memref<1x128xi32, #tpu.memory_space<vmem>>
    %dma_start3A_27 = tpu.memref_squeeze %dma_start3A_26 : memref<1x128xi32, #tpu.memory_space<vmem>> -> memref<128xi32, #tpu.memory_space<vmem>>
    %dma_start3A_28 = arith.constant 0 : i32
    %dma_start3A_29 = arith.constant 0 : i32
    %dma_start3A_30 = tpu.memref_slice %arg14[%dma_start3A_28, %dma_start3A_29] : memref<10240x128xbf16, #tpu.memory_space<vmem_shared>> -> memref<10240x128xbf16, #tpu.memory_space<vmem_shared>>
    tpu.enqueue_indirect_dma source(%dma_start3A_30 : memref<10240x128xbf16, #tpu.memory_space<vmem_shared>>) target(%arg11 : memref<128x128xbf16, #tpu.memory_space<vmem>>) offsets(%dma_start3A_27 : memref<128xi32, #tpu.memory_space<vmem>>) semaphore(%arg17 : memref<!tpu.dma_semaphore, #tpu.memory_space<semaphore_mem>>)
    %scan3A_31 = arith.constant 0 : i32
    %scan3A_32 = arith.constant 0 : i32
    %scan3A_33 = arith.constant 20 : i32
    %scan3A_34 = arith.addi %scan3A_32, %scan3A_33 : i32
    %scan3A_35 = arith.constant 1 : i32
    scf.for %scan3A_123 = %scan3A_32 to %scan3A_34 step %scan3A_35  : i32 {
      %mul3A_124 = arith.constant 2 : i32
      %mul3A_125 = arith.muli %mul3A_124, %scan3A_123 : i32
      %add3A_126 = arith.constant 0 : i32
      %add3A_127 = arith.addi %mul3A_125, %add3A_126 : i32
      %add3A_128 = arith.constant 2 : i32
      %add3A_129 = arith.addi %add3A_127, %add3A_128 : i32
      %min3A = arith.constant 39 : i32
      %min3A_130 = arith.minsi %add3A_129, %min3A : i32
      %dma_wait3A_131 = arith.constant 0 : i32
      %dma_wait3A_132 = tpu.memref_slice %arg7[%add3A_127, %dma_wait3A_131] : memref<40x128xi32, #tpu.memory_space<vmem>> -> memref<1x128xi32, #tpu.memory_space<vmem>>
      %dma_wait3A_133 = tpu.memref_squeeze %dma_wait3A_132 : memref<1x128xi32, #tpu.memory_space<vmem>> -> memref<128xi32, #tpu.memory_space<vmem>>
      %dma_wait3A_134 = arith.constant 0 : i32
      %dma_wait3A_135 = arith.constant 0 : i32
      %dma_wait3A_136 = tpu.memref_slice %arg14[%dma_wait3A_134, %dma_wait3A_135] : memref<10240x128xbf16, #tpu.memory_space<vmem_shared>> -> memref<10240x128xbf16, #tpu.memory_space<vmem_shared>>
      tpu.wait_indirect_dma semaphore(%arg16 : memref<!tpu.dma_semaphore, #tpu.memory_space<semaphore_mem>>) src(%dma_wait3A_136 : memref<10240x128xbf16, #tpu.memory_space<vmem_shared>>) dst(%arg10 : memref<128x128xbf16, #tpu.memory_space<vmem>>)
      %ge3A = arith.constant 2 : i32
      %ge3A_137 = arith.cmpi sge, %add3A_127, %ge3A : i32
      %convert_element_type3A = arith.extui %ge3A_137 : i1 to i32
      %cond3A = arith.constant 0 : i32
      %cond3A_138 = arith.cmpi ne, %convert_element_type3A, %cond3A : i32
      scf.if %cond3A_138 {
        %dma_wait3A_194 = arith.constant 0 : i32
        %dma_wait3A_195 = tpu.memref_slice %arg8[%add3A_127, %dma_wait3A_194] : memref<40x128xi32, #tpu.memory_space<vmem>> -> memref<1x128xi32, #tpu.memory_space<vmem>>
        %dma_wait3A_196 = tpu.memref_squeeze %dma_wait3A_195 : memref<1x128xi32, #tpu.memory_space<vmem>> -> memref<128xi32, #tpu.memory_space<vmem>>
        %dma_wait3A_197 = arith.constant 0 : i32
        %dma_wait3A_198 = arith.constant 0 : i32
        %dma_wait3A_199 = tpu.memref_slice %arg15[%dma_wait3A_197, %dma_wait3A_198] : memref<10240x128xbf16, #tpu.memory_space<vmem_shared>> -> memref<10240x128xbf16, #tpu.memory_space<vmem_shared>>
        tpu.wait_indirect_dma semaphore(%arg18 : memref<!tpu.dma_semaphore, #tpu.memory_space<semaphore_mem>>) src(%arg12 : memref<128x128xbf16, #tpu.memory_space<vmem>>) dst(%dma_wait3A_199 : memref<10240x128xbf16, #tpu.memory_space<vmem_shared>>)
      } else {
      }
      %scan3A_139 = arith.constant 0 : i32
      %scan3A_140 = arith.constant 0 : i32
      %scan3A_141 = arith.constant 8 : i32
      %scan3A_142 = arith.addi %scan3A_140, %scan3A_141 : i32
      %scan3A_143 = arith.constant 1 : i32
      scf.for %scan3A_194 = %scan3A_140 to %scan3A_142 step %scan3A_143  : i32 {
        %mul3A_195 = arith.constant 16 : i32
        %mul3A_196 = arith.muli %scan3A_194, %mul3A_195 : i32
        %get3A = arith.index_cast %add3A_127 : i32 to index
        %get3A_197 = arith.index_cast %mul3A_196 : i32 to index
        %get3A_198 = tpu.vector_load %arg9[%get3A, %get3A_197] {strides = array<i32>} : memref<40x128xi32, #tpu.memory_space<vmem>>, vector<16xi32>,
        %slice3A = vector.extract_strided_slice %get3A_198 {offsets = [0], sizes = [1], strides = [1]} : vector<16xi32> to vector<1xi32>
        %squeeze3A = vector.extract %slice3A[0] : i32 from vector<1xi32>
        %broadcast_in_dim3A = vector.broadcast %squeeze3A : i32 to vector<16xi32>
        %bitcast3A = vector.bitcast %broadcast_in_dim3A : vector<16xi32> to vector<32xbf16>
        %slice3A_199 = vector.extract_strided_slice %get3A_198 {offsets = [1], sizes = [1], strides = [1]} : vector<16xi32> to vector<1xi32>
        %squeeze3A_200 = vector.extract %slice3A_199[0] : i32 from vector<1xi32>
        %broadcast_in_dim3A_201 = vector.broadcast %squeeze3A_200 : i32 to vector<16xi32>
        %bitcast3A_202 = vector.bitcast %broadcast_in_dim3A_201 : vector<16xi32> to vector<32xbf16>
        %slice3A_203 = vector.extract_strided_slice %get3A_198 {offsets = [2], sizes = [1], strides = [1]} : vector<16xi32> to vector<1xi32>
        %squeeze3A_204 = vector.extract %slice3A_203[0] : i32 from vector<1xi32>
        %broadcast_in_dim3A_205 = vector.broadcast %squeeze3A_204 : i32 to vector<16xi32>
        %bitcast3A_206 = vector.bitcast %broadcast_in_dim3A_205 : vector<16xi32> to vector<32xbf16>
        %slice3A_207 = vector.extract_strided_slice %get3A_198 {offsets = [3], sizes = [1], strides = [1]} : vector<16xi32> to vector<1xi32>
        %squeeze3A_208 = vector.extract %slice3A_207[0] : i32 from vector<1xi32>
        %broadcast_in_dim3A_209 = vector.broadcast %squeeze3A_208 : i32 to vector<16xi32>
        %bitcast3A_210 = vector.bitcast %broadcast_in_dim3A_209 : vector<16xi32> to vector<32xbf16>
        %slice3A_211 = vector.extract_strided_slice %get3A_198 {offsets = [4], sizes = [1], strides = [1]} : vector<16xi32> to vector<1xi32>
        %squeeze3A_212 = vector.extract %slice3A_211[0] : i32 from vector<1xi32>
        %broadcast_in_dim3A_213 = vector.broadcast %squeeze3A_212 : i32 to vector<16xi32>
        %bitcast3A_214 = vector.bitcast %broadcast_in_dim3A_213 : vector<16xi32> to vector<32xbf16>
        %slice3A_215 = vector.extract_strided_slice %get3A_198 {offsets = [5], sizes = [1], strides = [1]} : vector<16xi32> to vector<1xi32>
        %squeeze3A_216 = vector.extract %slice3A_215[0] : i32 from vector<1xi32>
        %broadcast_in_dim3A_217 = vector.broadcast %squeeze3A_216 : i32 to vector<16xi32>
        %bitcast3A_218 = vector.bitcast %broadcast_in_dim3A_217 : vector<16xi32> to vector<32xbf16>
        %slice3A_219 = vector.extract_strided_slice %get3A_198 {offsets = [6], sizes = [1], strides = [1]} : vector<16xi32> to vector<1xi32>
        %squeeze3A_220 = vector.extract %slice3A_219[0] : i32 from vector<1xi32>
        %broadcast_in_dim3A_221 = vector.broadcast %squeeze3A_220 : i32 to vector<16xi32>
        %bitcast3A_222 = vector.bitcast %broadcast_in_dim3A_221 : vector<16xi32> to vector<32xbf16>
        %slice3A_223 = vector.extract_strided_slice %get3A_198 {offsets = [7], sizes = [1], strides = [1]} : vector<16xi32> to vector<1xi32>
        %squeeze3A_224 = vector.extract %slice3A_223[0] : i32 from vector<1xi32>
        %broadcast_in_dim3A_225 = vector.broadcast %squeeze3A_224 : i32 to vector<16xi32>
        %bitcast3A_226 = vector.bitcast %broadcast_in_dim3A_225 : vector<16xi32> to vector<32xbf16>
        %slice3A_227 = vector.extract_strided_slice %get3A_198 {offsets = [8], sizes = [1], strides = [1]} : vector<16xi32> to vector<1xi32>
        %squeeze3A_228 = vector.extract %slice3A_227[0] : i32 from vector<1xi32>
        %broadcast_in_dim3A_229 = vector.broadcast %squeeze3A_228 : i32 to vector<16xi32>
        %bitcast3A_230 = vector.bitcast %broadcast_in_dim3A_229 : vector<16xi32> to vector<32xbf16>
        %slice3A_231 = vector.extract_strided_slice %get3A_198 {offsets = [9], sizes = [1], strides = [1]} : vector<16xi32> to vector<1xi32>
        %squeeze3A_232 = vector.extract %slice3A_231[0] : i32 from vector<1xi32>
        %broadcast_in_dim3A_233 = vector.broadcast %squeeze3A_232 : i32 to vector<16xi32>
        %bitcast3A_234 = vector.bitcast %broadcast_in_dim3A_233 : vector<16xi32> to vector<32xbf16>
        %slice3A_235 = vector.extract_strided_slice %get3A_198 {offsets = [10], sizes = [1], strides = [1]} : vector<16xi32> to vector<1xi32>
        %squeeze3A_236 = vector.extract %slice3A_235[0] : i32 from vector<1xi32>
        %broadcast_in_dim3A_237 = vector.broadcast %squeeze3A_236 : i32 to vector<16xi32>
        %bitcast3A_238 = vector.bitcast %broadcast_in_dim3A_237 : vector<16xi32> to vector<32xbf16>
        %slice3A_239 = vector.extract_strided_slice %get3A_198 {offsets = [11], sizes = [1], strides = [1]} : vector<16xi32> to vector<1xi32>
        %squeeze3A_240 = vector.extract %slice3A_239[0] : i32 from vector<1xi32>
        %broadcast_in_dim3A_241 = vector.broadcast %squeeze3A_240 : i32 to vector<16xi32>
        %bitcast3A_242 = vector.bitcast %broadcast_in_dim3A_241 : vector<16xi32> to vector<32xbf16>
        %slice3A_243 = vector.extract_strided_slice %get3A_198 {offsets = [12], sizes = [1], strides = [1]} : vector<16xi32> to vector<1xi32>
        %squeeze3A_244 = vector.extract %slice3A_243[0] : i32 from vector<1xi32>
        %broadcast_in_dim3A_245 = vector.broadcast %squeeze3A_244 : i32 to vector<16xi32>
        %bitcast3A_246 = vector.bitcast %broadcast_in_dim3A_245 : vector<16xi32> to vector<32xbf16>
        %slice3A_247 = vector.extract_strided_slice %get3A_198 {offsets = [13], sizes = [1], strides = [1]} : vector<16xi32> to vector<1xi32>
        %squeeze3A_248 = vector.extract %slice3A_247[0] : i32 from vector<1xi32>
        %broadcast_in_dim3A_249 = vector.broadcast %squeeze3A_248 : i32 to vector<16xi32>
        %bitcast3A_250 = vector.bitcast %broadcast_in_dim3A_249 : vector<16xi32> to vector<32xbf16>
        %slice3A_251 = vector.extract_strided_slice %get3A_198 {offsets = [14], sizes = [1], strides = [1]} : vector<16xi32> to vector<1xi32>
        %squeeze3A_252 = vector.extract %slice3A_251[0] : i32 from vector<1xi32>
        %broadcast_in_dim3A_253 = vector.broadcast %squeeze3A_252 : i32 to vector<16xi32>
        %bitcast3A_254 = vector.bitcast %broadcast_in_dim3A_253 : vector<16xi32> to vector<32xbf16>
        %slice3A_255 = vector.extract_strided_slice %get3A_198 {offsets = [15], sizes = [1], strides = [1]} : vector<16xi32> to vector<1xi32>
        %squeeze3A_256 = vector.extract %slice3A_255[0] : i32 from vector<1xi32>
        %broadcast_in_dim3A_257 = vector.broadcast %squeeze3A_256 : i32 to vector<16xi32>
        %bitcast3A_258 = vector.bitcast %broadcast_in_dim3A_257 : vector<16xi32> to vector<32xbf16>
        %scan3A_259 = arith.constant 0 : i32
        %scan3A_260 = arith.constant 0 : i32
        %scan3A_261 = arith.constant 4 : i32
        %scan3A_262 = arith.addi %scan3A_260, %scan3A_261 : i32
        %scan3A_263 = arith.constant 1 : i32
        scf.for %scan3A_265 = %scan3A_260 to %scan3A_262 step %scan3A_263  : i32 {
          %mul3A_266 = arith.constant 32 : i32
          %mul3A_267 = arith.muli %scan3A_265, %mul3A_266 : i32
          %mul3A_268 = arith.constant 16 : i32
          %mul3A_269 = arith.muli %scan3A_194, %mul3A_268 : i32
          %add3A_270 = arith.constant 0 : i32
          %add3A_271 = arith.addi %mul3A_269, %add3A_270 : i32
          %get3A_272 = arith.index_cast %add3A_271 : i32 to index
          %get3A_273 = arith.index_cast %mul3A_267 : i32 to index
          %get3A_274 = tpu.vector_load %arg10[%get3A_272, %get3A_273] {strides = array<i32>} : memref<128x128xbf16, #tpu.memory_space<vmem>>, vector<32xbf16>,
          %mul3A_275 = arith.mulf %get3A_274, %bitcast3A : vector<32xbf16>
          %swap3A = arith.index_cast %add3A_271 : i32 to index
          %swap3A_276 = arith.index_cast %mul3A_267 : i32 to index
          %swap3A_277 = tpu.vector_load %arg12[%swap3A, %swap3A_276] {strides = array<i32>} : memref<128x128xbf16, #tpu.memory_space<vmem>>, vector<32xbf16>,
          tpu.vector_store %arg12[%swap3A, %swap3A_276], %mul3A_275 {strides = array<i32>} : memref<128x128xbf16, #tpu.memory_space<vmem>>, vector<32xbf16>,
          %mul3A_278 = arith.constant 16 : i32
          %mul3A_279 = arith.muli %scan3A_194, %mul3A_278 : i32
          %add3A_280 = arith.constant 1 : i32
          %add3A_281 = arith.addi %mul3A_279, %add3A_280 : i32
          %get3A_282 = arith.index_cast %add3A_281 : i32 to index
          %get3A_283 = arith.index_cast %mul3A_267 : i32 to index
          %get3A_284 = tpu.vector_load %arg10[%get3A_282, %get3A_283] {strides = array<i32>} : memref<128x128xbf16, #tpu.memory_space<vmem>>, vector<32xbf16>,
          %mul3A_285 = arith.mulf %get3A_284, %bitcast3A_202 : vector<32xbf16>
          %swap3A_286 = arith.index_cast %add3A_281 : i32 to index
          %swap3A_287 = arith.index_cast %mul3A_267 : i32 to index
          %swap3A_288 = tpu.vector_load %arg12[%swap3A_286, %swap3A_287] {strides = array<i32>} : memref<128x128xbf16, #tpu.memory_space<vmem>>, vector<32xbf16>,
          tpu.vector_store %arg12[%swap3A_286, %swap3A_287], %mul3A_285 {strides = array<i32>} : memref<128x128xbf16, #tpu.memory_space<vmem>>, vector<32xbf16>,
          %mul3A_289 = arith.constant 16 : i32
          %mul3A_290 = arith.muli %scan3A_194, %mul3A_289 : i32
          %add3A_291 = arith.constant 2 : i32
          %add3A_292 = arith.addi %mul3A_290, %add3A_291 : i32
          %get3A_293 = arith.index_cast %add3A_292 : i32 to index
          %get3A_294 = arith.index_cast %mul3A_267 : i32 to index
          %get3A_295 = tpu.vector_load %arg10[%get3A_293, %get3A_294] {strides = array<i32>} : memref<128x128xbf16, #tpu.memory_space<vmem>>, vector<32xbf16>,
          %mul3A_296 = arith.mulf %get3A_295, %bitcast3A_206 : vector<32xbf16>
          %swap3A_297 = arith.index_cast %add3A_292 : i32 to index
          %swap3A_298 = arith.index_cast %mul3A_267 : i32 to index
          %swap3A_299 = tpu.vector_load %arg12[%swap3A_297, %swap3A_298] {strides = array<i32>} : memref<128x128xbf16, #tpu.memory_space<vmem>>, vector<32xbf16>,
          tpu.vector_store %arg12[%swap3A_297, %swap3A_298], %mul3A_296 {strides = array<i32>} : memref<128x128xbf16, #tpu.memory_space<vmem>>, vector<32xbf16>,
          %mul3A_300 = arith.constant 16 : i32
          %mul3A_301 = arith.muli %scan3A_194, %mul3A_300 : i32
          %add3A_302 = arith.constant 3 : i32
          %add3A_303 = arith.addi %mul3A_301, %add3A_302 : i32
          %get3A_304 = arith.index_cast %add3A_303 : i32 to index
          %get3A_305 = arith.index_cast %mul3A_267 : i32 to index
          %get3A_306 = tpu.vector_load %arg10[%get3A_304, %get3A_305] {strides = array<i32>} : memref<128x128xbf16, #tpu.memory_space<vmem>>, vector<32xbf16>,
          %mul3A_307 = arith.mulf %get3A_306, %bitcast3A_210 : vector<32xbf16>
          %swap3A_308 = arith.index_cast %add3A_303 : i32 to index
          %swap3A_309 = arith.index_cast %mul3A_267 : i32 to index
          %swap3A_310 = tpu.vector_load %arg12[%swap3A_308, %swap3A_309] {strides = array<i32>} : memref<128x128xbf16, #tpu.memory_space<vmem>>, vector<32xbf16>,
          tpu.vector_store %arg12[%swap3A_308, %swap3A_309], %mul3A_307 {strides = array<i32>} : memref<128x128xbf16, #tpu.memory_space<vmem>>, vector<32xbf16>,
          %mul3A_311 = arith.constant 16 : i32
          %mul3A_312 = arith.muli %scan3A_194, %mul3A_311 : i32
          %add3A_313 = arith.constant 4 : i32
          %add3A_314 = arith.addi %mul3A_312, %add3A_313 : i32
          %get3A_315 = arith.index_cast %add3A_314 : i32 to index
          %get3A_316 = arith.index_cast %mul3A_267 : i32 to index
          %get3A_317 = tpu.vector_load %arg10[%get3A_315, %get3A_316] {strides = array<i32>} : memref<128x128xbf16, #tpu.memory_space<vmem>>, vector<32xbf16>,
          %mul3A_318 = arith.mulf %get3A_317, %bitcast3A_214 : vector<32xbf16>
          %swap3A_319 = arith.index_cast %add3A_314 : i32 to index
          %swap3A_320 = arith.index_cast %mul3A_267 : i32 to index
          %swap3A_321 = tpu.vector_load %arg12[%swap3A_319, %swap3A_320] {strides = array<i32>} : memref<128x128xbf16, #tpu.memory_space<vmem>>, vector<32xbf16>,
          tpu.vector_store %arg12[%swap3A_319, %swap3A_320], %mul3A_318 {strides = array<i32>} : memref<128x128xbf16, #tpu.memory_space<vmem>>, vector<32xbf16>,
          %mul3A_322 = arith.constant 16 : i32
          %mul3A_323 = arith.muli %scan3A_194, %mul3A_322 : i32
          %add3A_324 = arith.constant 5 : i32
          %add3A_325 = arith.addi %mul3A_323, %add3A_324 : i32
          %get3A_326 = arith.index_cast %add3A_325 : i32 to index
          %get3A_327 = arith.index_cast %mul3A_267 : i32 to index
          %get3A_328 = tpu.vector_load %arg10[%get3A_326, %get3A_327] {strides = array<i32>} : memref<128x128xbf16, #tpu.memory_space<vmem>>, vector<32xbf16>,
          %mul3A_329 = arith.mulf %get3A_328, %bitcast3A_218 : vector<32xbf16>
          %swap3A_330 = arith.index_cast %add3A_325 : i32 to index
          %swap3A_331 = arith.index_cast %mul3A_267 : i32 to index
          %swap3A_332 = tpu.vector_load %arg12[%swap3A_330, %swap3A_331] {strides = array<i32>} : memref<128x128xbf16, #tpu.memory_space<vmem>>, vector<32xbf16>,
          tpu.vector_store %arg12[%swap3A_330, %swap3A_331], %mul3A_329 {strides = array<i32>} : memref<128x128xbf16, #tpu.memory_space<vmem>>, vector<32xbf16>,
          %mul3A_333 = arith.constant 16 : i32
          %mul3A_334 = arith.muli %scan3A_194, %mul3A_333 : i32
          %add3A_335 = arith.constant 6 : i32
          %add3A_336 = arith.addi %mul3A_334, %add3A_335 : i32
          %get3A_337 = arith.index_cast %add3A_336 : i32 to index
          %get3A_338 = arith.index_cast %mul3A_267 : i32 to index
          %get3A_339 = tpu.vector_load %arg10[%get3A_337, %get3A_338] {strides = array<i32>} : memref<128x128xbf16, #tpu.memory_space<vmem>>, vector<32xbf16>,
          %mul3A_340 = arith.mulf %get3A_339, %bitcast3A_222 : vector<32xbf16>
          %swap3A_341 = arith.index_cast %add3A_336 : i32 to index
          %swap3A_342 = arith.index_cast %mul3A_267 : i32 to index
          %swap3A_343 = tpu.vector_load %arg12[%swap3A_341, %swap3A_342] {strides = array<i32>} : memref<128x128xbf16, #tpu.memory_space<vmem>>, vector<32xbf16>,
          tpu.vector_store %arg12[%swap3A_341, %swap3A_342], %mul3A_340 {strides = array<i32>} : memref<128x128xbf16, #tpu.memory_space<vmem>>, vector<32xbf16>,
          %mul3A_344 = arith.constant 16 : i32
          %mul3A_345 = arith.muli %scan3A_194, %mul3A_344 : i32
          %add3A_346 = arith.constant 7 : i32
          %add3A_347 = arith.addi %mul3A_345, %add3A_346 : i32
          %get3A_348 = arith.index_cast %add3A_347 : i32 to index
          %get3A_349 = arith.index_cast %mul3A_267 : i32 to index
          %get3A_350 = tpu.vector_load %arg10[%get3A_348, %get3A_349] {strides = array<i32>} : memref<128x128xbf16, #tpu.memory_space<vmem>>, vector<32xbf16>,
          %mul3A_351 = arith.mulf %get3A_350, %bitcast3A_226 : vector<32xbf16>
          %swap3A_352 = arith.index_cast %add3A_347 : i32 to index
          %swap3A_353 = arith.index_cast %mul3A_267 : i32 to index
          %swap3A_354 = tpu.vector_load %arg12[%swap3A_352, %swap3A_353] {strides = array<i32>} : memref<128x128xbf16, #tpu.memory_space<vmem>>, vector<32xbf16>,
          tpu.vector_store %arg12[%swap3A_352, %swap3A_353], %mul3A_351 {strides = array<i32>} : memref<128x128xbf16, #tpu.memory_space<vmem>>, vector<32xbf16>,
          %mul3A_355 = arith.constant 16 : i32
          %mul3A_356 = arith.muli %scan3A_194, %mul3A_355 : i32
          %add3A_357 = arith.constant 8 : i32
          %add3A_358 = arith.addi %mul3A_356, %add3A_357 : i32
          %get3A_359 = arith.index_cast %add3A_358 : i32 to index
          %get3A_360 = arith.index_cast %mul3A_267 : i32 to index
          %get3A_361 = tpu.vector_load %arg10[%get3A_359, %get3A_360] {strides = array<i32>} : memref<128x128xbf16, #tpu.memory_space<vmem>>, vector<32xbf16>,
          %mul3A_362 = arith.mulf %get3A_361, %bitcast3A_230 : vector<32xbf16>
          %swap3A_363 = arith.index_cast %add3A_358 : i32 to index
          %swap3A_364 = arith.index_cast %mul3A_267 : i32 to index
          %swap3A_365 = tpu.vector_load %arg12[%swap3A_363, %swap3A_364] {strides = array<i32>} : memref<128x128xbf16, #tpu.memory_space<vmem>>, vector<32xbf16>,
          tpu.vector_store %arg12[%swap3A_363, %swap3A_364], %mul3A_362 {strides = array<i32>} : memref<128x128xbf16, #tpu.memory_space<vmem>>, vector<32xbf16>,
          %mul3A_366 = arith.constant 16 : i32
          %mul3A_367 = arith.muli %scan3A_194, %mul3A_366 : i32
          %add3A_368 = arith.constant 9 : i32
          %add3A_369 = arith.addi %mul3A_367, %add3A_368 : i32
          %get3A_370 = arith.index_cast %add3A_369 : i32 to index
          %get3A_371 = arith.index_cast %mul3A_267 : i32 to index
          %get3A_372 = tpu.vector_load %arg10[%get3A_370, %get3A_371] {strides = array<i32>} : memref<128x128xbf16, #tpu.memory_space<vmem>>, vector<32xbf16>,
          %mul3A_373 = arith.mulf %get3A_372, %bitcast3A_234 : vector<32xbf16>
          %swap3A_374 = arith.index_cast %add3A_369 : i32 to index
          %swap3A_375 = arith.index_cast %mul3A_267 : i32 to index
          %swap3A_376 = tpu.vector_load %arg12[%swap3A_374, %swap3A_375] {strides = array<i32>} : memref<128x128xbf16, #tpu.memory_space<vmem>>, vector<32xbf16>,
          tpu.vector_store %arg12[%swap3A_374, %swap3A_375], %mul3A_373 {strides = array<i32>} : memref<128x128xbf16, #tpu.memory_space<vmem>>, vector<32xbf16>,
          %mul3A_377 = arith.constant 16 : i32
          %mul3A_378 = arith.muli %scan3A_194, %mul3A_377 : i32
          %add3A_379 = arith.constant 10 : i32
          %add3A_380 = arith.addi %mul3A_378, %add3A_379 : i32
          %get3A_381 = arith.index_cast %add3A_380 : i32 to index
          %get3A_382 = arith.index_cast %mul3A_267 : i32 to index
          %get3A_383 = tpu.vector_load %arg10[%get3A_381, %get3A_382] {strides = array<i32>} : memref<128x128xbf16, #tpu.memory_space<vmem>>, vector<32xbf16>,
          %mul3A_384 = arith.mulf %get3A_383, %bitcast3A_238 : vector<32xbf16>
          %swap3A_385 = arith.index_cast %add3A_380 : i32 to index
          %swap3A_386 = arith.index_cast %mul3A_267 : i32 to index
          %swap3A_387 = tpu.vector_load %arg12[%swap3A_385, %swap3A_386] {strides = array<i32>} : memref<128x128xbf16, #tpu.memory_space<vmem>>, vector<32xbf16>,
          tpu.vector_store %arg12[%swap3A_385, %swap3A_386], %mul3A_384 {strides = array<i32>} : memref<128x128xbf16, #tpu.memory_space<vmem>>, vector<32xbf16>,
          %mul3A_388 = arith.constant 16 : i32
          %mul3A_389 = arith.muli %scan3A_194, %mul3A_388 : i32
          %add3A_390 = arith.constant 11 : i32
          %add3A_391 = arith.addi %mul3A_389, %add3A_390 : i32
          %get3A_392 = arith.index_cast %add3A_391 : i32 to index
          %get3A_393 = arith.index_cast %mul3A_267 : i32 to index
          %get3A_394 = tpu.vector_load %arg10[%get3A_392, %get3A_393] {strides = array<i32>} : memref<128x128xbf16, #tpu.memory_space<vmem>>, vector<32xbf16>,
          %mul3A_395 = arith.mulf %get3A_394, %bitcast3A_242 : vector<32xbf16>
          %swap3A_396 = arith.index_cast %add3A_391 : i32 to index
          %swap3A_397 = arith.index_cast %mul3A_267 : i32 to index
          %swap3A_398 = tpu.vector_load %arg12[%swap3A_396, %swap3A_397] {strides = array<i32>} : memref<128x128xbf16, #tpu.memory_space<vmem>>, vector<32xbf16>,
          tpu.vector_store %arg12[%swap3A_396, %swap3A_397], %mul3A_395 {strides = array<i32>} : memref<128x128xbf16, #tpu.memory_space<vmem>>, vector<32xbf16>,
          %mul3A_399 = arith.constant 16 : i32
          %mul3A_400 = arith.muli %scan3A_194, %mul3A_399 : i32
          %add3A_401 = arith.constant 12 : i32
          %add3A_402 = arith.addi %mul3A_400, %add3A_401 : i32
          %get3A_403 = arith.index_cast %add3A_402 : i32 to index
          %get3A_404 = arith.index_cast %mul3A_267 : i32 to index
          %get3A_405 = tpu.vector_load %arg10[%get3A_403, %get3A_404] {strides = array<i32>} : memref<128x128xbf16, #tpu.memory_space<vmem>>, vector<32xbf16>,
          %mul3A_406 = arith.mulf %get3A_405, %bitcast3A_246 : vector<32xbf16>
          %swap3A_407 = arith.index_cast %add3A_402 : i32 to index
          %swap3A_408 = arith.index_cast %mul3A_267 : i32 to index
          %swap3A_409 = tpu.vector_load %arg12[%swap3A_407, %swap3A_408] {strides = array<i32>} : memref<128x128xbf16, #tpu.memory_space<vmem>>, vector<32xbf16>,
          tpu.vector_store %arg12[%swap3A_407, %swap3A_408], %mul3A_406 {strides = array<i32>} : memref<128x128xbf16, #tpu.memory_space<vmem>>, vector<32xbf16>,
          %mul3A_410 = arith.constant 16 : i32
          %mul3A_411 = arith.muli %scan3A_194, %mul3A_410 : i32
          %add3A_412 = arith.constant 13 : i32
          %add3A_413 = arith.addi %mul3A_411, %add3A_412 : i32
          %get3A_414 = arith.index_cast %add3A_413 : i32 to index
          %get3A_415 = arith.index_cast %mul3A_267 : i32 to index
          %get3A_416 = tpu.vector_load %arg10[%get3A_414, %get3A_415] {strides = array<i32>} : memref<128x128xbf16, #tpu.memory_space<vmem>>, vector<32xbf16>,
          %mul3A_417 = arith.mulf %get3A_416, %bitcast3A_250 : vector<32xbf16>
          %swap3A_418 = arith.index_cast %add3A_413 : i32 to index
          %swap3A_419 = arith.index_cast %mul3A_267 : i32 to index
          %swap3A_420 = tpu.vector_load %arg12[%swap3A_418, %swap3A_419] {strides = array<i32>} : memref<128x128xbf16, #tpu.memory_space<vmem>>, vector<32xbf16>,
          tpu.vector_store %arg12[%swap3A_418, %swap3A_419], %mul3A_417 {strides = array<i32>} : memref<128x128xbf16, #tpu.memory_space<vmem>>, vector<32xbf16>,
          %mul3A_421 = arith.constant 16 : i32
          %mul3A_422 = arith.muli %scan3A_194, %mul3A_421 : i32
          %add3A_423 = arith.constant 14 : i32
          %add3A_424 = arith.addi %mul3A_422, %add3A_423 : i32
          %get3A_425 = arith.index_cast %add3A_424 : i32 to index
          %get3A_426 = arith.index_cast %mul3A_267 : i32 to index
          %get3A_427 = tpu.vector_load %arg10[%get3A_425, %get3A_426] {strides = array<i32>} : memref<128x128xbf16, #tpu.memory_space<vmem>>, vector<32xbf16>,
          %mul3A_428 = arith.mulf %get3A_427, %bitcast3A_254 : vector<32xbf16>
          %swap3A_429 = arith.index_cast %add3A_424 : i32 to index
          %swap3A_430 = arith.index_cast %mul3A_267 : i32 to index
          %swap3A_431 = tpu.vector_load %arg12[%swap3A_429, %swap3A_430] {strides = array<i32>} : memref<128x128xbf16, #tpu.memory_space<vmem>>, vector<32xbf16>,
          tpu.vector_store %arg12[%swap3A_429, %swap3A_430], %mul3A_428 {strides = array<i32>} : memref<128x128xbf16, #tpu.memory_space<vmem>>, vector<32xbf16>,
          %mul3A_432 = arith.constant 16 : i32
          %mul3A_433 = arith.muli %scan3A_194, %mul3A_432 : i32
          %add3A_434 = arith.constant 15 : i32
          %add3A_435 = arith.addi %mul3A_433, %add3A_434 : i32
          %get3A_436 = arith.index_cast %add3A_435 : i32 to index
          %get3A_437 = arith.index_cast %mul3A_267 : i32 to index
          %get3A_438 = tpu.vector_load %arg10[%get3A_436, %get3A_437] {strides = array<i32>} : memref<128x128xbf16, #tpu.memory_space<vmem>>, vector<32xbf16>,
          %mul3A_439 = arith.mulf %get3A_438, %bitcast3A_258 : vector<32xbf16>
          %swap3A_440 = arith.index_cast %add3A_435 : i32 to index
          %swap3A_441 = arith.index_cast %mul3A_267 : i32 to index
          %swap3A_442 = tpu.vector_load %arg12[%swap3A_440, %swap3A_441] {strides = array<i32>} : memref<128x128xbf16, #tpu.memory_space<vmem>>, vector<32xbf16>,
          tpu.vector_store %arg12[%swap3A_440, %swap3A_441], %mul3A_439 {strides = array<i32>} : memref<128x128xbf16, #tpu.memory_space<vmem>>, vector<32xbf16>,
        }
        %scan3A_264 = arith.constant 4 : i32
      }
      %scan3A_144 = arith.constant 8 : i32
      %dma_start3A_145 = arith.constant 0 : i32
      %dma_start3A_146 = tpu.memref_slice %arg8[%add3A_127, %dma_start3A_145] : memref<40x128xi32, #tpu.memory_space<vmem>> -> memref<1x128xi32, #tpu.memory_space<vmem>>
      %dma_start3A_147 = tpu.memref_squeeze %dma_start3A_146 : memref<1x128xi32, #tpu.memory_space<vmem>> -> memref<128xi32, #tpu.memory_space<vmem>>
      %dma_start3A_148 = arith.constant 0 : i32
      %dma_start3A_149 = arith.constant 0 : i32
      %dma_start3A_150 = tpu.memref_slice %arg15[%dma_start3A_148, %dma_start3A_149] : memref<10240x128xbf16, #tpu.memory_space<vmem_shared>> -> memref<10240x128xbf16, #tpu.memory_space<vmem_shared>>
      tpu.enqueue_indirect_dma source(%arg12 : memref<128x128xbf16, #tpu.memory_space<vmem>>) target(%dma_start3A_150 : memref<10240x128xbf16, #tpu.memory_space<vmem_shared>>) offsets(%dma_start3A_147 : memref<128xi32, #tpu.memory_space<vmem>>) semaphore(%arg18 : memref<!tpu.dma_semaphore, #tpu.memory_space<semaphore_mem>>) {add = true}
      %dma_start3A_151 = arith.constant 0 : i32
      %dma_start3A_152 = tpu.memref_slice %arg7[%min3A_130, %dma_start3A_151] : memref<40x128xi32, #tpu.memory_space<vmem>> -> memref<1x128xi32, #tpu.memory_space<vmem>>
      %dma_start3A_153 = tpu.memref_squeeze %dma_start3A_152 : memref<1x128xi32, #tpu.memory_space<vmem>> -> memref<128xi32, #tpu.memory_space<vmem>>
      %dma_start3A_154 = arith.constant 0 : i32
      %dma_start3A_155 = arith.constant 0 : i32
      %dma_start3A_156 = tpu.memref_slice %arg14[%dma_start3A_154, %dma_start3A_155] : memref<10240x128xbf16, #tpu.memory_space<vmem_shared>> -> memref<10240x128xbf16, #tpu.memory_space<vmem_shared>>
      tpu.enqueue_indirect_dma source(%dma_start3A_156 : memref<10240x128xbf16, #tpu.memory_space<vmem_shared>>) target(%arg10 : memref<128x128xbf16, #tpu.memory_space<vmem>>) offsets(%dma_start3A_153 : memref<128xi32, #tpu.memory_space<vmem>>) semaphore(%arg16 : memref<!tpu.dma_semaphore, #tpu.memory_space<semaphore_mem>>)
      %mul3A_157 = arith.constant 2 : i32
      %mul3A_158 = arith.muli %mul3A_157, %scan3A_123 : i32
      %add3A_159 = arith.constant 1 : i32
      %add3A_160 = arith.addi %mul3A_158, %add3A_159 : i32
      %add3A_161 = arith.constant 2 : i32
      %add3A_162 = arith.addi %add3A_160, %add3A_161 : i32
      %min3A_163 = arith.constant 39 : i32
      %min3A_164 = arith.minsi %add3A_162, %min3A_163 : i32
      %dma_wait3A_165 = arith.constant 0 : i32
      %dma_wait3A_166 = tpu.memref_slice %arg7[%add3A_160, %dma_wait3A_165] : memref<40x128xi32, #tpu.memory_space<vmem>> -> memref<1x128xi32, #tpu.memory_space<vmem>>
      %dma_wait3A_167 = tpu.memref_squeeze %dma_wait3A_166 : memref<1x128xi32, #tpu.memory_space<vmem>> -> memref<128xi32, #tpu.memory_space<vmem>>
      %dma_wait3A_168 = arith.constant 0 : i32
      %dma_wait3A_169 = arith.constant 0 : i32
      %dma_wait3A_170 = tpu.memref_slice %arg14[%dma_wait3A_168, %dma_wait3A_169] : memref<10240x128xbf16, #tpu.memory_space<vmem_shared>> -> memref<10240x128xbf16, #tpu.memory_space<vmem_shared>>
      tpu.wait_indirect_dma semaphore(%arg17 : memref<!tpu.dma_semaphore, #tpu.memory_space<semaphore_mem>>) src(%dma_wait3A_170 : memref<10240x128xbf16, #tpu.memory_space<vmem_shared>>) dst(%arg11 : memref<128x128xbf16, #tpu.memory_space<vmem>>)
      %ge3A_171 = arith.constant 2 : i32
      %ge3A_172 = arith.cmpi sge, %add3A_160, %ge3A_171 : i32
      %convert_element_type3A_173 = arith.extui %ge3A_172 : i1 to i32
      %cond3A_174 = arith.constant 0 : i32
      %cond3A_175 = arith.cmpi ne, %convert_element_type3A_173, %cond3A_174 : i32
      scf.if %cond3A_175 {
        %dma_wait3A_194 = arith.constant 0 : i32
        %dma_wait3A_195 = tpu.memref_slice %arg8[%add3A_160, %dma_wait3A_194] : memref<40x128xi32, #tpu.memory_space<vmem>> -> memref<1x128xi32, #tpu.memory_space<vmem>>
        %dma_wait3A_196 = tpu.memref_squeeze %dma_wait3A_195 : memref<1x128xi32, #tpu.memory_space<vmem>> -> memref<128xi32, #tpu.memory_space<vmem>>
        %dma_wait3A_197 = arith.constant 0 : i32
        %dma_wait3A_198 = arith.constant 0 : i32
        %dma_wait3A_199 = tpu.memref_slice %arg15[%dma_wait3A_197, %dma_wait3A_198] : memref<10240x128xbf16, #tpu.memory_space<vmem_shared>> -> memref<10240x128xbf16, #tpu.memory_space<vmem_shared>>
        tpu.wait_indirect_dma semaphore(%arg19 : memref<!tpu.dma_semaphore, #tpu.memory_space<semaphore_mem>>) src(%arg13 : memref<128x128xbf16, #tpu.memory_space<vmem>>) dst(%dma_wait3A_199 : memref<10240x128xbf16, #tpu.memory_space<vmem_shared>>)
      } else {
      }
      %scan3A_176 = arith.constant 0 : i32
      %scan3A_177 = arith.constant 0 : i32
      %scan3A_178 = arith.constant 8 : i32
      %scan3A_179 = arith.addi %scan3A_177, %scan3A_178 : i32
      %scan3A_180 = arith.constant 1 : i32
      scf.for %scan3A_194 = %scan3A_177 to %scan3A_179 step %scan3A_180  : i32 {
        %mul3A_195 = arith.constant 16 : i32
        %mul3A_196 = arith.muli %scan3A_194, %mul3A_195 : i32
        %get3A = arith.index_cast %add3A_160 : i32 to index
        %get3A_197 = arith.index_cast %mul3A_196 : i32 to index
        %get3A_198 = tpu.vector_load %arg9[%get3A, %get3A_197] {strides = array<i32>} : memref<40x128xi32, #tpu.memory_space<vmem>>, vector<16xi32>,
        %slice3A = vector.extract_strided_slice %get3A_198 {offsets = [0], sizes = [1], strides = [1]} : vector<16xi32> to vector<1xi32>
        %squeeze3A = vector.extract %slice3A[0] : i32 from vector<1xi32>
        %broadcast_in_dim3A = vector.broadcast %squeeze3A : i32 to vector<16xi32>
        %bitcast3A = vector.bitcast %broadcast_in_dim3A : vector<16xi32> to vector<32xbf16>
        %slice3A_199 = vector.extract_strided_slice %get3A_198 {offsets = [1], sizes = [1], strides = [1]} : vector<16xi32> to vector<1xi32>
        %squeeze3A_200 = vector.extract %slice3A_199[0] : i32 from vector<1xi32>
        %broadcast_in_dim3A_201 = vector.broadcast %squeeze3A_200 : i32 to vector<16xi32>
        %bitcast3A_202 = vector.bitcast %broadcast_in_dim3A_201 : vector<16xi32> to vector<32xbf16>
        %slice3A_203 = vector.extract_strided_slice %get3A_198 {offsets = [2], sizes = [1], strides = [1]} : vector<16xi32> to vector<1xi32>
        %squeeze3A_204 = vector.extract %slice3A_203[0] : i32 from vector<1xi32>
        %broadcast_in_dim3A_205 = vector.broadcast %squeeze3A_204 : i32 to vector<16xi32>
        %bitcast3A_206 = vector.bitcast %broadcast_in_dim3A_205 : vector<16xi32> to vector<32xbf16>
        %slice3A_207 = vector.extract_strided_slice %get3A_198 {offsets = [3], sizes = [1], strides = [1]} : vector<16xi32> to vector<1xi32>
        %squeeze3A_208 = vector.extract %slice3A_207[0] : i32 from vector<1xi32>
        %broadcast_in_dim3A_209 = vector.broadcast %squeeze3A_208 : i32 to vector<16xi32>
        %bitcast3A_210 = vector.bitcast %broadcast_in_dim3A_209 : vector<16xi32> to vector<32xbf16>
        %slice3A_211 = vector.extract_strided_slice %get3A_198 {offsets = [4], sizes = [1], strides = [1]} : vector<16xi32> to vector<1xi32>
        %squeeze3A_212 = vector.extract %slice3A_211[0] : i32 from vector<1xi32>
        %broadcast_in_dim3A_213 = vector.broadcast %squeeze3A_212 : i32 to vector<16xi32>
        %bitcast3A_214 = vector.bitcast %broadcast_in_dim3A_213 : vector<16xi32> to vector<32xbf16>
        %slice3A_215 = vector.extract_strided_slice %get3A_198 {offsets = [5], sizes = [1], strides = [1]} : vector<16xi32> to vector<1xi32>
        %squeeze3A_216 = vector.extract %slice3A_215[0] : i32 from vector<1xi32>
        %broadcast_in_dim3A_217 = vector.broadcast %squeeze3A_216 : i32 to vector<16xi32>
        %bitcast3A_218 = vector.bitcast %broadcast_in_dim3A_217 : vector<16xi32> to vector<32xbf16>
        %slice3A_219 = vector.extract_strided_slice %get3A_198 {offsets = [6], sizes = [1], strides = [1]} : vector<16xi32> to vector<1xi32>
        %squeeze3A_220 = vector.extract %slice3A_219[0] : i32 from vector<1xi32>
        %broadcast_in_dim3A_221 = vector.broadcast %squeeze3A_220 : i32 to vector<16xi32>
        %bitcast3A_222 = vector.bitcast %broadcast_in_dim3A_221 : vector<16xi32> to vector<32xbf16>
        %slice3A_223 = vector.extract_strided_slice %get3A_198 {offsets = [7], sizes = [1], strides = [1]} : vector<16xi32> to vector<1xi32>
        %squeeze3A_224 = vector.extract %slice3A_223[0] : i32 from vector<1xi32>
        %broadcast_in_dim3A_225 = vector.broadcast %squeeze3A_224 : i32 to vector<16xi32>
        %bitcast3A_226 = vector.bitcast %broadcast_in_dim3A_225 : vector<16xi32> to vector<32xbf16>
        %slice3A_227 = vector.extract_strided_slice %get3A_198 {offsets = [8], sizes = [1], strides = [1]} : vector<16xi32> to vector<1xi32>
        %squeeze3A_228 = vector.extract %slice3A_227[0] : i32 from vector<1xi32>
        %broadcast_in_dim3A_229 = vector.broadcast %squeeze3A_228 : i32 to vector<16xi32>
        %bitcast3A_230 = vector.bitcast %broadcast_in_dim3A_229 : vector<16xi32> to vector<32xbf16>
        %slice3A_231 = vector.extract_strided_slice %get3A_198 {offsets = [9], sizes = [1], strides = [1]} : vector<16xi32> to vector<1xi32>
        %squeeze3A_232 = vector.extract %slice3A_231[0] : i32 from vector<1xi32>
        %broadcast_in_dim3A_233 = vector.broadcast %squeeze3A_232 : i32 to vector<16xi32>
        %bitcast3A_234 = vector.bitcast %broadcast_in_dim3A_233 : vector<16xi32> to vector<32xbf16>
        %slice3A_235 = vector.extract_strided_slice %get3A_198 {offsets = [10], sizes = [1], strides = [1]} : vector<16xi32> to vector<1xi32>
        %squeeze3A_236 = vector.extract %slice3A_235[0] : i32 from vector<1xi32>
        %broadcast_in_dim3A_237 = vector.broadcast %squeeze3A_236 : i32 to vector<16xi32>
        %bitcast3A_238 = vector.bitcast %broadcast_in_dim3A_237 : vector<16xi32> to vector<32xbf16>
        %slice3A_239 = vector.extract_strided_slice %get3A_198 {offsets = [11], sizes = [1], strides = [1]} : vector<16xi32> to vector<1xi32>
        %squeeze3A_240 = vector.extract %slice3A_239[0] : i32 from vector<1xi32>
        %broadcast_in_dim3A_241 = vector.broadcast %squeeze3A_240 : i32 to vector<16xi32>
        %bitcast3A_242 = vector.bitcast %broadcast_in_dim3A_241 : vector<16xi32> to vector<32xbf16>
        %slice3A_243 = vector.extract_strided_slice %get3A_198 {offsets = [12], sizes = [1], strides = [1]} : vector<16xi32> to vector<1xi32>
        %squeeze3A_244 = vector.extract %slice3A_243[0] : i32 from vector<1xi32>
        %broadcast_in_dim3A_245 = vector.broadcast %squeeze3A_244 : i32 to vector<16xi32>
        %bitcast3A_246 = vector.bitcast %broadcast_in_dim3A_245 : vector<16xi32> to vector<32xbf16>
        %slice3A_247 = vector.extract_strided_slice %get3A_198 {offsets = [13], sizes = [1], strides = [1]} : vector<16xi32> to vector<1xi32>
        %squeeze3A_248 = vector.extract %slice3A_247[0] : i32 from vector<1xi32>
        %broadcast_in_dim3A_249 = vector.broadcast %squeeze3A_248 : i32 to vector<16xi32>
        %bitcast3A_250 = vector.bitcast %broadcast_in_dim3A_249 : vector<16xi32> to vector<32xbf16>
        %slice3A_251 = vector.extract_strided_slice %get3A_198 {offsets = [14], sizes = [1], strides = [1]} : vector<16xi32> to vector<1xi32>
        %squeeze3A_252 = vector.extract %slice3A_251[0] : i32 from vector<1xi32>
        %broadcast_in_dim3A_253 = vector.broadcast %squeeze3A_252 : i32 to vector<16xi32>
        %bitcast3A_254 = vector.bitcast %broadcast_in_dim3A_253 : vector<16xi32> to vector<32xbf16>
        %slice3A_255 = vector.extract_strided_slice %get3A_198 {offsets = [15], sizes = [1], strides = [1]} : vector<16xi32> to vector<1xi32>
        %squeeze3A_256 = vector.extract %slice3A_255[0] : i32 from vector<1xi32>
        %broadcast_in_dim3A_257 = vector.broadcast %squeeze3A_256 : i32 to vector<16xi32>
        %bitcast3A_258 = vector.bitcast %broadcast_in_dim3A_257 : vector<16xi32> to vector<32xbf16>
        %scan3A_259 = arith.constant 0 : i32
        %scan3A_260 = arith.constant 0 : i32
        %scan3A_261 = arith.constant 4 : i32
        %scan3A_262 = arith.addi %scan3A_260, %scan3A_261 : i32
        %scan3A_263 = arith.constant 1 : i32
        scf.for %scan3A_265 = %scan3A_260 to %scan3A_262 step %scan3A_263  : i32 {
          %mul3A_266 = arith.constant 32 : i32
          %mul3A_267 = arith.muli %scan3A_265, %mul3A_266 : i32
          %mul3A_268 = arith.constant 16 : i32
          %mul3A_269 = arith.muli %scan3A_194, %mul3A_268 : i32
          %add3A_270 = arith.constant 0 : i32
          %add3A_271 = arith.addi %mul3A_269, %add3A_270 : i32
          %get3A_272 = arith.index_cast %add3A_271 : i32 to index
          %get3A_273 = arith.index_cast %mul3A_267 : i32 to index
          %get3A_274 = tpu.vector_load %arg11[%get3A_272, %get3A_273] {strides = array<i32>} : memref<128x128xbf16, #tpu.memory_space<vmem>>, vector<32xbf16>,
          %mul3A_275 = arith.mulf %get3A_274, %bitcast3A : vector<32xbf16>
          %swap3A = arith.index_cast %add3A_271 : i32 to index
          %swap3A_276 = arith.index_cast %mul3A_267 : i32 to index
          %swap3A_277 = tpu.vector_load %arg13[%swap3A, %swap3A_276] {strides = array<i32>} : memref<128x128xbf16, #tpu.memory_space<vmem>>, vector<32xbf16>,
          tpu.vector_store %arg13[%swap3A, %swap3A_276], %mul3A_275 {strides = array<i32>} : memref<128x128xbf16, #tpu.memory_space<vmem>>, vector<32xbf16>,
          %mul3A_278 = arith.constant 16 : i32
          %mul3A_279 = arith.muli %scan3A_194, %mul3A_278 : i32
          %add3A_280 = arith.constant 1 : i32
          %add3A_281 = arith.addi %mul3A_279, %add3A_280 : i32
          %get3A_282 = arith.index_cast %add3A_281 : i32 to index
          %get3A_283 = arith.index_cast %mul3A_267 : i32 to index
          %get3A_284 = tpu.vector_load %arg11[%get3A_282, %get3A_283] {strides = array<i32>} : memref<128x128xbf16, #tpu.memory_space<vmem>>, vector<32xbf16>,
          %mul3A_285 = arith.mulf %get3A_284, %bitcast3A_202 : vector<32xbf16>
          %swap3A_286 = arith.index_cast %add3A_281 : i32 to index
          %swap3A_287 = arith.index_cast %mul3A_267 : i32 to index
          %swap3A_288 = tpu.vector_load %arg13[%swap3A_286, %swap3A_287] {strides = array<i32>} : memref<128x128xbf16, #tpu.memory_space<vmem>>, vector<32xbf16>,
          tpu.vector_store %arg13[%swap3A_286, %swap3A_287], %mul3A_285 {strides = array<i32>} : memref<128x128xbf16, #tpu.memory_space<vmem>>, vector<32xbf16>,
          %mul3A_289 = arith.constant 16 : i32
          %mul3A_290 = arith.muli %scan3A_194, %mul3A_289 : i32
          %add3A_291 = arith.constant 2 : i32
          %add3A_292 = arith.addi %mul3A_290, %add3A_291 : i32
          %get3A_293 = arith.index_cast %add3A_292 : i32 to index
          %get3A_294 = arith.index_cast %mul3A_267 : i32 to index
          %get3A_295 = tpu.vector_load %arg11[%get3A_293, %get3A_294] {strides = array<i32>} : memref<128x128xbf16, #tpu.memory_space<vmem>>, vector<32xbf16>,
          %mul3A_296 = arith.mulf %get3A_295, %bitcast3A_206 : vector<32xbf16>
          %swap3A_297 = arith.index_cast %add3A_292 : i32 to index
          %swap3A_298 = arith.index_cast %mul3A_267 : i32 to index
          %swap3A_299 = tpu.vector_load %arg13[%swap3A_297, %swap3A_298] {strides = array<i32>} : memref<128x128xbf16, #tpu.memory_space<vmem>>, vector<32xbf16>,
          tpu.vector_store %arg13[%swap3A_297, %swap3A_298], %mul3A_296 {strides = array<i32>} : memref<128x128xbf16, #tpu.memory_space<vmem>>, vector<32xbf16>,
          %mul3A_300 = arith.constant 16 : i32
          %mul3A_301 = arith.muli %scan3A_194, %mul3A_300 : i32
          %add3A_302 = arith.constant 3 : i32
          %add3A_303 = arith.addi %mul3A_301, %add3A_302 : i32
          %get3A_304 = arith.index_cast %add3A_303 : i32 to index
          %get3A_305 = arith.index_cast %mul3A_267 : i32 to index
          %get3A_306 = tpu.vector_load %arg11[%get3A_304, %get3A_305] {strides = array<i32>} : memref<128x128xbf16, #tpu.memory_space<vmem>>, vector<32xbf16>,
          %mul3A_307 = arith.mulf %get3A_306, %bitcast3A_210 : vector<32xbf16>
          %swap3A_308 = arith.index_cast %add3A_303 : i32 to index
          %swap3A_309 = arith.index_cast %mul3A_267 : i32 to index
          %swap3A_310 = tpu.vector_load %arg13[%swap3A_308, %swap3A_309] {strides = array<i32>} : memref<128x128xbf16, #tpu.memory_space<vmem>>, vector<32xbf16>,
          tpu.vector_store %arg13[%swap3A_308, %swap3A_309], %mul3A_307 {strides = array<i32>} : memref<128x128xbf16, #tpu.memory_space<vmem>>, vector<32xbf16>,
          %mul3A_311 = arith.constant 16 : i32
          %mul3A_312 = arith.muli %scan3A_194, %mul3A_311 : i32
          %add3A_313 = arith.constant 4 : i32
          %add3A_314 = arith.addi %mul3A_312, %add3A_313 : i32
          %get3A_315 = arith.index_cast %add3A_314 : i32 to index
          %get3A_316 = arith.index_cast %mul3A_267 : i32 to index
          %get3A_317 = tpu.vector_load %arg11[%get3A_315, %get3A_316] {strides = array<i32>} : memref<128x128xbf16, #tpu.memory_space<vmem>>, vector<32xbf16>,
          %mul3A_318 = arith.mulf %get3A_317, %bitcast3A_214 : vector<32xbf16>
          %swap3A_319 = arith.index_cast %add3A_314 : i32 to index
          %swap3A_320 = arith.index_cast %mul3A_267 : i32 to index
          %swap3A_321 = tpu.vector_load %arg13[%swap3A_319, %swap3A_320] {strides = array<i32>} : memref<128x128xbf16, #tpu.memory_space<vmem>>, vector<32xbf16>,
          tpu.vector_store %arg13[%swap3A_319, %swap3A_320], %mul3A_318 {strides = array<i32>} : memref<128x128xbf16, #tpu.memory_space<vmem>>, vector<32xbf16>,
          %mul3A_322 = arith.constant 16 : i32
          %mul3A_323 = arith.muli %scan3A_194, %mul3A_322 : i32
          %add3A_324 = arith.constant 5 : i32
          %add3A_325 = arith.addi %mul3A_323, %add3A_324 : i32
          %get3A_326 = arith.index_cast %add3A_325 : i32 to index
          %get3A_327 = arith.index_cast %mul3A_267 : i32 to index
          %get3A_328 = tpu.vector_load %arg11[%get3A_326, %get3A_327] {strides = array<i32>} : memref<128x128xbf16, #tpu.memory_space<vmem>>, vector<32xbf16>,
          %mul3A_329 = arith.mulf %get3A_328, %bitcast3A_218 : vector<32xbf16>
          %swap3A_330 = arith.index_cast %add3A_325 : i32 to index
          %swap3A_331 = arith.index_cast %mul3A_267 : i32 to index
          %swap3A_332 = tpu.vector_load %arg13[%swap3A_330, %swap3A_331] {strides = array<i32>} : memref<128x128xbf16, #tpu.memory_space<vmem>>, vector<32xbf16>,
          tpu.vector_store %arg13[%swap3A_330, %swap3A_331], %mul3A_329 {strides = array<i32>} : memref<128x128xbf16, #tpu.memory_space<vmem>>, vector<32xbf16>,
          %mul3A_333 = arith.constant 16 : i32
          %mul3A_334 = arith.muli %scan3A_194, %mul3A_333 : i32
          %add3A_335 = arith.constant 6 : i32
          %add3A_336 = arith.addi %mul3A_334, %add3A_335 : i32
          %get3A_337 = arith.index_cast %add3A_336 : i32 to index
          %get3A_338 = arith.index_cast %mul3A_267 : i32 to index
          %get3A_339 = tpu.vector_load %arg11[%get3A_337, %get3A_338] {strides = array<i32>} : memref<128x128xbf16, #tpu.memory_space<vmem>>, vector<32xbf16>,
          %mul3A_340 = arith.mulf %get3A_339, %bitcast3A_222 : vector<32xbf16>
          %swap3A_341 = arith.index_cast %add3A_336 : i32 to index
          %swap3A_342 = arith.index_cast %mul3A_267 : i32 to index
          %swap3A_343 = tpu.vector_load %arg13[%swap3A_341, %swap3A_342] {strides = array<i32>} : memref<128x128xbf16, #tpu.memory_space<vmem>>, vector<32xbf16>,
          tpu.vector_store %arg13[%swap3A_341, %swap3A_342], %mul3A_340 {strides = array<i32>} : memref<128x128xbf16, #tpu.memory_space<vmem>>, vector<32xbf16>,
          %mul3A_344 = arith.constant 16 : i32
          %mul3A_345 = arith.muli %scan3A_194, %mul3A_344 : i32
          %add3A_346 = arith.constant 7 : i32
          %add3A_347 = arith.addi %mul3A_345, %add3A_346 : i32
          %get3A_348 = arith.index_cast %add3A_347 : i32 to index
          %get3A_349 = arith.index_cast %mul3A_267 : i32 to index
          %get3A_350 = tpu.vector_load %arg11[%get3A_348, %get3A_349] {strides = array<i32>} : memref<128x128xbf16, #tpu.memory_space<vmem>>, vector<32xbf16>,
          %mul3A_351 = arith.mulf %get3A_350, %bitcast3A_226 : vector<32xbf16>
          %swap3A_352 = arith.index_cast %add3A_347 : i32 to index
          %swap3A_353 = arith.index_cast %mul3A_267 : i32 to index
          %swap3A_354 = tpu.vector_load %arg13[%swap3A_352, %swap3A_353] {strides = array<i32>} : memref<128x128xbf16, #tpu.memory_space<vmem>>, vector<32xbf16>,
          tpu.vector_store %arg13[%swap3A_352, %swap3A_353], %mul3A_351 {strides = array<i32>} : memref<128x128xbf16, #tpu.memory_space<vmem>>, vector<32xbf16>,
          %mul3A_355 = arith.constant 16 : i32
          %mul3A_356 = arith.muli %scan3A_194, %mul3A_355 : i32
          %add3A_357 = arith.constant 8 : i32
          %add3A_358 = arith.addi %mul3A_356, %add3A_357 : i32
          %get3A_359 = arith.index_cast %add3A_358 : i32 to index
          %get3A_360 = arith.index_cast %mul3A_267 : i32 to index
          %get3A_361 = tpu.vector_load %arg11[%get3A_359, %get3A_360] {strides = array<i32>} : memref<128x128xbf16, #tpu.memory_space<vmem>>, vector<32xbf16>,
          %mul3A_362 = arith.mulf %get3A_361, %bitcast3A_230 : vector<32xbf16>
          %swap3A_363 = arith.index_cast %add3A_358 : i32 to index
          %swap3A_364 = arith.index_cast %mul3A_267 : i32 to index
          %swap3A_365 = tpu.vector_load %arg13[%swap3A_363, %swap3A_364] {strides = array<i32>} : memref<128x128xbf16, #tpu.memory_space<vmem>>, vector<32xbf16>,
          tpu.vector_store %arg13[%swap3A_363, %swap3A_364], %mul3A_362 {strides = array<i32>} : memref<128x128xbf16, #tpu.memory_space<vmem>>, vector<32xbf16>,
          %mul3A_366 = arith.constant 16 : i32
          %mul3A_367 = arith.muli %scan3A_194, %mul3A_366 : i32
          %add3A_368 = arith.constant 9 : i32
          %add3A_369 = arith.addi %mul3A_367, %add3A_368 : i32
          %get3A_370 = arith.index_cast %add3A_369 : i32 to index
          %get3A_371 = arith.index_cast %mul3A_267 : i32 to index
          %get3A_372 = tpu.vector_load %arg11[%get3A_370, %get3A_371] {strides = array<i32>} : memref<128x128xbf16, #tpu.memory_space<vmem>>, vector<32xbf16>,
          %mul3A_373 = arith.mulf %get3A_372, %bitcast3A_234 : vector<32xbf16>
          %swap3A_374 = arith.index_cast %add3A_369 : i32 to index
          %swap3A_375 = arith.index_cast %mul3A_267 : i32 to index
          %swap3A_376 = tpu.vector_load %arg13[%swap3A_374, %swap3A_375] {strides = array<i32>} : memref<128x128xbf16, #tpu.memory_space<vmem>>, vector<32xbf16>,
          tpu.vector_store %arg13[%swap3A_374, %swap3A_375], %mul3A_373 {strides = array<i32>} : memref<128x128xbf16, #tpu.memory_space<vmem>>, vector<32xbf16>,
          %mul3A_377 = arith.constant 16 : i32
          %mul3A_378 = arith.muli %scan3A_194, %mul3A_377 : i32
          %add3A_379 = arith.constant 10 : i32
          %add3A_380 = arith.addi %mul3A_378, %add3A_379 : i32
          %get3A_381 = arith.index_cast %add3A_380 : i32 to index
          %get3A_382 = arith.index_cast %mul3A_267 : i32 to index
          %get3A_383 = tpu.vector_load %arg11[%get3A_381, %get3A_382] {strides = array<i32>} : memref<128x128xbf16, #tpu.memory_space<vmem>>, vector<32xbf16>,
          %mul3A_384 = arith.mulf %get3A_383, %bitcast3A_238 : vector<32xbf16>
          %swap3A_385 = arith.index_cast %add3A_380 : i32 to index
          %swap3A_386 = arith.index_cast %mul3A_267 : i32 to index
          %swap3A_387 = tpu.vector_load %arg13[%swap3A_385, %swap3A_386] {strides = array<i32>} : memref<128x128xbf16, #tpu.memory_space<vmem>>, vector<32xbf16>,
          tpu.vector_store %arg13[%swap3A_385, %swap3A_386], %mul3A_384 {strides = array<i32>} : memref<128x128xbf16, #tpu.memory_space<vmem>>, vector<32xbf16>,
          %mul3A_388 = arith.constant 16 : i32
          %mul3A_389 = arith.muli %scan3A_194, %mul3A_388 : i32
          %add3A_390 = arith.constant 11 : i32
          %add3A_391 = arith.addi %mul3A_389, %add3A_390 : i32
          %get3A_392 = arith.index_cast %add3A_391 : i32 to index
          %get3A_393 = arith.index_cast %mul3A_267 : i32 to index
          %get3A_394 = tpu.vector_load %arg11[%get3A_392, %get3A_393] {strides = array<i32>} : memref<128x128xbf16, #tpu.memory_space<vmem>>, vector<32xbf16>,
          %mul3A_395 = arith.mulf %get3A_394, %bitcast3A_242 : vector<32xbf16>
          %swap3A_396 = arith.index_cast %add3A_391 : i32 to index
          %swap3A_397 = arith.index_cast %mul3A_267 : i32 to index
          %swap3A_398 = tpu.vector_load %arg13[%swap3A_396, %swap3A_397] {strides = array<i32>} : memref<128x128xbf16, #tpu.memory_space<vmem>>, vector<32xbf16>,
          tpu.vector_store %arg13[%swap3A_396, %swap3A_397], %mul3A_395 {strides = array<i32>} : memref<128x128xbf16, #tpu.memory_space<vmem>>, vector<32xbf16>,
          %mul3A_399 = arith.constant 16 : i32
          %mul3A_400 = arith.muli %scan3A_194, %mul3A_399 : i32
          %add3A_401 = arith.constant 12 : i32
          %add3A_402 = arith.addi %mul3A_400, %add3A_401 : i32
          %get3A_403 = arith.index_cast %add3A_402 : i32 to index
          %get3A_404 = arith.index_cast %mul3A_267 : i32 to index
          %get3A_405 = tpu.vector_load %arg11[%get3A_403, %get3A_404] {strides = array<i32>} : memref<128x128xbf16, #tpu.memory_space<vmem>>, vector<32xbf16>,
          %mul3A_406 = arith.mulf %get3A_405, %bitcast3A_246 : vector<32xbf16>
          %swap3A_407 = arith.index_cast %add3A_402 : i32 to index
          %swap3A_408 = arith.index_cast %mul3A_267 : i32 to index
          %swap3A_409 = tpu.vector_load %arg13[%swap3A_407, %swap3A_408] {strides = array<i32>} : memref<128x128xbf16, #tpu.memory_space<vmem>>, vector<32xbf16>,
          tpu.vector_store %arg13[%swap3A_407, %swap3A_408], %mul3A_406 {strides = array<i32>} : memref<128x128xbf16, #tpu.memory_space<vmem>>, vector<32xbf16>,
          %mul3A_410 = arith.constant 16 : i32
          %mul3A_411 = arith.muli %scan3A_194, %mul3A_410 : i32
          %add3A_412 = arith.constant 13 : i32
          %add3A_413 = arith.addi %mul3A_411, %add3A_412 : i32
          %get3A_414 = arith.index_cast %add3A_413 : i32 to index
          %get3A_415 = arith.index_cast %mul3A_267 : i32 to index
          %get3A_416 = tpu.vector_load %arg11[%get3A_414, %get3A_415] {strides = array<i32>} : memref<128x128xbf16, #tpu.memory_space<vmem>>, vector<32xbf16>,
          %mul3A_417 = arith.mulf %get3A_416, %bitcast3A_250 : vector<32xbf16>
          %swap3A_418 = arith.index_cast %add3A_413 : i32 to index
          %swap3A_419 = arith.index_cast %mul3A_267 : i32 to index
          %swap3A_420 = tpu.vector_load %arg13[%swap3A_418, %swap3A_419] {strides = array<i32>} : memref<128x128xbf16, #tpu.memory_space<vmem>>, vector<32xbf16>,
          tpu.vector_store %arg13[%swap3A_418, %swap3A_419], %mul3A_417 {strides = array<i32>} : memref<128x128xbf16, #tpu.memory_space<vmem>>, vector<32xbf16>,
          %mul3A_421 = arith.constant 16 : i32
          %mul3A_422 = arith.muli %scan3A_194, %mul3A_421 : i32
          %add3A_423 = arith.constant 14 : i32
          %add3A_424 = arith.addi %mul3A_422, %add3A_423 : i32
          %get3A_425 = arith.index_cast %add3A_424 : i32 to index
          %get3A_426 = arith.index_cast %mul3A_267 : i32 to index
          %get3A_427 = tpu.vector_load %arg11[%get3A_425, %get3A_426] {strides = array<i32>} : memref<128x128xbf16, #tpu.memory_space<vmem>>, vector<32xbf16>,
          %mul3A_428 = arith.mulf %get3A_427, %bitcast3A_254 : vector<32xbf16>
          %swap3A_429 = arith.index_cast %add3A_424 : i32 to index
          %swap3A_430 = arith.index_cast %mul3A_267 : i32 to index
          %swap3A_431 = tpu.vector_load %arg13[%swap3A_429, %swap3A_430] {strides = array<i32>} : memref<128x128xbf16, #tpu.memory_space<vmem>>, vector<32xbf16>,
          tpu.vector_store %arg13[%swap3A_429, %swap3A_430], %mul3A_428 {strides = array<i32>} : memref<128x128xbf16, #tpu.memory_space<vmem>>, vector<32xbf16>,
          %mul3A_432 = arith.constant 16 : i32
          %mul3A_433 = arith.muli %scan3A_194, %mul3A_432 : i32
          %add3A_434 = arith.constant 15 : i32
          %add3A_435 = arith.addi %mul3A_433, %add3A_434 : i32
          %get3A_436 = arith.index_cast %add3A_435 : i32 to index
          %get3A_437 = arith.index_cast %mul3A_267 : i32 to index
          %get3A_438 = tpu.vector_load %arg11[%get3A_436, %get3A_437] {strides = array<i32>} : memref<128x128xbf16, #tpu.memory_space<vmem>>, vector<32xbf16>,
          %mul3A_439 = arith.mulf %get3A_438, %bitcast3A_258 : vector<32xbf16>
          %swap3A_440 = arith.index_cast %add3A_435 : i32 to index
          %swap3A_441 = arith.index_cast %mul3A_267 : i32 to index
          %swap3A_442 = tpu.vector_load %arg13[%swap3A_440, %swap3A_441] {strides = array<i32>} : memref<128x128xbf16, #tpu.memory_space<vmem>>, vector<32xbf16>,
          tpu.vector_store %arg13[%swap3A_440, %swap3A_441], %mul3A_439 {strides = array<i32>} : memref<128x128xbf16, #tpu.memory_space<vmem>>, vector<32xbf16>,
        }
        %scan3A_264 = arith.constant 4 : i32
      }
      %scan3A_181 = arith.constant 8 : i32
      %dma_start3A_182 = arith.constant 0 : i32
      %dma_start3A_183 = tpu.memref_slice %arg8[%add3A_160, %dma_start3A_182] : memref<40x128xi32, #tpu.memory_space<vmem>> -> memref<1x128xi32, #tpu.memory_space<vmem>>
      %dma_start3A_184 = tpu.memref_squeeze %dma_start3A_183 : memref<1x128xi32, #tpu.memory_space<vmem>> -> memref<128xi32, #tpu.memory_space<vmem>>
      %dma_start3A_185 = arith.constant 0 : i32
      %dma_start3A_186 = arith.constant 0 : i32
      %dma_start3A_187 = tpu.memref_slice %arg15[%dma_start3A_185, %dma_start3A_186] : memref<10240x128xbf16, #tpu.memory_space<vmem_shared>> -> memref<10240x128xbf16, #tpu.memory_space<vmem_shared>>
      tpu.enqueue_indirect_dma source(%arg13 : memref<128x128xbf16, #tpu.memory_space<vmem>>) target(%dma_start3A_187 : memref<10240x128xbf16, #tpu.memory_space<vmem_shared>>) offsets(%dma_start3A_184 : memref<128xi32, #tpu.memory_space<vmem>>) semaphore(%arg19 : memref<!tpu.dma_semaphore, #tpu.memory_space<semaphore_mem>>) {add = true}
      %dma_start3A_188 = arith.constant 0 : i32
      %dma_start3A_189 = tpu.memref_slice %arg7[%min3A_164, %dma_start3A_188] : memref<40x128xi32, #tpu.memory_space<vmem>> -> memref<1x128xi32, #tpu.memory_space<vmem>>
      %dma_start3A_190 = tpu.memref_squeeze %dma_start3A_189 : memref<1x128xi32, #tpu.memory_space<vmem>> -> memref<128xi32, #tpu.memory_space<vmem>>
      %dma_start3A_191 = arith.constant 0 : i32
      %dma_start3A_192 = arith.constant 0 : i32
      %dma_start3A_193 = tpu.memref_slice %arg14[%dma_start3A_191, %dma_start3A_192] : memref<10240x128xbf16, #tpu.memory_space<vmem_shared>> -> memref<10240x128xbf16, #tpu.memory_space<vmem_shared>>
      tpu.enqueue_indirect_dma source(%dma_start3A_193 : memref<10240x128xbf16, #tpu.memory_space<vmem_shared>>) target(%arg11 : memref<128x128xbf16, #tpu.memory_space<vmem>>) offsets(%dma_start3A_190 : memref<128xi32, #tpu.memory_space<vmem>>) semaphore(%arg17 : memref<!tpu.dma_semaphore, #tpu.memory_space<semaphore_mem>>)
    }
    %scan3A_36 = arith.constant 20 : i32
    %dma_wait3A = arith.constant 0 : i32
    %dma_wait3A_37 = arith.constant 0 : i32
    %dma_wait3A_38 = tpu.memref_slice %arg7[%dma_wait3A, %dma_wait3A_37] : memref<40x128xi32, #tpu.memory_space<vmem>> -> memref<1x128xi32, #tpu.memory_space<vmem>>
    %dma_wait3A_39 = tpu.memref_squeeze %dma_wait3A_38 : memref<1x128xi32, #tpu.memory_space<vmem>> -> memref<128xi32, #tpu.memory_space<vmem>>
    %dma_wait3A_40 = arith.constant 0 : i32
    %dma_wait3A_41 = arith.constant 0 : i32
    %dma_wait3A_42 = tpu.memref_slice %arg14[%dma_wait3A_40, %dma_wait3A_41] : memref<10240x128xbf16, #tpu.memory_space<vmem_shared>> -> memref<10240x128xbf16, #tpu.memory_space<vmem_shared>>
    tpu.wait_indirect_dma semaphore(%arg16 : memref<!tpu.dma_semaphore, #tpu.memory_space<semaphore_mem>>) src(%dma_wait3A_42 : memref<10240x128xbf16, #tpu.memory_space<vmem_shared>>) dst(%arg10 : memref<128x128xbf16, #tpu.memory_space<vmem>>)
    %dma_wait3A_43 = arith.constant 0 : i32
    %dma_wait3A_44 = arith.constant 0 : i32
    %dma_wait3A_45 = tpu.memref_slice %arg8[%dma_wait3A_43, %dma_wait3A_44] : memref<40x128xi32, #tpu.memory_space<vmem>> -> memref<1x128xi32, #tpu.memory_space<vmem>>
    %dma_wait3A_46 = tpu.memref_squeeze %dma_wait3A_45 : memref<1x128xi32, #tpu.memory_space<vmem>> -> memref<128xi32, #tpu.memory_space<vmem>>
    %dma_wait3A_47 = arith.constant 0 : i32
    %dma_wait3A_48 = arith.constant 0 : i32
    %dma_wait3A_49 = tpu.memref_slice %arg15[%dma_wait3A_47, %dma_wait3A_48] : memref<10240x128xbf16, #tpu.memory_space<vmem_shared>> -> memref<10240x128xbf16, #tpu.memory_space<vmem_shared>>
    tpu.wait_indirect_dma semaphore(%arg18 : memref<!tpu.dma_semaphore, #tpu.memory_space<semaphore_mem>>) src(%arg12 : memref<128x128xbf16, #tpu.memory_space<vmem>>) dst(%dma_wait3A_49 : memref<10240x128xbf16, #tpu.memory_space<vmem_shared>>)
    %dma_wait3A_50 = arith.constant 0 : i32
    %dma_wait3A_51 = arith.constant 0 : i32
    %dma_wait3A_52 = tpu.memref_slice %arg7[%dma_wait3A_50, %dma_wait3A_51] : memref<40x128xi32, #tpu.memory_space<vmem>> -> memref<1x128xi32, #tpu.memory_space<vmem>>
    %dma_wait3A_53 = tpu.memref_squeeze %dma_wait3A_52 : memref<1x128xi32, #tpu.memory_space<vmem>> -> memref<128xi32, #tpu.memory_space<vmem>>
    %dma_wait3A_54 = arith.constant 0 : i32
    %dma_wait3A_55 = arith.constant 0 : i32
    %dma_wait3A_56 = tpu.memref_slice %arg14[%dma_wait3A_54, %dma_wait3A_55] : memref<10240x128xbf16, #tpu.memory_space<vmem_shared>> -> memref<10240x128xbf16, #tpu.memory_space<vmem_shared>>
    tpu.wait_indirect_dma semaphore(%arg17 : memref<!tpu.dma_semaphore, #tpu.memory_space<semaphore_mem>>) src(%dma_wait3A_56 : memref<10240x128xbf16, #tpu.memory_space<vmem_shared>>) dst(%arg11 : memref<128x128xbf16, #tpu.memory_space<vmem>>)
    %dma_wait3A_57 = arith.constant 0 : i32
    %dma_wait3A_58 = arith.constant 0 : i32
    %dma_wait3A_59 = tpu.memref_slice %arg8[%dma_wait3A_57, %dma_wait3A_58] : memref<40x128xi32, #tpu.memory_space<vmem>> -> memref<1x128xi32, #tpu.memory_space<vmem>>
    %dma_wait3A_60 = tpu.memref_squeeze %dma_wait3A_59 : memref<1x128xi32, #tpu.memory_space<vmem>> -> memref<128xi32, #tpu.memory_space<vmem>>
    %dma_wait3A_61 = arith.constant 0 : i32
    %dma_wait3A_62 = arith.constant 0 : i32
    %dma_wait3A_63 = tpu.memref_slice %arg15[%dma_wait3A_61, %dma_wait3A_62] : memref<10240x128xbf16, #tpu.memory_space<vmem_shared>> -> memref<10240x128xbf16, #tpu.memory_space<vmem_shared>>
    tpu.wait_indirect_dma semaphore(%arg19 : memref<!tpu.dma_semaphore, #tpu.memory_space<semaphore_mem>>) src(%arg13 : memref<128x128xbf16, #tpu.memory_space<vmem>>) dst(%dma_wait3A_63 : memref<10240x128xbf16, #tpu.memory_space<vmem_shared>>)
    "tpu.region"() ({
      %run_scoped3A = tpu.sem_alloc : memref<!tpu.dma_semaphore, #tpu.memory_space<semaphore_mem>>
      %dma_start3A_123 = arith.constant 40 : i32
      %dma_start3A_124 = arith.constant 0 : i32
      %dma_start3A_125 = tpu.memref_slice %arg3[%add3A, %dma_start3A_123, %dma_start3A_124] : memref<32x80x128xi32, #tpu.memory_space<hbm>> -> memref<1x40x128xi32, #tpu.memory_space<hbm>>
      %dma_start3A_126 = tpu.memref_squeeze %dma_start3A_125 : memref<1x40x128xi32, #tpu.memory_space<hbm>> -> memref<40x128xi32, #tpu.memory_space<hbm>>
      %dma_start3A_127 = arith.constant 40 : i32
      %dma_start3A_128 = arith.constant 0 : i32
      %dma_start3A_129 = tpu.memref_slice %arg3[%add3A, %dma_start3A_127, %dma_start3A_128] : memref<32x80x128xi32, #tpu.memory_space<hbm>> -> memref<1x40x128xi32, #tpu.memory_space<hbm>>
      %dma_start3A_130 = tpu.memref_squeeze %dma_start3A_129 : memref<1x40x128xi32, #tpu.memory_space<hbm>> -> memref<40x128xi32, #tpu.memory_space<hbm>>
      tpu.enqueue_dma source(%dma_start3A_130 : memref<40x128xi32, #tpu.memory_space<hbm>>) target(%arg7 : memref<40x128xi32, #tpu.memory_space<vmem>>) target_semaphore(%run_scoped3A : memref<!tpu.dma_semaphore, #tpu.memory_space<semaphore_mem>>)
      %dma_wait3A_131 = arith.constant 40 : i32
      %dma_wait3A_132 = arith.constant 0 : i32
      %dma_wait3A_133 = tpu.memref_slice %arg3[%add3A, %dma_wait3A_131, %dma_wait3A_132] : memref<32x80x128xi32, #tpu.memory_space<hbm>> -> memref<1x40x128xi32, #tpu.memory_space<hbm>>
      %dma_wait3A_134 = tpu.memref_squeeze %dma_wait3A_133 : memref<1x40x128xi32, #tpu.memory_space<hbm>> -> memref<40x128xi32, #tpu.memory_space<hbm>>
      %dma_wait3A_135 = arith.constant 40 : i32
      %dma_wait3A_136 = arith.constant 0 : i32
      %dma_wait3A_137 = tpu.memref_slice %arg3[%add3A, %dma_wait3A_135, %dma_wait3A_136] : memref<32x80x128xi32, #tpu.memory_space<hbm>> -> memref<1x40x128xi32, #tpu.memory_space<hbm>>
      %dma_wait3A_138 = tpu.memref_squeeze %dma_wait3A_137 : memref<1x40x128xi32, #tpu.memory_space<hbm>> -> memref<40x128xi32, #tpu.memory_space<hbm>>
      tpu.wait_dma2 semaphore(%run_scoped3A : memref<!tpu.dma_semaphore, #tpu.memory_space<semaphore_mem>>) src(%dma_wait3A_138 : memref<40x128xi32, #tpu.memory_space<hbm>>) dst(%arg7 : memref<40x128xi32, #tpu.memory_space<vmem>>)
      tpu.yield
    }) : () -> ()
    "tpu.region"() ({
      %run_scoped3A = tpu.sem_alloc : memref<!tpu.dma_semaphore, #tpu.memory_space<semaphore_mem>>
      %dma_start3A_123 = arith.constant 40 : i32
      %dma_start3A_124 = arith.constant 0 : i32
      %dma_start3A_125 = tpu.memref_slice %arg4[%add3A, %dma_start3A_123, %dma_start3A_124] : memref<32x80x128xi32, #tpu.memory_space<hbm>> -> memref<1x40x128xi32, #tpu.memory_space<hbm>>
      %dma_start3A_126 = tpu.memref_squeeze %dma_start3A_125 : memref<1x40x128xi32, #tpu.memory_space<hbm>> -> memref<40x128xi32, #tpu.memory_space<hbm>>
      %dma_start3A_127 = arith.constant 40 : i32
      %dma_start3A_128 = arith.constant 0 : i32
      %dma_start3A_129 = tpu.memref_slice %arg4[%add3A, %dma_start3A_127, %dma_start3A_128] : memref<32x80x128xi32, #tpu.memory_space<hbm>> -> memref<1x40x128xi32, #tpu.memory_space<hbm>>
      %dma_start3A_130 = tpu.memref_squeeze %dma_start3A_129 : memref<1x40x128xi32, #tpu.memory_space<hbm>> -> memref<40x128xi32, #tpu.memory_space<hbm>>
      tpu.enqueue_dma source(%dma_start3A_130 : memref<40x128xi32, #tpu.memory_space<hbm>>) target(%arg8 : memref<40x128xi32, #tpu.memory_space<vmem>>) target_semaphore(%run_scoped3A : memref<!tpu.dma_semaphore, #tpu.memory_space<semaphore_mem>>)
      %dma_wait3A_131 = arith.constant 40 : i32
      %dma_wait3A_132 = arith.constant 0 : i32
      %dma_wait3A_133 = tpu.memref_slice %arg4[%add3A, %dma_wait3A_131, %dma_wait3A_132] : memref<32x80x128xi32, #tpu.memory_space<hbm>> -> memref<1x40x128xi32, #tpu.memory_space<hbm>>
      %dma_wait3A_134 = tpu.memref_squeeze %dma_wait3A_133 : memref<1x40x128xi32, #tpu.memory_space<hbm>> -> memref<40x128xi32, #tpu.memory_space<hbm>>
      %dma_wait3A_135 = arith.constant 40 : i32
      %dma_wait3A_136 = arith.constant 0 : i32
      %dma_wait3A_137 = tpu.memref_slice %arg4[%add3A, %dma_wait3A_135, %dma_wait3A_136] : memref<32x80x128xi32, #tpu.memory_space<hbm>> -> memref<1x40x128xi32, #tpu.memory_space<hbm>>
      %dma_wait3A_138 = tpu.memref_squeeze %dma_wait3A_137 : memref<1x40x128xi32, #tpu.memory_space<hbm>> -> memref<40x128xi32, #tpu.memory_space<hbm>>
      tpu.wait_dma2 semaphore(%run_scoped3A : memref<!tpu.dma_semaphore, #tpu.memory_space<semaphore_mem>>) src(%dma_wait3A_138 : memref<40x128xi32, #tpu.memory_space<hbm>>) dst(%arg8 : memref<40x128xi32, #tpu.memory_space<vmem>>)
      tpu.yield
    }) : () -> ()
    "tpu.region"() ({
      %run_scoped3A = tpu.sem_alloc : memref<!tpu.dma_semaphore, #tpu.memory_space<semaphore_mem>>
      %dma_start3A_123 = arith.constant 40 : i32
      %dma_start3A_124 = arith.constant 0 : i32
      %dma_start3A_125 = tpu.memref_slice %arg5[%add3A, %dma_start3A_123, %dma_start3A_124] : memref<32x80x128xi32, #tpu.memory_space<hbm>> -> memref<1x40x128xi32, #tpu.memory_space<hbm>>
      %dma_start3A_126 = tpu.memref_squeeze %dma_start3A_125 : memref<1x40x128xi32, #tpu.memory_space<hbm>> -> memref<40x128xi32, #tpu.memory_space<hbm>>
      %dma_start3A_127 = arith.constant 40 : i32
      %dma_start3A_128 = arith.constant 0 : i32
      %dma_start3A_129 = tpu.memref_slice %arg5[%add3A, %dma_start3A_127, %dma_start3A_128] : memref<32x80x128xi32, #tpu.memory_space<hbm>> -> memref<1x40x128xi32, #tpu.memory_space<hbm>>
      %dma_start3A_130 = tpu.memref_squeeze %dma_start3A_129 : memref<1x40x128xi32, #tpu.memory_space<hbm>> -> memref<40x128xi32, #tpu.memory_space<hbm>>
      tpu.enqueue_dma source(%dma_start3A_130 : memref<40x128xi32, #tpu.memory_space<hbm>>) target(%arg9 : memref<40x128xi32, #tpu.memory_space<vmem>>) target_semaphore(%run_scoped3A : memref<!tpu.dma_semaphore, #tpu.memory_space<semaphore_mem>>)
      %dma_wait3A_131 = arith.constant 40 : i32
      %dma_wait3A_132 = arith.constant 0 : i32
      %dma_wait3A_133 = tpu.memref_slice %arg5[%add3A, %dma_wait3A_131, %dma_wait3A_132] : memref<32x80x128xi32, #tpu.memory_space<hbm>> -> memref<1x40x128xi32, #tpu.memory_space<hbm>>
      %dma_wait3A_134 = tpu.memref_squeeze %dma_wait3A_133 : memref<1x40x128xi32, #tpu.memory_space<hbm>> -> memref<40x128xi32, #tpu.memory_space<hbm>>
      %dma_wait3A_135 = arith.constant 40 : i32
      %dma_wait3A_136 = arith.constant 0 : i32
      %dma_wait3A_137 = tpu.memref_slice %arg5[%add3A, %dma_wait3A_135, %dma_wait3A_136] : memref<32x80x128xi32, #tpu.memory_space<hbm>> -> memref<1x40x128xi32, #tpu.memory_space<hbm>>
      %dma_wait3A_138 = tpu.memref_squeeze %dma_wait3A_137 : memref<1x40x128xi32, #tpu.memory_space<hbm>> -> memref<40x128xi32, #tpu.memory_space<hbm>>
      tpu.wait_dma2 semaphore(%run_scoped3A : memref<!tpu.dma_semaphore, #tpu.memory_space<semaphore_mem>>) src(%dma_wait3A_138 : memref<40x128xi32, #tpu.memory_space<hbm>>) dst(%arg9 : memref<40x128xi32, #tpu.memory_space<vmem>>)
      tpu.yield
    }) : () -> ()
    %dma_start3A_64 = arith.constant 0 : i32
    %dma_start3A_65 = arith.constant 0 : i32
    %dma_start3A_66 = tpu.memref_slice %arg7[%dma_start3A_64, %dma_start3A_65] : memref<40x128xi32, #tpu.memory_space<vmem>> -> memref<1x128xi32, #tpu.memory_space<vmem>>
    %dma_start3A_67 = tpu.memref_squeeze %dma_start3A_66 : memref<1x128xi32, #tpu.memory_space<vmem>> -> memref<128xi32, #tpu.memory_space<vmem>>
    %dma_start3A_68 = arith.constant 0 : i32
    %dma_start3A_69 = arith.constant 0 : i32
    %dma_start3A_70 = tpu.memref_slice %arg14[%dma_start3A_68, %dma_start3A_69] : memref<10240x128xbf16, #tpu.memory_space<vmem_shared>> -> memref<10240x128xbf16, #tpu.memory_space<vmem_shared>>
    tpu.enqueue_indirect_dma source(%dma_start3A_70 : memref<10240x128xbf16, #tpu.memory_space<vmem_shared>>) target(%arg10 : memref<128x128xbf16, #tpu.memory_space<vmem>>) offsets(%dma_start3A_67 : memref<128xi32, #tpu.memory_space<vmem>>) semaphore(%arg16 : memref<!tpu.dma_semaphore, #tpu.memory_space<semaphore_mem>>)
    %dma_start3A_71 = arith.constant 1 : i32
    %dma_start3A_72 = arith.constant 0 : i32
    %dma_start3A_73 = tpu.memref_slice %arg7[%dma_start3A_71, %dma_start3A_72] : memref<40x128xi32, #tpu.memory_space<vmem>> -> memref<1x128xi32, #tpu.memory_space<vmem>>
    %dma_start3A_74 = tpu.memref_squeeze %dma_start3A_73 : memref<1x128xi32, #tpu.memory_space<vmem>> -> memref<128xi32, #tpu.memory_space<vmem>>
    %dma_start3A_75 = arith.constant 0 : i32
    %dma_start3A_76 = arith.constant 0 : i32
    %dma_start3A_77 = tpu.memref_slice %arg14[%dma_start3A_75, %dma_start3A_76] : memref<10240x128xbf16, #tpu.memory_space<vmem_shared>> -> memref<10240x128xbf16, #tpu.memory_space<vmem_shared>>
    tpu.enqueue_indirect_dma source(%dma_start3A_77 : memref<10240x128xbf16, #tpu.memory_space<vmem_shared>>) target(%arg11 : memref<128x128xbf16, #tpu.memory_space<vmem>>) offsets(%dma_start3A_74 : memref<128xi32, #tpu.memory_space<vmem>>) semaphore(%arg17 : memref<!tpu.dma_semaphore, #tpu.memory_space<semaphore_mem>>)
    %scan3A_78 = arith.constant 0 : i32
    %scan3A_79 = arith.constant 0 : i32
    %scan3A_80 = arith.constant 20 : i32
    %scan3A_81 = arith.addi %scan3A_79, %scan3A_80 : i32
    %scan3A_82 = arith.constant 1 : i32
    scf.for %scan3A_123 = %scan3A_79 to %scan3A_81 step %scan3A_82  : i32 {
      %mul3A_124 = arith.constant 2 : i32
      %mul3A_125 = arith.muli %mul3A_124, %scan3A_123 : i32
      %add3A_126 = arith.constant 0 : i32
      %add3A_127 = arith.addi %mul3A_125, %add3A_126 : i32
      %add3A_128 = arith.constant 2 : i32
      %add3A_129 = arith.addi %add3A_127, %add3A_128 : i32
      %min3A = arith.constant 39 : i32
      %min3A_130 = arith.minsi %add3A_129, %min3A : i32
      %dma_wait3A_131 = arith.constant 0 : i32
      %dma_wait3A_132 = tpu.memref_slice %arg7[%add3A_127, %dma_wait3A_131] : memref<40x128xi32, #tpu.memory_space<vmem>> -> memref<1x128xi32, #tpu.memory_space<vmem>>
      %dma_wait3A_133 = tpu.memref_squeeze %dma_wait3A_132 : memref<1x128xi32, #tpu.memory_space<vmem>> -> memref<128xi32, #tpu.memory_space<vmem>>
      %dma_wait3A_134 = arith.constant 0 : i32
      %dma_wait3A_135 = arith.constant 0 : i32
      %dma_wait3A_136 = tpu.memref_slice %arg14[%dma_wait3A_134, %dma_wait3A_135] : memref<10240x128xbf16, #tpu.memory_space<vmem_shared>> -> memref<10240x128xbf16, #tpu.memory_space<vmem_shared>>
      tpu.wait_indirect_dma semaphore(%arg16 : memref<!tpu.dma_semaphore, #tpu.memory_space<semaphore_mem>>) src(%dma_wait3A_136 : memref<10240x128xbf16, #tpu.memory_space<vmem_shared>>) dst(%arg10 : memref<128x128xbf16, #tpu.memory_space<vmem>>)
      %ge3A = arith.constant 2 : i32
      %ge3A_137 = arith.cmpi sge, %add3A_127, %ge3A : i32
      %convert_element_type3A = arith.extui %ge3A_137 : i1 to i32
      %cond3A = arith.constant 0 : i32
      %cond3A_138 = arith.cmpi ne, %convert_element_type3A, %cond3A : i32
      scf.if %cond3A_138 {
        %dma_wait3A_194 = arith.constant 0 : i32
        %dma_wait3A_195 = tpu.memref_slice %arg8[%add3A_127, %dma_wait3A_194] : memref<40x128xi32, #tpu.memory_space<vmem>> -> memref<1x128xi32, #tpu.memory_space<vmem>>
        %dma_wait3A_196 = tpu.memref_squeeze %dma_wait3A_195 : memref<1x128xi32, #tpu.memory_space<vmem>> -> memref<128xi32, #tpu.memory_space<vmem>>
        %dma_wait3A_197 = arith.constant 0 : i32
        %dma_wait3A_198 = arith.constant 0 : i32
        %dma_wait3A_199 = tpu.memref_slice %arg15[%dma_wait3A_197, %dma_wait3A_198] : memref<10240x128xbf16, #tpu.memory_space<vmem_shared>> -> memref<10240x128xbf16, #tpu.memory_space<vmem_shared>>
        tpu.wait_indirect_dma semaphore(%arg18 : memref<!tpu.dma_semaphore, #tpu.memory_space<semaphore_mem>>) src(%arg12 : memref<128x128xbf16, #tpu.memory_space<vmem>>) dst(%dma_wait3A_199 : memref<10240x128xbf16, #tpu.memory_space<vmem_shared>>)
      } else {
      }
      %scan3A_139 = arith.constant 0 : i32
      %scan3A_140 = arith.constant 0 : i32
      %scan3A_141 = arith.constant 8 : i32
      %scan3A_142 = arith.addi %scan3A_140, %scan3A_141 : i32
      %scan3A_143 = arith.constant 1 : i32
      scf.for %scan3A_194 = %scan3A_140 to %scan3A_142 step %scan3A_143  : i32 {
        %mul3A_195 = arith.constant 16 : i32
        %mul3A_196 = arith.muli %scan3A_194, %mul3A_195 : i32
        %get3A = arith.index_cast %add3A_127 : i32 to index
        %get3A_197 = arith.index_cast %mul3A_196 : i32 to index
        %get3A_198 = tpu.vector_load %arg9[%get3A, %get3A_197] {strides = array<i32>} : memref<40x128xi32, #tpu.memory_space<vmem>>, vector<16xi32>,
        %slice3A = vector.extract_strided_slice %get3A_198 {offsets = [0], sizes = [1], strides = [1]} : vector<16xi32> to vector<1xi32>
        %squeeze3A = vector.extract %slice3A[0] : i32 from vector<1xi32>
        %broadcast_in_dim3A = vector.broadcast %squeeze3A : i32 to vector<16xi32>
        %bitcast3A = vector.bitcast %broadcast_in_dim3A : vector<16xi32> to vector<32xbf16>
        %slice3A_199 = vector.extract_strided_slice %get3A_198 {offsets = [1], sizes = [1], strides = [1]} : vector<16xi32> to vector<1xi32>
        %squeeze3A_200 = vector.extract %slice3A_199[0] : i32 from vector<1xi32>
        %broadcast_in_dim3A_201 = vector.broadcast %squeeze3A_200 : i32 to vector<16xi32>
        %bitcast3A_202 = vector.bitcast %broadcast_in_dim3A_201 : vector<16xi32> to vector<32xbf16>
        %slice3A_203 = vector.extract_strided_slice %get3A_198 {offsets = [2], sizes = [1], strides = [1]} : vector<16xi32> to vector<1xi32>
        %squeeze3A_204 = vector.extract %slice3A_203[0] : i32 from vector<1xi32>
        %broadcast_in_dim3A_205 = vector.broadcast %squeeze3A_204 : i32 to vector<16xi32>
        %bitcast3A_206 = vector.bitcast %broadcast_in_dim3A_205 : vector<16xi32> to vector<32xbf16>
        %slice3A_207 = vector.extract_strided_slice %get3A_198 {offsets = [3], sizes = [1], strides = [1]} : vector<16xi32> to vector<1xi32>
        %squeeze3A_208 = vector.extract %slice3A_207[0] : i32 from vector<1xi32>
        %broadcast_in_dim3A_209 = vector.broadcast %squeeze3A_208 : i32 to vector<16xi32>
        %bitcast3A_210 = vector.bitcast %broadcast_in_dim3A_209 : vector<16xi32> to vector<32xbf16>
        %slice3A_211 = vector.extract_strided_slice %get3A_198 {offsets = [4], sizes = [1], strides = [1]} : vector<16xi32> to vector<1xi32>
        %squeeze3A_212 = vector.extract %slice3A_211[0] : i32 from vector<1xi32>
        %broadcast_in_dim3A_213 = vector.broadcast %squeeze3A_212 : i32 to vector<16xi32>
        %bitcast3A_214 = vector.bitcast %broadcast_in_dim3A_213 : vector<16xi32> to vector<32xbf16>
        %slice3A_215 = vector.extract_strided_slice %get3A_198 {offsets = [5], sizes = [1], strides = [1]} : vector<16xi32> to vector<1xi32>
        %squeeze3A_216 = vector.extract %slice3A_215[0] : i32 from vector<1xi32>
        %broadcast_in_dim3A_217 = vector.broadcast %squeeze3A_216 : i32 to vector<16xi32>
        %bitcast3A_218 = vector.bitcast %broadcast_in_dim3A_217 : vector<16xi32> to vector<32xbf16>
        %slice3A_219 = vector.extract_strided_slice %get3A_198 {offsets = [6], sizes = [1], strides = [1]} : vector<16xi32> to vector<1xi32>
        %squeeze3A_220 = vector.extract %slice3A_219[0] : i32 from vector<1xi32>
        %broadcast_in_dim3A_221 = vector.broadcast %squeeze3A_220 : i32 to vector<16xi32>
        %bitcast3A_222 = vector.bitcast %broadcast_in_dim3A_221 : vector<16xi32> to vector<32xbf16>
        %slice3A_223 = vector.extract_strided_slice %get3A_198 {offsets = [7], sizes = [1], strides = [1]} : vector<16xi32> to vector<1xi32>
        %squeeze3A_224 = vector.extract %slice3A_223[0] : i32 from vector<1xi32>
        %broadcast_in_dim3A_225 = vector.broadcast %squeeze3A_224 : i32 to vector<16xi32>
        %bitcast3A_226 = vector.bitcast %broadcast_in_dim3A_225 : vector<16xi32> to vector<32xbf16>
        %slice3A_227 = vector.extract_strided_slice %get3A_198 {offsets = [8], sizes = [1], strides = [1]} : vector<16xi32> to vector<1xi32>
        %squeeze3A_228 = vector.extract %slice3A_227[0] : i32 from vector<1xi32>
        %broadcast_in_dim3A_229 = vector.broadcast %squeeze3A_228 : i32 to vector<16xi32>
        %bitcast3A_230 = vector.bitcast %broadcast_in_dim3A_229 : vector<16xi32> to vector<32xbf16>
        %slice3A_231 = vector.extract_strided_slice %get3A_198 {offsets = [9], sizes = [1], strides = [1]} : vector<16xi32> to vector<1xi32>
        %squeeze3A_232 = vector.extract %slice3A_231[0] : i32 from vector<1xi32>
        %broadcast_in_dim3A_233 = vector.broadcast %squeeze3A_232 : i32 to vector<16xi32>
        %bitcast3A_234 = vector.bitcast %broadcast_in_dim3A_233 : vector<16xi32> to vector<32xbf16>
        %slice3A_235 = vector.extract_strided_slice %get3A_198 {offsets = [10], sizes = [1], strides = [1]} : vector<16xi32> to vector<1xi32>
        %squeeze3A_236 = vector.extract %slice3A_235[0] : i32 from vector<1xi32>
        %broadcast_in_dim3A_237 = vector.broadcast %squeeze3A_236 : i32 to vector<16xi32>
        %bitcast3A_238 = vector.bitcast %broadcast_in_dim3A_237 : vector<16xi32> to vector<32xbf16>
        %slice3A_239 = vector.extract_strided_slice %get3A_198 {offsets = [11], sizes = [1], strides = [1]} : vector<16xi32> to vector<1xi32>
        %squeeze3A_240 = vector.extract %slice3A_239[0] : i32 from vector<1xi32>
        %broadcast_in_dim3A_241 = vector.broadcast %squeeze3A_240 : i32 to vector<16xi32>
        %bitcast3A_242 = vector.bitcast %broadcast_in_dim3A_241 : vector<16xi32> to vector<32xbf16>
        %slice3A_243 = vector.extract_strided_slice %get3A_198 {offsets = [12], sizes = [1], strides = [1]} : vector<16xi32> to vector<1xi32>
        %squeeze3A_244 = vector.extract %slice3A_243[0] : i32 from vector<1xi32>
        %broadcast_in_dim3A_245 = vector.broadcast %squeeze3A_244 : i32 to vector<16xi32>
        %bitcast3A_246 = vector.bitcast %broadcast_in_dim3A_245 : vector<16xi32> to vector<32xbf16>
        %slice3A_247 = vector.extract_strided_slice %get3A_198 {offsets = [13], sizes = [1], strides = [1]} : vector<16xi32> to vector<1xi32>
        %squeeze3A_248 = vector.extract %slice3A_247[0] : i32 from vector<1xi32>
        %broadcast_in_dim3A_249 = vector.broadcast %squeeze3A_248 : i32 to vector<16xi32>
        %bitcast3A_250 = vector.bitcast %broadcast_in_dim3A_249 : vector<16xi32> to vector<32xbf16>
        %slice3A_251 = vector.extract_strided_slice %get3A_198 {offsets = [14], sizes = [1], strides = [1]} : vector<16xi32> to vector<1xi32>
        %squeeze3A_252 = vector.extract %slice3A_251[0] : i32 from vector<1xi32>
        %broadcast_in_dim3A_253 = vector.broadcast %squeeze3A_252 : i32 to vector<16xi32>
        %bitcast3A_254 = vector.bitcast %broadcast_in_dim3A_253 : vector<16xi32> to vector<32xbf16>
        %slice3A_255 = vector.extract_strided_slice %get3A_198 {offsets = [15], sizes = [1], strides = [1]} : vector<16xi32> to vector<1xi32>
        %squeeze3A_256 = vector.extract %slice3A_255[0] : i32 from vector<1xi32>
        %broadcast_in_dim3A_257 = vector.broadcast %squeeze3A_256 : i32 to vector<16xi32>
        %bitcast3A_258 = vector.bitcast %broadcast_in_dim3A_257 : vector<16xi32> to vector<32xbf16>
        %scan3A_259 = arith.constant 0 : i32
        %scan3A_260 = arith.constant 0 : i32
        %scan3A_261 = arith.constant 4 : i32
        %scan3A_262 = arith.addi %scan3A_260, %scan3A_261 : i32
        %scan3A_263 = arith.constant 1 : i32
        scf.for %scan3A_265 = %scan3A_260 to %scan3A_262 step %scan3A_263  : i32 {
          %mul3A_266 = arith.constant 32 : i32
          %mul3A_267 = arith.muli %scan3A_265, %mul3A_266 : i32
          %mul3A_268 = arith.constant 16 : i32
          %mul3A_269 = arith.muli %scan3A_194, %mul3A_268 : i32
          %add3A_270 = arith.constant 0 : i32
          %add3A_271 = arith.addi %mul3A_269, %add3A_270 : i32
          %get3A_272 = arith.index_cast %add3A_271 : i32 to index
          %get3A_273 = arith.index_cast %mul3A_267 : i32 to index
          %get3A_274 = tpu.vector_load %arg10[%get3A_272, %get3A_273] {strides = array<i32>} : memref<128x128xbf16, #tpu.memory_space<vmem>>, vector<32xbf16>,
          %mul3A_275 = arith.mulf %get3A_274, %bitcast3A : vector<32xbf16>
          %swap3A = arith.index_cast %add3A_271 : i32 to index
          %swap3A_276 = arith.index_cast %mul3A_267 : i32 to index
          %swap3A_277 = tpu.vector_load %arg12[%swap3A, %swap3A_276] {strides = array<i32>} : memref<128x128xbf16, #tpu.memory_space<vmem>>, vector<32xbf16>,
          tpu.vector_store %arg12[%swap3A, %swap3A_276], %mul3A_275 {strides = array<i32>} : memref<128x128xbf16, #tpu.memory_space<vmem>>, vector<32xbf16>,
          %mul3A_278 = arith.constant 16 : i32
          %mul3A_279 = arith.muli %scan3A_194, %mul3A_278 : i32
          %add3A_280 = arith.constant 1 : i32
          %add3A_281 = arith.addi %mul3A_279, %add3A_280 : i32
          %get3A_282 = arith.index_cast %add3A_281 : i32 to index
          %get3A_283 = arith.index_cast %mul3A_267 : i32 to index
          %get3A_284 = tpu.vector_load %arg10[%get3A_282, %get3A_283] {strides = array<i32>} : memref<128x128xbf16, #tpu.memory_space<vmem>>, vector<32xbf16>,
          %mul3A_285 = arith.mulf %get3A_284, %bitcast3A_202 : vector<32xbf16>
          %swap3A_286 = arith.index_cast %add3A_281 : i32 to index
          %swap3A_287 = arith.index_cast %mul3A_267 : i32 to index
          %swap3A_288 = tpu.vector_load %arg12[%swap3A_286, %swap3A_287] {strides = array<i32>} : memref<128x128xbf16, #tpu.memory_space<vmem>>, vector<32xbf16>,
          tpu.vector_store %arg12[%swap3A_286, %swap3A_287], %mul3A_285 {strides = array<i32>} : memref<128x128xbf16, #tpu.memory_space<vmem>>, vector<32xbf16>,
          %mul3A_289 = arith.constant 16 : i32
          %mul3A_290 = arith.muli %scan3A_194, %mul3A_289 : i32
          %add3A_291 = arith.constant 2 : i32
          %add3A_292 = arith.addi %mul3A_290, %add3A_291 : i32
          %get3A_293 = arith.index_cast %add3A_292 : i32 to index
          %get3A_294 = arith.index_cast %mul3A_267 : i32 to index
          %get3A_295 = tpu.vector_load %arg10[%get3A_293, %get3A_294] {strides = array<i32>} : memref<128x128xbf16, #tpu.memory_space<vmem>>, vector<32xbf16>,
          %mul3A_296 = arith.mulf %get3A_295, %bitcast3A_206 : vector<32xbf16>
          %swap3A_297 = arith.index_cast %add3A_292 : i32 to index
          %swap3A_298 = arith.index_cast %mul3A_267 : i32 to index
          %swap3A_299 = tpu.vector_load %arg12[%swap3A_297, %swap3A_298] {strides = array<i32>} : memref<128x128xbf16, #tpu.memory_space<vmem>>, vector<32xbf16>,
          tpu.vector_store %arg12[%swap3A_297, %swap3A_298], %mul3A_296 {strides = array<i32>} : memref<128x128xbf16, #tpu.memory_space<vmem>>, vector<32xbf16>,
          %mul3A_300 = arith.constant 16 : i32
          %mul3A_301 = arith.muli %scan3A_194, %mul3A_300 : i32
          %add3A_302 = arith.constant 3 : i32
          %add3A_303 = arith.addi %mul3A_301, %add3A_302 : i32
          %get3A_304 = arith.index_cast %add3A_303 : i32 to index
          %get3A_305 = arith.index_cast %mul3A_267 : i32 to index
          %get3A_306 = tpu.vector_load %arg10[%get3A_304, %get3A_305] {strides = array<i32>} : memref<128x128xbf16, #tpu.memory_space<vmem>>, vector<32xbf16>,
          %mul3A_307 = arith.mulf %get3A_306, %bitcast3A_210 : vector<32xbf16>
          %swap3A_308 = arith.index_cast %add3A_303 : i32 to index
          %swap3A_309 = arith.index_cast %mul3A_267 : i32 to index
          %swap3A_310 = tpu.vector_load %arg12[%swap3A_308, %swap3A_309] {strides = array<i32>} : memref<128x128xbf16, #tpu.memory_space<vmem>>, vector<32xbf16>,
          tpu.vector_store %arg12[%swap3A_308, %swap3A_309], %mul3A_307 {strides = array<i32>} : memref<128x128xbf16, #tpu.memory_space<vmem>>, vector<32xbf16>,
          %mul3A_311 = arith.constant 16 : i32
          %mul3A_312 = arith.muli %scan3A_194, %mul3A_311 : i32
          %add3A_313 = arith.constant 4 : i32
          %add3A_314 = arith.addi %mul3A_312, %add3A_313 : i32
          %get3A_315 = arith.index_cast %add3A_314 : i32 to index
          %get3A_316 = arith.index_cast %mul3A_267 : i32 to index
          %get3A_317 = tpu.vector_load %arg10[%get3A_315, %get3A_316] {strides = array<i32>} : memref<128x128xbf16, #tpu.memory_space<vmem>>, vector<32xbf16>,
          %mul3A_318 = arith.mulf %get3A_317, %bitcast3A_214 : vector<32xbf16>
          %swap3A_319 = arith.index_cast %add3A_314 : i32 to index
          %swap3A_320 = arith.index_cast %mul3A_267 : i32 to index
          %swap3A_321 = tpu.vector_load %arg12[%swap3A_319, %swap3A_320] {strides = array<i32>} : memref<128x128xbf16, #tpu.memory_space<vmem>>, vector<32xbf16>,
          tpu.vector_store %arg12[%swap3A_319, %swap3A_320], %mul3A_318 {strides = array<i32>} : memref<128x128xbf16, #tpu.memory_space<vmem>>, vector<32xbf16>,
          %mul3A_322 = arith.constant 16 : i32
          %mul3A_323 = arith.muli %scan3A_194, %mul3A_322 : i32
          %add3A_324 = arith.constant 5 : i32
          %add3A_325 = arith.addi %mul3A_323, %add3A_324 : i32
          %get3A_326 = arith.index_cast %add3A_325 : i32 to index
          %get3A_327 = arith.index_cast %mul3A_267 : i32 to index
          %get3A_328 = tpu.vector_load %arg10[%get3A_326, %get3A_327] {strides = array<i32>} : memref<128x128xbf16, #tpu.memory_space<vmem>>, vector<32xbf16>,
          %mul3A_329 = arith.mulf %get3A_328, %bitcast3A_218 : vector<32xbf16>
          %swap3A_330 = arith.index_cast %add3A_325 : i32 to index
          %swap3A_331 = arith.index_cast %mul3A_267 : i32 to index
          %swap3A_332 = tpu.vector_load %arg12[%swap3A_330, %swap3A_331] {strides = array<i32>} : memref<128x128xbf16, #tpu.memory_space<vmem>>, vector<32xbf16>,
          tpu.vector_store %arg12[%swap3A_330, %swap3A_331], %mul3A_329 {strides = array<i32>} : memref<128x128xbf16, #tpu.memory_space<vmem>>, vector<32xbf16>,
          %mul3A_333 = arith.constant 16 : i32
          %mul3A_334 = arith.muli %scan3A_194, %mul3A_333 : i32
          %add3A_335 = arith.constant 6 : i32
          %add3A_336 = arith.addi %mul3A_334, %add3A_335 : i32
          %get3A_337 = arith.index_cast %add3A_336 : i32 to index
          %get3A_338 = arith.index_cast %mul3A_267 : i32 to index
          %get3A_339 = tpu.vector_load %arg10[%get3A_337, %get3A_338] {strides = array<i32>} : memref<128x128xbf16, #tpu.memory_space<vmem>>, vector<32xbf16>,
          %mul3A_340 = arith.mulf %get3A_339, %bitcast3A_222 : vector<32xbf16>
          %swap3A_341 = arith.index_cast %add3A_336 : i32 to index
          %swap3A_342 = arith.index_cast %mul3A_267 : i32 to index
          %swap3A_343 = tpu.vector_load %arg12[%swap3A_341, %swap3A_342] {strides = array<i32>} : memref<128x128xbf16, #tpu.memory_space<vmem>>, vector<32xbf16>,
          tpu.vector_store %arg12[%swap3A_341, %swap3A_342], %mul3A_340 {strides = array<i32>} : memref<128x128xbf16, #tpu.memory_space<vmem>>, vector<32xbf16>,
          %mul3A_344 = arith.constant 16 : i32
          %mul3A_345 = arith.muli %scan3A_194, %mul3A_344 : i32
          %add3A_346 = arith.constant 7 : i32
          %add3A_347 = arith.addi %mul3A_345, %add3A_346 : i32
          %get3A_348 = arith.index_cast %add3A_347 : i32 to index
          %get3A_349 = arith.index_cast %mul3A_267 : i32 to index
          %get3A_350 = tpu.vector_load %arg10[%get3A_348, %get3A_349] {strides = array<i32>} : memref<128x128xbf16, #tpu.memory_space<vmem>>, vector<32xbf16>,
          %mul3A_351 = arith.mulf %get3A_350, %bitcast3A_226 : vector<32xbf16>
          %swap3A_352 = arith.index_cast %add3A_347 : i32 to index
          %swap3A_353 = arith.index_cast %mul3A_267 : i32 to index
          %swap3A_354 = tpu.vector_load %arg12[%swap3A_352, %swap3A_353] {strides = array<i32>} : memref<128x128xbf16, #tpu.memory_space<vmem>>, vector<32xbf16>,
          tpu.vector_store %arg12[%swap3A_352, %swap3A_353], %mul3A_351 {strides = array<i32>} : memref<128x128xbf16, #tpu.memory_space<vmem>>, vector<32xbf16>,
          %mul3A_355 = arith.constant 16 : i32
          %mul3A_356 = arith.muli %scan3A_194, %mul3A_355 : i32
          %add3A_357 = arith.constant 8 : i32
          %add3A_358 = arith.addi %mul3A_356, %add3A_357 : i32
          %get3A_359 = arith.index_cast %add3A_358 : i32 to index
          %get3A_360 = arith.index_cast %mul3A_267 : i32 to index
          %get3A_361 = tpu.vector_load %arg10[%get3A_359, %get3A_360] {strides = array<i32>} : memref<128x128xbf16, #tpu.memory_space<vmem>>, vector<32xbf16>,
          %mul3A_362 = arith.mulf %get3A_361, %bitcast3A_230 : vector<32xbf16>
          %swap3A_363 = arith.index_cast %add3A_358 : i32 to index
          %swap3A_364 = arith.index_cast %mul3A_267 : i32 to index
          %swap3A_365 = tpu.vector_load %arg12[%swap3A_363, %swap3A_364] {strides = array<i32>} : memref<128x128xbf16, #tpu.memory_space<vmem>>, vector<32xbf16>,
          tpu.vector_store %arg12[%swap3A_363, %swap3A_364], %mul3A_362 {strides = array<i32>} : memref<128x128xbf16, #tpu.memory_space<vmem>>, vector<32xbf16>,
          %mul3A_366 = arith.constant 16 : i32
          %mul3A_367 = arith.muli %scan3A_194, %mul3A_366 : i32
          %add3A_368 = arith.constant 9 : i32
          %add3A_369 = arith.addi %mul3A_367, %add3A_368 : i32
          %get3A_370 = arith.index_cast %add3A_369 : i32 to index
          %get3A_371 = arith.index_cast %mul3A_267 : i32 to index
          %get3A_372 = tpu.vector_load %arg10[%get3A_370, %get3A_371] {strides = array<i32>} : memref<128x128xbf16, #tpu.memory_space<vmem>>, vector<32xbf16>,
          %mul3A_373 = arith.mulf %get3A_372, %bitcast3A_234 : vector<32xbf16>
          %swap3A_374 = arith.index_cast %add3A_369 : i32 to index
          %swap3A_375 = arith.index_cast %mul3A_267 : i32 to index
          %swap3A_376 = tpu.vector_load %arg12[%swap3A_374, %swap3A_375] {strides = array<i32>} : memref<128x128xbf16, #tpu.memory_space<vmem>>, vector<32xbf16>,
          tpu.vector_store %arg12[%swap3A_374, %swap3A_375], %mul3A_373 {strides = array<i32>} : memref<128x128xbf16, #tpu.memory_space<vmem>>, vector<32xbf16>,
          %mul3A_377 = arith.constant 16 : i32
          %mul3A_378 = arith.muli %scan3A_194, %mul3A_377 : i32
          %add3A_379 = arith.constant 10 : i32
          %add3A_380 = arith.addi %mul3A_378, %add3A_379 : i32
          %get3A_381 = arith.index_cast %add3A_380 : i32 to index
          %get3A_382 = arith.index_cast %mul3A_267 : i32 to index
          %get3A_383 = tpu.vector_load %arg10[%get3A_381, %get3A_382] {strides = array<i32>} : memref<128x128xbf16, #tpu.memory_space<vmem>>, vector<32xbf16>,
          %mul3A_384 = arith.mulf %get3A_383, %bitcast3A_238 : vector<32xbf16>
          %swap3A_385 = arith.index_cast %add3A_380 : i32 to index
          %swap3A_386 = arith.index_cast %mul3A_267 : i32 to index
          %swap3A_387 = tpu.vector_load %arg12[%swap3A_385, %swap3A_386] {strides = array<i32>} : memref<128x128xbf16, #tpu.memory_space<vmem>>, vector<32xbf16>,
          tpu.vector_store %arg12[%swap3A_385, %swap3A_386], %mul3A_384 {strides = array<i32>} : memref<128x128xbf16, #tpu.memory_space<vmem>>, vector<32xbf16>,
          %mul3A_388 = arith.constant 16 : i32
          %mul3A_389 = arith.muli %scan3A_194, %mul3A_388 : i32
          %add3A_390 = arith.constant 11 : i32
          %add3A_391 = arith.addi %mul3A_389, %add3A_390 : i32
          %get3A_392 = arith.index_cast %add3A_391 : i32 to index
          %get3A_393 = arith.index_cast %mul3A_267 : i32 to index
          %get3A_394 = tpu.vector_load %arg10[%get3A_392, %get3A_393] {strides = array<i32>} : memref<128x128xbf16, #tpu.memory_space<vmem>>, vector<32xbf16>,
          %mul3A_395 = arith.mulf %get3A_394, %bitcast3A_242 : vector<32xbf16>
          %swap3A_396 = arith.index_cast %add3A_391 : i32 to index
          %swap3A_397 = arith.index_cast %mul3A_267 : i32 to index
          %swap3A_398 = tpu.vector_load %arg12[%swap3A_396, %swap3A_397] {strides = array<i32>} : memref<128x128xbf16, #tpu.memory_space<vmem>>, vector<32xbf16>,
          tpu.vector_store %arg12[%swap3A_396, %swap3A_397], %mul3A_395 {strides = array<i32>} : memref<128x128xbf16, #tpu.memory_space<vmem>>, vector<32xbf16>,
          %mul3A_399 = arith.constant 16 : i32
          %mul3A_400 = arith.muli %scan3A_194, %mul3A_399 : i32
          %add3A_401 = arith.constant 12 : i32
          %add3A_402 = arith.addi %mul3A_400, %add3A_401 : i32
          %get3A_403 = arith.index_cast %add3A_402 : i32 to index
          %get3A_404 = arith.index_cast %mul3A_267 : i32 to index
          %get3A_405 = tpu.vector_load %arg10[%get3A_403, %get3A_404] {strides = array<i32>} : memref<128x128xbf16, #tpu.memory_space<vmem>>, vector<32xbf16>,
          %mul3A_406 = arith.mulf %get3A_405, %bitcast3A_246 : vector<32xbf16>
          %swap3A_407 = arith.index_cast %add3A_402 : i32 to index
          %swap3A_408 = arith.index_cast %mul3A_267 : i32 to index
          %swap3A_409 = tpu.vector_load %arg12[%swap3A_407, %swap3A_408] {strides = array<i32>} : memref<128x128xbf16, #tpu.memory_space<vmem>>, vector<32xbf16>,
          tpu.vector_store %arg12[%swap3A_407, %swap3A_408], %mul3A_406 {strides = array<i32>} : memref<128x128xbf16, #tpu.memory_space<vmem>>, vector<32xbf16>,
          %mul3A_410 = arith.constant 16 : i32
          %mul3A_411 = arith.muli %scan3A_194, %mul3A_410 : i32
          %add3A_412 = arith.constant 13 : i32
          %add3A_413 = arith.addi %mul3A_411, %add3A_412 : i32
          %get3A_414 = arith.index_cast %add3A_413 : i32 to index
          %get3A_415 = arith.index_cast %mul3A_267 : i32 to index
          %get3A_416 = tpu.vector_load %arg10[%get3A_414, %get3A_415] {strides = array<i32>} : memref<128x128xbf16, #tpu.memory_space<vmem>>, vector<32xbf16>,
          %mul3A_417 = arith.mulf %get3A_416, %bitcast3A_250 : vector<32xbf16>
          %swap3A_418 = arith.index_cast %add3A_413 : i32 to index
          %swap3A_419 = arith.index_cast %mul3A_267 : i32 to index
          %swap3A_420 = tpu.vector_load %arg12[%swap3A_418, %swap3A_419] {strides = array<i32>} : memref<128x128xbf16, #tpu.memory_space<vmem>>, vector<32xbf16>,
          tpu.vector_store %arg12[%swap3A_418, %swap3A_419], %mul3A_417 {strides = array<i32>} : memref<128x128xbf16, #tpu.memory_space<vmem>>, vector<32xbf16>,
          %mul3A_421 = arith.constant 16 : i32
          %mul3A_422 = arith.muli %scan3A_194, %mul3A_421 : i32
          %add3A_423 = arith.constant 14 : i32
          %add3A_424 = arith.addi %mul3A_422, %add3A_423 : i32
          %get3A_425 = arith.index_cast %add3A_424 : i32 to index
          %get3A_426 = arith.index_cast %mul3A_267 : i32 to index
          %get3A_427 = tpu.vector_load %arg10[%get3A_425, %get3A_426] {strides = array<i32>} : memref<128x128xbf16, #tpu.memory_space<vmem>>, vector<32xbf16>,
          %mul3A_428 = arith.mulf %get3A_427, %bitcast3A_254 : vector<32xbf16>
          %swap3A_429 = arith.index_cast %add3A_424 : i32 to index
          %swap3A_430 = arith.index_cast %mul3A_267 : i32 to index
          %swap3A_431 = tpu.vector_load %arg12[%swap3A_429, %swap3A_430] {strides = array<i32>} : memref<128x128xbf16, #tpu.memory_space<vmem>>, vector<32xbf16>,
          tpu.vector_store %arg12[%swap3A_429, %swap3A_430], %mul3A_428 {strides = array<i32>} : memref<128x128xbf16, #tpu.memory_space<vmem>>, vector<32xbf16>,
          %mul3A_432 = arith.constant 16 : i32
          %mul3A_433 = arith.muli %scan3A_194, %mul3A_432 : i32
          %add3A_434 = arith.constant 15 : i32
          %add3A_435 = arith.addi %mul3A_433, %add3A_434 : i32
          %get3A_436 = arith.index_cast %add3A_435 : i32 to index
          %get3A_437 = arith.index_cast %mul3A_267 : i32 to index
          %get3A_438 = tpu.vector_load %arg10[%get3A_436, %get3A_437] {strides = array<i32>} : memref<128x128xbf16, #tpu.memory_space<vmem>>, vector<32xbf16>,
          %mul3A_439 = arith.mulf %get3A_438, %bitcast3A_258 : vector<32xbf16>
          %swap3A_440 = arith.index_cast %add3A_435 : i32 to index
          %swap3A_441 = arith.index_cast %mul3A_267 : i32 to index
          %swap3A_442 = tpu.vector_load %arg12[%swap3A_440, %swap3A_441] {strides = array<i32>} : memref<128x128xbf16, #tpu.memory_space<vmem>>, vector<32xbf16>,
          tpu.vector_store %arg12[%swap3A_440, %swap3A_441], %mul3A_439 {strides = array<i32>} : memref<128x128xbf16, #tpu.memory_space<vmem>>, vector<32xbf16>,
        }
        %scan3A_264 = arith.constant 4 : i32
      }
      %scan3A_144 = arith.constant 8 : i32
      %dma_start3A_145 = arith.constant 0 : i32
      %dma_start3A_146 = tpu.memref_slice %arg8[%add3A_127, %dma_start3A_145] : memref<40x128xi32, #tpu.memory_space<vmem>> -> memref<1x128xi32, #tpu.memory_space<vmem>>
      %dma_start3A_147 = tpu.memref_squeeze %dma_start3A_146 : memref<1x128xi32, #tpu.memory_space<vmem>> -> memref<128xi32, #tpu.memory_space<vmem>>
      %dma_start3A_148 = arith.constant 0 : i32
      %dma_start3A_149 = arith.constant 0 : i32
      %dma_start3A_150 = tpu.memref_slice %arg15[%dma_start3A_148, %dma_start3A_149] : memref<10240x128xbf16, #tpu.memory_space<vmem_shared>> -> memref<10240x128xbf16, #tpu.memory_space<vmem_shared>>
      tpu.enqueue_indirect_dma source(%arg12 : memref<128x128xbf16, #tpu.memory_space<vmem>>) target(%dma_start3A_150 : memref<10240x128xbf16, #tpu.memory_space<vmem_shared>>) offsets(%dma_start3A_147 : memref<128xi32, #tpu.memory_space<vmem>>) semaphore(%arg18 : memref<!tpu.dma_semaphore, #tpu.memory_space<semaphore_mem>>) {add = true}
      %dma_start3A_151 = arith.constant 0 : i32
      %dma_start3A_152 = tpu.memref_slice %arg7[%min3A_130, %dma_start3A_151] : memref<40x128xi32, #tpu.memory_space<vmem>> -> memref<1x128xi32, #tpu.memory_space<vmem>>
      %dma_start3A_153 = tpu.memref_squeeze %dma_start3A_152 : memref<1x128xi32, #tpu.memory_space<vmem>> -> memref<128xi32, #tpu.memory_space<vmem>>
      %dma_start3A_154 = arith.constant 0 : i32
      %dma_start3A_155 = arith.constant 0 : i32
      %dma_start3A_156 = tpu.memref_slice %arg14[%dma_start3A_154, %dma_start3A_155] : memref<10240x128xbf16, #tpu.memory_space<vmem_shared>> -> memref<10240x128xbf16, #tpu.memory_space<vmem_shared>>
      tpu.enqueue_indirect_dma source(%dma_start3A_156 : memref<10240x128xbf16, #tpu.memory_space<vmem_shared>>) target(%arg10 : memref<128x128xbf16, #tpu.memory_space<vmem>>) offsets(%dma_start3A_153 : memref<128xi32, #tpu.memory_space<vmem>>) semaphore(%arg16 : memref<!tpu.dma_semaphore, #tpu.memory_space<semaphore_mem>>)
      %mul3A_157 = arith.constant 2 : i32
      %mul3A_158 = arith.muli %mul3A_157, %scan3A_123 : i32
      %add3A_159 = arith.constant 1 : i32
      %add3A_160 = arith.addi %mul3A_158, %add3A_159 : i32
      %add3A_161 = arith.constant 2 : i32
      %add3A_162 = arith.addi %add3A_160, %add3A_161 : i32
      %min3A_163 = arith.constant 39 : i32
      %min3A_164 = arith.minsi %add3A_162, %min3A_163 : i32
      %dma_wait3A_165 = arith.constant 0 : i32
      %dma_wait3A_166 = tpu.memref_slice %arg7[%add3A_160, %dma_wait3A_165] : memref<40x128xi32, #tpu.memory_space<vmem>> -> memref<1x128xi32, #tpu.memory_space<vmem>>
      %dma_wait3A_167 = tpu.memref_squeeze %dma_wait3A_166 : memref<1x128xi32, #tpu.memory_space<vmem>> -> memref<128xi32, #tpu.memory_space<vmem>>
      %dma_wait3A_168 = arith.constant 0 : i32
      %dma_wait3A_169 = arith.constant 0 : i32
      %dma_wait3A_170 = tpu.memref_slice %arg14[%dma_wait3A_168, %dma_wait3A_169] : memref<10240x128xbf16, #tpu.memory_space<vmem_shared>> -> memref<10240x128xbf16, #tpu.memory_space<vmem_shared>>
      tpu.wait_indirect_dma semaphore(%arg17 : memref<!tpu.dma_semaphore, #tpu.memory_space<semaphore_mem>>) src(%dma_wait3A_170 : memref<10240x128xbf16, #tpu.memory_space<vmem_shared>>) dst(%arg11 : memref<128x128xbf16, #tpu.memory_space<vmem>>)
      %ge3A_171 = arith.constant 2 : i32
      %ge3A_172 = arith.cmpi sge, %add3A_160, %ge3A_171 : i32
      %convert_element_type3A_173 = arith.extui %ge3A_172 : i1 to i32
      %cond3A_174 = arith.constant 0 : i32
      %cond3A_175 = arith.cmpi ne, %convert_element_type3A_173, %cond3A_174 : i32
      scf.if %cond3A_175 {
        %dma_wait3A_194 = arith.constant 0 : i32
        %dma_wait3A_195 = tpu.memref_slice %arg8[%add3A_160, %dma_wait3A_194] : memref<40x128xi32, #tpu.memory_space<vmem>> -> memref<1x128xi32, #tpu.memory_space<vmem>>
        %dma_wait3A_196 = tpu.memref_squeeze %dma_wait3A_195 : memref<1x128xi32, #tpu.memory_space<vmem>> -> memref<128xi32, #tpu.memory_space<vmem>>
        %dma_wait3A_197 = arith.constant 0 : i32
        %dma_wait3A_198 = arith.constant 0 : i32
        %dma_wait3A_199 = tpu.memref_slice %arg15[%dma_wait3A_197, %dma_wait3A_198] : memref<10240x128xbf16, #tpu.memory_space<vmem_shared>> -> memref<10240x128xbf16, #tpu.memory_space<vmem_shared>>
        tpu.wait_indirect_dma semaphore(%arg19 : memref<!tpu.dma_semaphore, #tpu.memory_space<semaphore_mem>>) src(%arg13 : memref<128x128xbf16, #tpu.memory_space<vmem>>) dst(%dma_wait3A_199 : memref<10240x128xbf16, #tpu.memory_space<vmem_shared>>)
      } else {
      }
      %scan3A_176 = arith.constant 0 : i32
      %scan3A_177 = arith.constant 0 : i32
      %scan3A_178 = arith.constant 8 : i32
      %scan3A_179 = arith.addi %scan3A_177, %scan3A_178 : i32
      %scan3A_180 = arith.constant 1 : i32
      scf.for %scan3A_194 = %scan3A_177 to %scan3A_179 step %scan3A_180  : i32 {
        %mul3A_195 = arith.constant 16 : i32
        %mul3A_196 = arith.muli %scan3A_194, %mul3A_195 : i32
        %get3A = arith.index_cast %add3A_160 : i32 to index
        %get3A_197 = arith.index_cast %mul3A_196 : i32 to index
        %get3A_198 = tpu.vector_load %arg9[%get3A, %get3A_197] {strides = array<i32>} : memref<40x128xi32, #tpu.memory_space<vmem>>, vector<16xi32>,
        %slice3A = vector.extract_strided_slice %get3A_198 {offsets = [0], sizes = [1], strides = [1]} : vector<16xi32> to vector<1xi32>
        %squeeze3A = vector.extract %slice3A[0] : i32 from vector<1xi32>
        %broadcast_in_dim3A = vector.broadcast %squeeze3A : i32 to vector<16xi32>
        %bitcast3A = vector.bitcast %broadcast_in_dim3A : vector<16xi32> to vector<32xbf16>
        %slice3A_199 = vector.extract_strided_slice %get3A_198 {offsets = [1], sizes = [1], strides = [1]} : vector<16xi32> to vector<1xi32>
        %squeeze3A_200 = vector.extract %slice3A_199[0] : i32 from vector<1xi32>
        %broadcast_in_dim3A_201 = vector.broadcast %squeeze3A_200 : i32 to vector<16xi32>
        %bitcast3A_202 = vector.bitcast %broadcast_in_dim3A_201 : vector<16xi32> to vector<32xbf16>
        %slice3A_203 = vector.extract_strided_slice %get3A_198 {offsets = [2], sizes = [1], strides = [1]} : vector<16xi32> to vector<1xi32>
        %squeeze3A_204 = vector.extract %slice3A_203[0] : i32 from vector<1xi32>
        %broadcast_in_dim3A_205 = vector.broadcast %squeeze3A_204 : i32 to vector<16xi32>
        %bitcast3A_206 = vector.bitcast %broadcast_in_dim3A_205 : vector<16xi32> to vector<32xbf16>
        %slice3A_207 = vector.extract_strided_slice %get3A_198 {offsets = [3], sizes = [1], strides = [1]} : vector<16xi32> to vector<1xi32>
        %squeeze3A_208 = vector.extract %slice3A_207[0] : i32 from vector<1xi32>
        %broadcast_in_dim3A_209 = vector.broadcast %squeeze3A_208 : i32 to vector<16xi32>
        %bitcast3A_210 = vector.bitcast %broadcast_in_dim3A_209 : vector<16xi32> to vector<32xbf16>
        %slice3A_211 = vector.extract_strided_slice %get3A_198 {offsets = [4], sizes = [1], strides = [1]} : vector<16xi32> to vector<1xi32>
        %squeeze3A_212 = vector.extract %slice3A_211[0] : i32 from vector<1xi32>
        %broadcast_in_dim3A_213 = vector.broadcast %squeeze3A_212 : i32 to vector<16xi32>
        %bitcast3A_214 = vector.bitcast %broadcast_in_dim3A_213 : vector<16xi32> to vector<32xbf16>
        %slice3A_215 = vector.extract_strided_slice %get3A_198 {offsets = [5], sizes = [1], strides = [1]} : vector<16xi32> to vector<1xi32>
        %squeeze3A_216 = vector.extract %slice3A_215[0] : i32 from vector<1xi32>
        %broadcast_in_dim3A_217 = vector.broadcast %squeeze3A_216 : i32 to vector<16xi32>
        %bitcast3A_218 = vector.bitcast %broadcast_in_dim3A_217 : vector<16xi32> to vector<32xbf16>
        %slice3A_219 = vector.extract_strided_slice %get3A_198 {offsets = [6], sizes = [1], strides = [1]} : vector<16xi32> to vector<1xi32>
        %squeeze3A_220 = vector.extract %slice3A_219[0] : i32 from vector<1xi32>
        %broadcast_in_dim3A_221 = vector.broadcast %squeeze3A_220 : i32 to vector<16xi32>
        %bitcast3A_222 = vector.bitcast %broadcast_in_dim3A_221 : vector<16xi32> to vector<32xbf16>
        %slice3A_223 = vector.extract_strided_slice %get3A_198 {offsets = [7], sizes = [1], strides = [1]} : vector<16xi32> to vector<1xi32>
        %squeeze3A_224 = vector.extract %slice3A_223[0] : i32 from vector<1xi32>
        %broadcast_in_dim3A_225 = vector.broadcast %squeeze3A_224 : i32 to vector<16xi32>
        %bitcast3A_226 = vector.bitcast %broadcast_in_dim3A_225 : vector<16xi32> to vector<32xbf16>
        %slice3A_227 = vector.extract_strided_slice %get3A_198 {offsets = [8], sizes = [1], strides = [1]} : vector<16xi32> to vector<1xi32>
        %squeeze3A_228 = vector.extract %slice3A_227[0] : i32 from vector<1xi32>
        %broadcast_in_dim3A_229 = vector.broadcast %squeeze3A_228 : i32 to vector<16xi32>
        %bitcast3A_230 = vector.bitcast %broadcast_in_dim3A_229 : vector<16xi32> to vector<32xbf16>
        %slice3A_231 = vector.extract_strided_slice %get3A_198 {offsets = [9], sizes = [1], strides = [1]} : vector<16xi32> to vector<1xi32>
        %squeeze3A_232 = vector.extract %slice3A_231[0] : i32 from vector<1xi32>
        %broadcast_in_dim3A_233 = vector.broadcast %squeeze3A_232 : i32 to vector<16xi32>
        %bitcast3A_234 = vector.bitcast %broadcast_in_dim3A_233 : vector<16xi32> to vector<32xbf16>
        %slice3A_235 = vector.extract_strided_slice %get3A_198 {offsets = [10], sizes = [1], strides = [1]} : vector<16xi32> to vector<1xi32>
        %squeeze3A_236 = vector.extract %slice3A_235[0] : i32 from vector<1xi32>
        %broadcast_in_dim3A_237 = vector.broadcast %squeeze3A_236 : i32 to vector<16xi32>
        %bitcast3A_238 = vector.bitcast %broadcast_in_dim3A_237 : vector<16xi32> to vector<32xbf16>
        %slice3A_239 = vector.extract_strided_slice %get3A_198 {offsets = [11], sizes = [1], strides = [1]} : vector<16xi32> to vector<1xi32>
        %squeeze3A_240 = vector.extract %slice3A_239[0] : i32 from vector<1xi32>
        %broadcast_in_dim3A_241 = vector.broadcast %squeeze3A_240 : i32 to vector<16xi32>
        %bitcast3A_242 = vector.bitcast %broadcast_in_dim3A_241 : vector<16xi32> to vector<32xbf16>
        %slice3A_243 = vector.extract_strided_slice %get3A_198 {offsets = [12], sizes = [1], strides = [1]} : vector<16xi32> to vector<1xi32>
        %squeeze3A_244 = vector.extract %slice3A_243[0] : i32 from vector<1xi32>
        %broadcast_in_dim3A_245 = vector.broadcast %squeeze3A_244 : i32 to vector<16xi32>
        %bitcast3A_246 = vector.bitcast %broadcast_in_dim3A_245 : vector<16xi32> to vector<32xbf16>
        %slice3A_247 = vector.extract_strided_slice %get3A_198 {offsets = [13], sizes = [1], strides = [1]} : vector<16xi32> to vector<1xi32>
        %squeeze3A_248 = vector.extract %slice3A_247[0] : i32 from vector<1xi32>
        %broadcast_in_dim3A_249 = vector.broadcast %squeeze3A_248 : i32 to vector<16xi32>
        %bitcast3A_250 = vector.bitcast %broadcast_in_dim3A_249 : vector<16xi32> to vector<32xbf16>
        %slice3A_251 = vector.extract_strided_slice %get3A_198 {offsets = [14], sizes = [1], strides = [1]} : vector<16xi32> to vector<1xi32>
        %squeeze3A_252 = vector.extract %slice3A_251[0] : i32 from vector<1xi32>
        %broadcast_in_dim3A_253 = vector.broadcast %squeeze3A_252 : i32 to vector<16xi32>
        %bitcast3A_254 = vector.bitcast %broadcast_in_dim3A_253 : vector<16xi32> to vector<32xbf16>
        %slice3A_255 = vector.extract_strided_slice %get3A_198 {offsets = [15], sizes = [1], strides = [1]} : vector<16xi32> to vector<1xi32>
        %squeeze3A_256 = vector.extract %slice3A_255[0] : i32 from vector<1xi32>
        %broadcast_in_dim3A_257 = vector.broadcast %squeeze3A_256 : i32 to vector<16xi32>
        %bitcast3A_258 = vector.bitcast %broadcast_in_dim3A_257 : vector<16xi32> to vector<32xbf16>
        %scan3A_259 = arith.constant 0 : i32
        %scan3A_260 = arith.constant 0 : i32
        %scan3A_261 = arith.constant 4 : i32
        %scan3A_262 = arith.addi %scan3A_260, %scan3A_261 : i32
        %scan3A_263 = arith.constant 1 : i32
        scf.for %scan3A_265 = %scan3A_260 to %scan3A_262 step %scan3A_263  : i32 {
          %mul3A_266 = arith.constant 32 : i32
          %mul3A_267 = arith.muli %scan3A_265, %mul3A_266 : i32
          %mul3A_268 = arith.constant 16 : i32
          %mul3A_269 = arith.muli %scan3A_194, %mul3A_268 : i32
          %add3A_270 = arith.constant 0 : i32
          %add3A_271 = arith.addi %mul3A_269, %add3A_270 : i32
          %get3A_272 = arith.index_cast %add3A_271 : i32 to index
          %get3A_273 = arith.index_cast %mul3A_267 : i32 to index
          %get3A_274 = tpu.vector_load %arg11[%get3A_272, %get3A_273] {strides = array<i32>} : memref<128x128xbf16, #tpu.memory_space<vmem>>, vector<32xbf16>,
          %mul3A_275 = arith.mulf %get3A_274, %bitcast3A : vector<32xbf16>
          %swap3A = arith.index_cast %add3A_271 : i32 to index
          %swap3A_276 = arith.index_cast %mul3A_267 : i32 to index
          %swap3A_277 = tpu.vector_load %arg13[%swap3A, %swap3A_276] {strides = array<i32>} : memref<128x128xbf16, #tpu.memory_space<vmem>>, vector<32xbf16>,
          tpu.vector_store %arg13[%swap3A, %swap3A_276], %mul3A_275 {strides = array<i32>} : memref<128x128xbf16, #tpu.memory_space<vmem>>, vector<32xbf16>,
          %mul3A_278 = arith.constant 16 : i32
          %mul3A_279 = arith.muli %scan3A_194, %mul3A_278 : i32
          %add3A_280 = arith.constant 1 : i32
          %add3A_281 = arith.addi %mul3A_279, %add3A_280 : i32
          %get3A_282 = arith.index_cast %add3A_281 : i32 to index
          %get3A_283 = arith.index_cast %mul3A_267 : i32 to index
          %get3A_284 = tpu.vector_load %arg11[%get3A_282, %get3A_283] {strides = array<i32>} : memref<128x128xbf16, #tpu.memory_space<vmem>>, vector<32xbf16>,
          %mul3A_285 = arith.mulf %get3A_284, %bitcast3A_202 : vector<32xbf16>
          %swap3A_286 = arith.index_cast %add3A_281 : i32 to index
          %swap3A_287 = arith.index_cast %mul3A_267 : i32 to index
          %swap3A_288 = tpu.vector_load %arg13[%swap3A_286, %swap3A_287] {strides = array<i32>} : memref<128x128xbf16, #tpu.memory_space<vmem>>, vector<32xbf16>,
          tpu.vector_store %arg13[%swap3A_286, %swap3A_287], %mul3A_285 {strides = array<i32>} : memref<128x128xbf16, #tpu.memory_space<vmem>>, vector<32xbf16>,
          %mul3A_289 = arith.constant 16 : i32
          %mul3A_290 = arith.muli %scan3A_194, %mul3A_289 : i32
          %add3A_291 = arith.constant 2 : i32
          %add3A_292 = arith.addi %mul3A_290, %add3A_291 : i32
          %get3A_293 = arith.index_cast %add3A_292 : i32 to index
          %get3A_294 = arith.index_cast %mul3A_267 : i32 to index
          %get3A_295 = tpu.vector_load %arg11[%get3A_293, %get3A_294] {strides = array<i32>} : memref<128x128xbf16, #tpu.memory_space<vmem>>, vector<32xbf16>,
          %mul3A_296 = arith.mulf %get3A_295, %bitcast3A_206 : vector<32xbf16>
          %swap3A_297 = arith.index_cast %add3A_292 : i32 to index
          %swap3A_298 = arith.index_cast %mul3A_267 : i32 to index
          %swap3A_299 = tpu.vector_load %arg13[%swap3A_297, %swap3A_298] {strides = array<i32>} : memref<128x128xbf16, #tpu.memory_space<vmem>>, vector<32xbf16>,
          tpu.vector_store %arg13[%swap3A_297, %swap3A_298], %mul3A_296 {strides = array<i32>} : memref<128x128xbf16, #tpu.memory_space<vmem>>, vector<32xbf16>,
          %mul3A_300 = arith.constant 16 : i32
          %mul3A_301 = arith.muli %scan3A_194, %mul3A_300 : i32
          %add3A_302 = arith.constant 3 : i32
          %add3A_303 = arith.addi %mul3A_301, %add3A_302 : i32
          %get3A_304 = arith.index_cast %add3A_303 : i32 to index
          %get3A_305 = arith.index_cast %mul3A_267 : i32 to index
          %get3A_306 = tpu.vector_load %arg11[%get3A_304, %get3A_305] {strides = array<i32>} : memref<128x128xbf16, #tpu.memory_space<vmem>>, vector<32xbf16>,
          %mul3A_307 = arith.mulf %get3A_306, %bitcast3A_210 : vector<32xbf16>
          %swap3A_308 = arith.index_cast %add3A_303 : i32 to index
          %swap3A_309 = arith.index_cast %mul3A_267 : i32 to index
          %swap3A_310 = tpu.vector_load %arg13[%swap3A_308, %swap3A_309] {strides = array<i32>} : memref<128x128xbf16, #tpu.memory_space<vmem>>, vector<32xbf16>,
          tpu.vector_store %arg13[%swap3A_308, %swap3A_309], %mul3A_307 {strides = array<i32>} : memref<128x128xbf16, #tpu.memory_space<vmem>>, vector<32xbf16>,
          %mul3A_311 = arith.constant 16 : i32
          %mul3A_312 = arith.muli %scan3A_194, %mul3A_311 : i32
          %add3A_313 = arith.constant 4 : i32
          %add3A_314 = arith.addi %mul3A_312, %add3A_313 : i32
          %get3A_315 = arith.index_cast %add3A_314 : i32 to index
          %get3A_316 = arith.index_cast %mul3A_267 : i32 to index
          %get3A_317 = tpu.vector_load %arg11[%get3A_315, %get3A_316] {strides = array<i32>} : memref<128x128xbf16, #tpu.memory_space<vmem>>, vector<32xbf16>,
          %mul3A_318 = arith.mulf %get3A_317, %bitcast3A_214 : vector<32xbf16>
          %swap3A_319 = arith.index_cast %add3A_314 : i32 to index
          %swap3A_320 = arith.index_cast %mul3A_267 : i32 to index
          %swap3A_321 = tpu.vector_load %arg13[%swap3A_319, %swap3A_320] {strides = array<i32>} : memref<128x128xbf16, #tpu.memory_space<vmem>>, vector<32xbf16>,
          tpu.vector_store %arg13[%swap3A_319, %swap3A_320], %mul3A_318 {strides = array<i32>} : memref<128x128xbf16, #tpu.memory_space<vmem>>, vector<32xbf16>,
          %mul3A_322 = arith.constant 16 : i32
          %mul3A_323 = arith.muli %scan3A_194, %mul3A_322 : i32
          %add3A_324 = arith.constant 5 : i32
          %add3A_325 = arith.addi %mul3A_323, %add3A_324 : i32
          %get3A_326 = arith.index_cast %add3A_325 : i32 to index
          %get3A_327 = arith.index_cast %mul3A_267 : i32 to index
          %get3A_328 = tpu.vector_load %arg11[%get3A_326, %get3A_327] {strides = array<i32>} : memref<128x128xbf16, #tpu.memory_space<vmem>>, vector<32xbf16>,
          %mul3A_329 = arith.mulf %get3A_328, %bitcast3A_218 : vector<32xbf16>
          %swap3A_330 = arith.index_cast %add3A_325 : i32 to index
          %swap3A_331 = arith.index_cast %mul3A_267 : i32 to index
          %swap3A_332 = tpu.vector_load %arg13[%swap3A_330, %swap3A_331] {strides = array<i32>} : memref<128x128xbf16, #tpu.memory_space<vmem>>, vector<32xbf16>,
          tpu.vector_store %arg13[%swap3A_330, %swap3A_331], %mul3A_329 {strides = array<i32>} : memref<128x128xbf16, #tpu.memory_space<vmem>>, vector<32xbf16>,
          %mul3A_333 = arith.constant 16 : i32
          %mul3A_334 = arith.muli %scan3A_194, %mul3A_333 : i32
          %add3A_335 = arith.constant 6 : i32
          %add3A_336 = arith.addi %mul3A_334, %add3A_335 : i32
          %get3A_337 = arith.index_cast %add3A_336 : i32 to index
          %get3A_338 = arith.index_cast %mul3A_267 : i32 to index
          %get3A_339 = tpu.vector_load %arg11[%get3A_337, %get3A_338] {strides = array<i32>} : memref<128x128xbf16, #tpu.memory_space<vmem>>, vector<32xbf16>,
          %mul3A_340 = arith.mulf %get3A_339, %bitcast3A_222 : vector<32xbf16>
          %swap3A_341 = arith.index_cast %add3A_336 : i32 to index
          %swap3A_342 = arith.index_cast %mul3A_267 : i32 to index
          %swap3A_343 = tpu.vector_load %arg13[%swap3A_341, %swap3A_342] {strides = array<i32>} : memref<128x128xbf16, #tpu.memory_space<vmem>>, vector<32xbf16>,
          tpu.vector_store %arg13[%swap3A_341, %swap3A_342], %mul3A_340 {strides = array<i32>} : memref<128x128xbf16, #tpu.memory_space<vmem>>, vector<32xbf16>,
          %mul3A_344 = arith.constant 16 : i32
          %mul3A_345 = arith.muli %scan3A_194, %mul3A_344 : i32
          %add3A_346 = arith.constant 7 : i32
          %add3A_347 = arith.addi %mul3A_345, %add3A_346 : i32
          %get3A_348 = arith.index_cast %add3A_347 : i32 to index
          %get3A_349 = arith.index_cast %mul3A_267 : i32 to index
          %get3A_350 = tpu.vector_load %arg11[%get3A_348, %get3A_349] {strides = array<i32>} : memref<128x128xbf16, #tpu.memory_space<vmem>>, vector<32xbf16>,
          %mul3A_351 = arith.mulf %get3A_350, %bitcast3A_226 : vector<32xbf16>
          %swap3A_352 = arith.index_cast %add3A_347 : i32 to index
          %swap3A_353 = arith.index_cast %mul3A_267 : i32 to index
          %swap3A_354 = tpu.vector_load %arg13[%swap3A_352, %swap3A_353] {strides = array<i32>} : memref<128x128xbf16, #tpu.memory_space<vmem>>, vector<32xbf16>,
          tpu.vector_store %arg13[%swap3A_352, %swap3A_353], %mul3A_351 {strides = array<i32>} : memref<128x128xbf16, #tpu.memory_space<vmem>>, vector<32xbf16>,
          %mul3A_355 = arith.constant 16 : i32
          %mul3A_356 = arith.muli %scan3A_194, %mul3A_355 : i32
          %add3A_357 = arith.constant 8 : i32
          %add3A_358 = arith.addi %mul3A_356, %add3A_357 : i32
          %get3A_359 = arith.index_cast %add3A_358 : i32 to index
          %get3A_360 = arith.index_cast %mul3A_267 : i32 to index
          %get3A_361 = tpu.vector_load %arg11[%get3A_359, %get3A_360] {strides = array<i32>} : memref<128x128xbf16, #tpu.memory_space<vmem>>, vector<32xbf16>,
          %mul3A_362 = arith.mulf %get3A_361, %bitcast3A_230 : vector<32xbf16>
          %swap3A_363 = arith.index_cast %add3A_358 : i32 to index
          %swap3A_364 = arith.index_cast %mul3A_267 : i32 to index
          %swap3A_365 = tpu.vector_load %arg13[%swap3A_363, %swap3A_364] {strides = array<i32>} : memref<128x128xbf16, #tpu.memory_space<vmem>>, vector<32xbf16>,
          tpu.vector_store %arg13[%swap3A_363, %swap3A_364], %mul3A_362 {strides = array<i32>} : memref<128x128xbf16, #tpu.memory_space<vmem>>, vector<32xbf16>,
          %mul3A_366 = arith.constant 16 : i32
          %mul3A_367 = arith.muli %scan3A_194, %mul3A_366 : i32
          %add3A_368 = arith.constant 9 : i32
          %add3A_369 = arith.addi %mul3A_367, %add3A_368 : i32
          %get3A_370 = arith.index_cast %add3A_369 : i32 to index
          %get3A_371 = arith.index_cast %mul3A_267 : i32 to index
          %get3A_372 = tpu.vector_load %arg11[%get3A_370, %get3A_371] {strides = array<i32>} : memref<128x128xbf16, #tpu.memory_space<vmem>>, vector<32xbf16>,
          %mul3A_373 = arith.mulf %get3A_372, %bitcast3A_234 : vector<32xbf16>
          %swap3A_374 = arith.index_cast %add3A_369 : i32 to index
          %swap3A_375 = arith.index_cast %mul3A_267 : i32 to index
          %swap3A_376 = tpu.vector_load %arg13[%swap3A_374, %swap3A_375] {strides = array<i32>} : memref<128x128xbf16, #tpu.memory_space<vmem>>, vector<32xbf16>,
          tpu.vector_store %arg13[%swap3A_374, %swap3A_375], %mul3A_373 {strides = array<i32>} : memref<128x128xbf16, #tpu.memory_space<vmem>>, vector<32xbf16>,
          %mul3A_377 = arith.constant 16 : i32
          %mul3A_378 = arith.muli %scan3A_194, %mul3A_377 : i32
          %add3A_379 = arith.constant 10 : i32
          %add3A_380 = arith.addi %mul3A_378, %add3A_379 : i32
          %get3A_381 = arith.index_cast %add3A_380 : i32 to index
          %get3A_382 = arith.index_cast %mul3A_267 : i32 to index
          %get3A_383 = tpu.vector_load %arg11[%get3A_381, %get3A_382] {strides = array<i32>} : memref<128x128xbf16, #tpu.memory_space<vmem>>, vector<32xbf16>,
          %mul3A_384 = arith.mulf %get3A_383, %bitcast3A_238 : vector<32xbf16>
          %swap3A_385 = arith.index_cast %add3A_380 : i32 to index
          %swap3A_386 = arith.index_cast %mul3A_267 : i32 to index
          %swap3A_387 = tpu.vector_load %arg13[%swap3A_385, %swap3A_386] {strides = array<i32>} : memref<128x128xbf16, #tpu.memory_space<vmem>>, vector<32xbf16>,
          tpu.vector_store %arg13[%swap3A_385, %swap3A_386], %mul3A_384 {strides = array<i32>} : memref<128x128xbf16, #tpu.memory_space<vmem>>, vector<32xbf16>,
          %mul3A_388 = arith.constant 16 : i32
          %mul3A_389 = arith.muli %scan3A_194, %mul3A_388 : i32
          %add3A_390 = arith.constant 11 : i32
          %add3A_391 = arith.addi %mul3A_389, %add3A_390 : i32
          %get3A_392 = arith.index_cast %add3A_391 : i32 to index
          %get3A_393 = arith.index_cast %mul3A_267 : i32 to index
          %get3A_394 = tpu.vector_load %arg11[%get3A_392, %get3A_393] {strides = array<i32>} : memref<128x128xbf16, #tpu.memory_space<vmem>>, vector<32xbf16>,
          %mul3A_395 = arith.mulf %get3A_394, %bitcast3A_242 : vector<32xbf16>
          %swap3A_396 = arith.index_cast %add3A_391 : i32 to index
          %swap3A_397 = arith.index_cast %mul3A_267 : i32 to index
          %swap3A_398 = tpu.vector_load %arg13[%swap3A_396, %swap3A_397] {strides = array<i32>} : memref<128x128xbf16, #tpu.memory_space<vmem>>, vector<32xbf16>,
          tpu.vector_store %arg13[%swap3A_396, %swap3A_397], %mul3A_395 {strides = array<i32>} : memref<128x128xbf16, #tpu.memory_space<vmem>>, vector<32xbf16>,
          %mul3A_399 = arith.constant 16 : i32
          %mul3A_400 = arith.muli %scan3A_194, %mul3A_399 : i32
          %add3A_401 = arith.constant 12 : i32
          %add3A_402 = arith.addi %mul3A_400, %add3A_401 : i32
          %get3A_403 = arith.index_cast %add3A_402 : i32 to index
          %get3A_404 = arith.index_cast %mul3A_267 : i32 to index
          %get3A_405 = tpu.vector_load %arg11[%get3A_403, %get3A_404] {strides = array<i32>} : memref<128x128xbf16, #tpu.memory_space<vmem>>, vector<32xbf16>,
          %mul3A_406 = arith.mulf %get3A_405, %bitcast3A_246 : vector<32xbf16>
          %swap3A_407 = arith.index_cast %add3A_402 : i32 to index
          %swap3A_408 = arith.index_cast %mul3A_267 : i32 to index
          %swap3A_409 = tpu.vector_load %arg13[%swap3A_407, %swap3A_408] {strides = array<i32>} : memref<128x128xbf16, #tpu.memory_space<vmem>>, vector<32xbf16>,
          tpu.vector_store %arg13[%swap3A_407, %swap3A_408], %mul3A_406 {strides = array<i32>} : memref<128x128xbf16, #tpu.memory_space<vmem>>, vector<32xbf16>,
          %mul3A_410 = arith.constant 16 : i32
          %mul3A_411 = arith.muli %scan3A_194, %mul3A_410 : i32
          %add3A_412 = arith.constant 13 : i32
          %add3A_413 = arith.addi %mul3A_411, %add3A_412 : i32
          %get3A_414 = arith.index_cast %add3A_413 : i32 to index
          %get3A_415 = arith.index_cast %mul3A_267 : i32 to index
          %get3A_416 = tpu.vector_load %arg11[%get3A_414, %get3A_415] {strides = array<i32>} : memref<128x128xbf16, #tpu.memory_space<vmem>>, vector<32xbf16>,
          %mul3A_417 = arith.mulf %get3A_416, %bitcast3A_250 : vector<32xbf16>
          %swap3A_418 = arith.index_cast %add3A_413 : i32 to index
          %swap3A_419 = arith.index_cast %mul3A_267 : i32 to index
          %swap3A_420 = tpu.vector_load %arg13[%swap3A_418, %swap3A_419] {strides = array<i32>} : memref<128x128xbf16, #tpu.memory_space<vmem>>, vector<32xbf16>,
          tpu.vector_store %arg13[%swap3A_418, %swap3A_419], %mul3A_417 {strides = array<i32>} : memref<128x128xbf16, #tpu.memory_space<vmem>>, vector<32xbf16>,
          %mul3A_421 = arith.constant 16 : i32
          %mul3A_422 = arith.muli %scan3A_194, %mul3A_421 : i32
          %add3A_423 = arith.constant 14 : i32
          %add3A_424 = arith.addi %mul3A_422, %add3A_423 : i32
          %get3A_425 = arith.index_cast %add3A_424 : i32 to index
          %get3A_426 = arith.index_cast %mul3A_267 : i32 to index
          %get3A_427 = tpu.vector_load %arg11[%get3A_425, %get3A_426] {strides = array<i32>} : memref<128x128xbf16, #tpu.memory_space<vmem>>, vector<32xbf16>,
          %mul3A_428 = arith.mulf %get3A_427, %bitcast3A_254 : vector<32xbf16>
          %swap3A_429 = arith.index_cast %add3A_424 : i32 to index
          %swap3A_430 = arith.index_cast %mul3A_267 : i32 to index
          %swap3A_431 = tpu.vector_load %arg13[%swap3A_429, %swap3A_430] {strides = array<i32>} : memref<128x128xbf16, #tpu.memory_space<vmem>>, vector<32xbf16>,
          tpu.vector_store %arg13[%swap3A_429, %swap3A_430], %mul3A_428 {strides = array<i32>} : memref<128x128xbf16, #tpu.memory_space<vmem>>, vector<32xbf16>,
          %mul3A_432 = arith.constant 16 : i32
          %mul3A_433 = arith.muli %scan3A_194, %mul3A_432 : i32
          %add3A_434 = arith.constant 15 : i32
          %add3A_435 = arith.addi %mul3A_433, %add3A_434 : i32
          %get3A_436 = arith.index_cast %add3A_435 : i32 to index
          %get3A_437 = arith.index_cast %mul3A_267 : i32 to index
          %get3A_438 = tpu.vector_load %arg11[%get3A_436, %get3A_437] {strides = array<i32>} : memref<128x128xbf16, #tpu.memory_space<vmem>>, vector<32xbf16>,
          %mul3A_439 = arith.mulf %get3A_438, %bitcast3A_258 : vector<32xbf16>
          %swap3A_440 = arith.index_cast %add3A_435 : i32 to index
          %swap3A_441 = arith.index_cast %mul3A_267 : i32 to index
          %swap3A_442 = tpu.vector_load %arg13[%swap3A_440, %swap3A_441] {strides = array<i32>} : memref<128x128xbf16, #tpu.memory_space<vmem>>, vector<32xbf16>,
          tpu.vector_store %arg13[%swap3A_440, %swap3A_441], %mul3A_439 {strides = array<i32>} : memref<128x128xbf16, #tpu.memory_space<vmem>>, vector<32xbf16>,
        }
        %scan3A_264 = arith.constant 4 : i32
      }
      %scan3A_181 = arith.constant 8 : i32
      %dma_start3A_182 = arith.constant 0 : i32
      %dma_start3A_183 = tpu.memref_slice %arg8[%add3A_160, %dma_start3A_182] : memref<40x128xi32, #tpu.memory_space<vmem>> -> memref<1x128xi32, #tpu.memory_space<vmem>>
      %dma_start3A_184 = tpu.memref_squeeze %dma_start3A_183 : memref<1x128xi32, #tpu.memory_space<vmem>> -> memref<128xi32, #tpu.memory_space<vmem>>
      %dma_start3A_185 = arith.constant 0 : i32
      %dma_start3A_186 = arith.constant 0 : i32
      %dma_start3A_187 = tpu.memref_slice %arg15[%dma_start3A_185, %dma_start3A_186] : memref<10240x128xbf16, #tpu.memory_space<vmem_shared>> -> memref<10240x128xbf16, #tpu.memory_space<vmem_shared>>
      tpu.enqueue_indirect_dma source(%arg13 : memref<128x128xbf16, #tpu.memory_space<vmem>>) target(%dma_start3A_187 : memref<10240x128xbf16, #tpu.memory_space<vmem_shared>>) offsets(%dma_start3A_184 : memref<128xi32, #tpu.memory_space<vmem>>) semaphore(%arg19 : memref<!tpu.dma_semaphore, #tpu.memory_space<semaphore_mem>>) {add = true}
      %dma_start3A_188 = arith.constant 0 : i32
      %dma_start3A_189 = tpu.memref_slice %arg7[%min3A_164, %dma_start3A_188] : memref<40x128xi32, #tpu.memory_space<vmem>> -> memref<1x128xi32, #tpu.memory_space<vmem>>
      %dma_start3A_190 = tpu.memref_squeeze %dma_start3A_189 : memref<1x128xi32, #tpu.memory_space<vmem>> -> memref<128xi32, #tpu.memory_space<vmem>>
      %dma_start3A_191 = arith.constant 0 : i32
      %dma_start3A_192 = arith.constant 0 : i32
      %dma_start3A_193 = tpu.memref_slice %arg14[%dma_start3A_191, %dma_start3A_192] : memref<10240x128xbf16, #tpu.memory_space<vmem_shared>> -> memref<10240x128xbf16, #tpu.memory_space<vmem_shared>>
      tpu.enqueue_indirect_dma source(%dma_start3A_193 : memref<10240x128xbf16, #tpu.memory_space<vmem_shared>>) target(%arg11 : memref<128x128xbf16, #tpu.memory_space<vmem>>) offsets(%dma_start3A_190 : memref<128xi32, #tpu.memory_space<vmem>>) semaphore(%arg17 : memref<!tpu.dma_semaphore, #tpu.memory_space<semaphore_mem>>)
    }
    %scan3A_83 = arith.constant 20 : i32
    %dma_wait3A_84 = arith.constant 0 : i32
    %dma_wait3A_85 = arith.constant 0 : i32
    %dma_wait3A_86 = tpu.memref_slice %arg7[%dma_wait3A_84, %dma_wait3A_85] : memref<40x128xi32, #tpu.memory_space<vmem>> -> memref<1x128xi32, #tpu.memory_space<vmem>>
    %dma_wait3A_87 = tpu.memref_squeeze %dma_wait3A_86 : memref<1x128xi32, #tpu.memory_space<vmem>> -> memref<128xi32, #tpu.memory_space<vmem>>
    %dma_wait3A_88 = arith.constant 0 : i32
    %dma_wait3A_89 = arith.constant 0 : i32
    %dma_wait3A_90 = tpu.memref_slice %arg14[%dma_wait3A_88, %dma_wait3A_89] : memref<10240x128xbf16, #tpu.memory_space<vmem_shared>> -> memref<10240x128xbf16, #tpu.memory_space<vmem_shared>>
    tpu.wait_indirect_dma semaphore(%arg16 : memref<!tpu.dma_semaphore, #tpu.memory_space<semaphore_mem>>) src(%dma_wait3A_90 : memref<10240x128xbf16, #tpu.memory_space<vmem_shared>>) dst(%arg10 : memref<128x128xbf16, #tpu.memory_space<vmem>>)
    %dma_wait3A_91 = arith.constant 0 : i32
    %dma_wait3A_92 = arith.constant 0 : i32
    %dma_wait3A_93 = tpu.memref_slice %arg8[%dma_wait3A_91, %dma_wait3A_92] : memref<40x128xi32, #tpu.memory_space<vmem>> -> memref<1x128xi32, #tpu.memory_space<vmem>>
    %dma_wait3A_94 = tpu.memref_squeeze %dma_wait3A_93 : memref<1x128xi32, #tpu.memory_space<vmem>> -> memref<128xi32, #tpu.memory_space<vmem>>
    %dma_wait3A_95 = arith.constant 0 : i32
    %dma_wait3A_96 = arith.constant 0 : i32
    %dma_wait3A_97 = tpu.memref_slice %arg15[%dma_wait3A_95, %dma_wait3A_96] : memref<10240x128xbf16, #tpu.memory_space<vmem_shared>> -> memref<10240x128xbf16, #tpu.memory_space<vmem_shared>>
    tpu.wait_indirect_dma semaphore(%arg18 : memref<!tpu.dma_semaphore, #tpu.memory_space<semaphore_mem>>) src(%arg12 : memref<128x128xbf16, #tpu.memory_space<vmem>>) dst(%dma_wait3A_97 : memref<10240x128xbf16, #tpu.memory_space<vmem_shared>>)
    %dma_wait3A_98 = arith.constant 0 : i32
    %dma_wait3A_99 = arith.constant 0 : i32
    %dma_wait3A_100 = tpu.memref_slice %arg7[%dma_wait3A_98, %dma_wait3A_99] : memref<40x128xi32, #tpu.memory_space<vmem>> -> memref<1x128xi32, #tpu.memory_space<vmem>>
    %dma_wait3A_101 = tpu.memref_squeeze %dma_wait3A_100 : memref<1x128xi32, #tpu.memory_space<vmem>> -> memref<128xi32, #tpu.memory_space<vmem>>
    %dma_wait3A_102 = arith.constant 0 : i32
    %dma_wait3A_103 = arith.constant 0 : i32
    %dma_wait3A_104 = tpu.memref_slice %arg14[%dma_wait3A_102, %dma_wait3A_103] : memref<10240x128xbf16, #tpu.memory_space<vmem_shared>> -> memref<10240x128xbf16, #tpu.memory_space<vmem_shared>>
    tpu.wait_indirect_dma semaphore(%arg17 : memref<!tpu.dma_semaphore, #tpu.memory_space<semaphore_mem>>) src(%dma_wait3A_104 : memref<10240x128xbf16, #tpu.memory_space<vmem_shared>>) dst(%arg11 : memref<128x128xbf16, #tpu.memory_space<vmem>>)
    %dma_wait3A_105 = arith.constant 0 : i32
    %dma_wait3A_106 = arith.constant 0 : i32
    %dma_wait3A_107 = tpu.memref_slice %arg8[%dma_wait3A_105, %dma_wait3A_106] : memref<40x128xi32, #tpu.memory_space<vmem>> -> memref<1x128xi32, #tpu.memory_space<vmem>>
    %dma_wait3A_108 = tpu.memref_squeeze %dma_wait3A_107 : memref<1x128xi32, #tpu.memory_space<vmem>> -> memref<128xi32, #tpu.memory_space<vmem>>
    %dma_wait3A_109 = arith.constant 0 : i32
    %dma_wait3A_110 = arith.constant 0 : i32
    %dma_wait3A_111 = tpu.memref_slice %arg15[%dma_wait3A_109, %dma_wait3A_110] : memref<10240x128xbf16, #tpu.memory_space<vmem_shared>> -> memref<10240x128xbf16, #tpu.memory_space<vmem_shared>>
    tpu.wait_indirect_dma semaphore(%arg19 : memref<!tpu.dma_semaphore, #tpu.memory_space<semaphore_mem>>) src(%arg13 : memref<128x128xbf16, #tpu.memory_space<vmem>>) dst(%dma_wait3A_111 : memref<10240x128xbf16, #tpu.memory_space<vmem_shared>>)
    %barrier3A_112 = arith.constant 0 : index
    tpu.barrier barrier_id(%barrier3A_112)
    %add3A_113 = arith.constant 0 : i32
    %add3A_114 = arith.addi %mul3A_2, %add3A_113 : i32
    "tpu.region"() ({
      %run_scoped3A = tpu.sem_alloc : memref<!tpu.dma_semaphore, #tpu.memory_space<semaphore_mem>>
      %dma_start3A_123 = arith.constant 0 : i32
      %dma_start3A_124 = tpu.memref_slice %arg6[%arg0, %add3A_114, %dma_start3A_123] : memref<2x10240x128xbf16, #tpu.memory_space<hbm>> -> memref<1x128x128xbf16, #tpu.memory_space<hbm>>
      %dma_start3A_125 = tpu.memref_squeeze %dma_start3A_124 : memref<1x128x128xbf16, #tpu.memory_space<hbm>> -> memref<128x128xbf16, #tpu.memory_space<hbm>>
      %dma_start3A_126 = arith.constant 0 : i32
      %dma_start3A_127 = tpu.memref_slice %arg15[%add3A_114, %dma_start3A_126] : memref<10240x128xbf16, #tpu.memory_space<vmem_shared>> -> memref<128x128xbf16, #tpu.memory_space<vmem_shared>>
      tpu.enqueue_dma source(%dma_start3A_127 : memref<128x128xbf16, #tpu.memory_space<vmem_shared>>) target(%dma_start3A_125 : memref<128x128xbf16, #tpu.memory_space<hbm>>) target_semaphore(%run_scoped3A : memref<!tpu.dma_semaphore, #tpu.memory_space<semaphore_mem>>)
      %dma_wait3A_128 = arith.constant 0 : i32
      %dma_wait3A_129 = tpu.memref_slice %arg6[%arg0, %add3A_114, %dma_wait3A_128] : memref<2x10240x128xbf16, #tpu.memory_space<hbm>> -> memref<1x128x128xbf16, #tpu.memory_space<hbm>>
      %dma_wait3A_130 = tpu.memref_squeeze %dma_wait3A_129 : memref<1x128x128xbf16, #tpu.memory_space<hbm>> -> memref<128x128xbf16, #tpu.memory_space<hbm>>
      %dma_wait3A_131 = arith.constant 0 : i32
      %dma_wait3A_132 = tpu.memref_slice %arg15[%add3A_114, %dma_wait3A_131] : memref<10240x128xbf16, #tpu.memory_space<vmem_shared>> -> memref<128x128xbf16, #tpu.memory_space<vmem_shared>>
      tpu.wait_dma2 semaphore(%run_scoped3A : memref<!tpu.dma_semaphore, #tpu.memory_space<semaphore_mem>>) src(%dma_wait3A_132 : memref<128x128xbf16, #tpu.memory_space<vmem_shared>>) dst(%dma_wait3A_130 : memref<128x128xbf16, #tpu.memory_space<hbm>>)
      tpu.yield
    }) : () -> ()
    %add3A_115 = arith.constant 128 : i32
    %add3A_116 = arith.addi %mul3A_2, %add3A_115 : i32
    "tpu.region"() ({
      %run_scoped3A = tpu.sem_alloc : memref<!tpu.dma_semaphore, #tpu.memory_space<semaphore_mem>>
      %dma_start3A_123 = arith.constant 0 : i32
      %dma_start3A_124 = tpu.memref_slice %arg6[%arg0, %add3A_116, %dma_start3A_123] : memref<2x10240x128xbf16, #tpu.memory_space<hbm>> -> memref<1x128x128xbf16, #tpu.memory_space<hbm>>
      %dma_start3A_125 = tpu.memref_squeeze %dma_start3A_124 : memref<1x128x128xbf16, #tpu.memory_space<hbm>> -> memref<128x128xbf16, #tpu.memory_space<hbm>>
      %dma_start3A_126 = arith.constant 0 : i32
      %dma_start3A_127 = tpu.memref_slice %arg15[%add3A_116, %dma_start3A_126] : memref<10240x128xbf16, #tpu.memory_space<vmem_shared>> -> memref<128x128xbf16, #tpu.memory_space<vmem_shared>>
      tpu.enqueue_dma source(%dma_start3A_127 : memref<128x128xbf16, #tpu.memory_space<vmem_shared>>) target(%dma_start3A_125 : memref<128x128xbf16, #tpu.memory_space<hbm>>) target_semaphore(%run_scoped3A : memref<!tpu.dma_semaphore, #tpu.memory_space<semaphore_mem>>)
      %dma_wait3A_128 = arith.constant 0 : i32
      %dma_wait3A_129 = tpu.memref_slice %arg6[%arg0, %add3A_116, %dma_wait3A_128] : memref<2x10240x128xbf16, #tpu.memory_space<hbm>> -> memref<1x128x128xbf16, #tpu.memory_space<hbm>>
      %dma_wait3A_130 = tpu.memref_squeeze %dma_wait3A_129 : memref<1x128x128xbf16, #tpu.memory_space<hbm>> -> memref<128x128xbf16, #tpu.memory_space<hbm>>
      %dma_wait3A_131 = arith.constant 0 : i32
      %dma_wait3A_132 = tpu.memref_slice %arg15[%add3A_116, %dma_wait3A_131] : memref<10240x128xbf16, #tpu.memory_space<vmem_shared>> -> memref<128x128xbf16, #tpu.memory_space<vmem_shared>>
      tpu.wait_dma2 semaphore(%run_scoped3A : memref<!tpu.dma_semaphore, #tpu.memory_space<semaphore_mem>>) src(%dma_wait3A_132 : memref<128x128xbf16, #tpu.memory_space<vmem_shared>>) dst(%dma_wait3A_130 : memref<128x128xbf16, #tpu.memory_space<hbm>>)
      tpu.yield
    }) : () -> ()
    %add3A_117 = arith.constant 256 : i32
    %add3A_118 = arith.addi %mul3A_2, %add3A_117 : i32
    "tpu.region"() ({
      %run_scoped3A = tpu.sem_alloc : memref<!tpu.dma_semaphore, #tpu.memory_space<semaphore_mem>>
      %dma_start3A_123 = arith.constant 0 : i32
      %dma_start3A_124 = tpu.memref_slice %arg6[%arg0, %add3A_118, %dma_start3A_123] : memref<2x10240x128xbf16, #tpu.memory_space<hbm>> -> memref<1x128x128xbf16, #tpu.memory_space<hbm>>
      %dma_start3A_125 = tpu.memref_squeeze %dma_start3A_124 : memref<1x128x128xbf16, #tpu.memory_space<hbm>> -> memref<128x128xbf16, #tpu.memory_space<hbm>>
      %dma_start3A_126 = arith.constant 0 : i32
      %dma_start3A_127 = tpu.memref_slice %arg15[%add3A_118, %dma_start3A_126] : memref<10240x128xbf16, #tpu.memory_space<vmem_shared>> -> memref<128x128xbf16, #tpu.memory_space<vmem_shared>>
      tpu.enqueue_dma source(%dma_start3A_127 : memref<128x128xbf16, #tpu.memory_space<vmem_shared>>) target(%dma_start3A_125 : memref<128x128xbf16, #tpu.memory_space<hbm>>) target_semaphore(%run_scoped3A : memref<!tpu.dma_semaphore, #tpu.memory_space<semaphore_mem>>)
      %dma_wait3A_128 = arith.constant 0 : i32
      %dma_wait3A_129 = tpu.memref_slice %arg6[%arg0, %add3A_118, %dma_wait3A_128] : memref<2x10240x128xbf16, #tpu.memory_space<hbm>> -> memref<1x128x128xbf16, #tpu.memory_space<hbm>>
      %dma_wait3A_130 = tpu.memref_squeeze %dma_wait3A_129 : memref<1x128x128xbf16, #tpu.memory_space<hbm>> -> memref<128x128xbf16, #tpu.memory_space<hbm>>
      %dma_wait3A_131 = arith.constant 0 : i32
      %dma_wait3A_132 = tpu.memref_slice %arg15[%add3A_118, %dma_wait3A_131] : memref<10240x128xbf16, #tpu.memory_space<vmem_shared>> -> memref<128x128xbf16, #tpu.memory_space<vmem_shared>>
      tpu.wait_dma2 semaphore(%run_scoped3A : memref<!tpu.dma_semaphore, #tpu.memory_space<semaphore_mem>>) src(%dma_wait3A_132 : memref<128x128xbf16, #tpu.memory_space<vmem_shared>>) dst(%dma_wait3A_130 : memref<128x128xbf16, #tpu.memory_space<hbm>>)
      tpu.yield
    }) : () -> ()
    %add3A_119 = arith.constant 384 : i32
    %add3A_120 = arith.addi %mul3A_2, %add3A_119 : i32
    "tpu.region"() ({
      %run_scoped3A = tpu.sem_alloc : memref<!tpu.dma_semaphore, #tpu.memory_space<semaphore_mem>>
      %dma_start3A_123 = arith.constant 0 : i32
      %dma_start3A_124 = tpu.memref_slice %arg6[%arg0, %add3A_120, %dma_start3A_123] : memref<2x10240x128xbf16, #tpu.memory_space<hbm>> -> memref<1x128x128xbf16, #tpu.memory_space<hbm>>
      %dma_start3A_125 = tpu.memref_squeeze %dma_start3A_124 : memref<1x128x128xbf16, #tpu.memory_space<hbm>> -> memref<128x128xbf16, #tpu.memory_space<hbm>>
      %dma_start3A_126 = arith.constant 0 : i32
      %dma_start3A_127 = tpu.memref_slice %arg15[%add3A_120, %dma_start3A_126] : memref<10240x128xbf16, #tpu.memory_space<vmem_shared>> -> memref<128x128xbf16, #tpu.memory_space<vmem_shared>>
      tpu.enqueue_dma source(%dma_start3A_127 : memref<128x128xbf16, #tpu.memory_space<vmem_shared>>) target(%dma_start3A_125 : memref<128x128xbf16, #tpu.memory_space<hbm>>) target_semaphore(%run_scoped3A : memref<!tpu.dma_semaphore, #tpu.memory_space<semaphore_mem>>)
      %dma_wait3A_128 = arith.constant 0 : i32
      %dma_wait3A_129 = tpu.memref_slice %arg6[%arg0, %add3A_120, %dma_wait3A_128] : memref<2x10240x128xbf16, #tpu.memory_space<hbm>> -> memref<1x128x128xbf16, #tpu.memory_space<hbm>>
      %dma_wait3A_130 = tpu.memref_squeeze %dma_wait3A_129 : memref<1x128x128xbf16, #tpu.memory_space<hbm>> -> memref<128x128xbf16, #tpu.memory_space<hbm>>
      %dma_wait3A_131 = arith.constant 0 : i32
      %dma_wait3A_132 = tpu.memref_slice %arg15[%add3A_120, %dma_wait3A_131] : memref<10240x128xbf16, #tpu.memory_space<vmem_shared>> -> memref<128x128xbf16, #tpu.memory_space<vmem_shared>>
      tpu.wait_dma2 semaphore(%run_scoped3A : memref<!tpu.dma_semaphore, #tpu.memory_space<semaphore_mem>>) src(%dma_wait3A_132 : memref<128x128xbf16, #tpu.memory_space<vmem_shared>>) dst(%dma_wait3A_130 : memref<128x128xbf16, #tpu.memory_space<hbm>>)
      tpu.yield
    }) : () -> ()
    %add3A_121 = arith.constant 512 : i32
    %add3A_122 = arith.addi %mul3A_2, %add3A_121 : i32
    "tpu.region"() ({
      %run_scoped3A = tpu.sem_alloc : memref<!tpu.dma_semaphore, #tpu.memory_space<semaphore_mem>>
      %dma_start3A_123 = arith.constant 0 : i32
      %dma_start3A_124 = tpu.memref_slice %arg6[%arg0, %add3A_122, %dma_start3A_123] : memref<2x10240x128xbf16, #tpu.memory_space<hbm>> -> memref<1x128x128xbf16, #tpu.memory_space<hbm>>
      %dma_start3A_125 = tpu.memref_squeeze %dma_start3A_124 : memref<1x128x128xbf16, #tpu.memory_space<hbm>> -> memref<128x128xbf16, #tpu.memory_space<hbm>>
      %dma_start3A_126 = arith.constant 0 : i32
      %dma_start3A_127 = tpu.memref_slice %arg15[%add3A_122, %dma_start3A_126] : memref<10240x128xbf16, #tpu.memory_space<vmem_shared>> -> memref<128x128xbf16, #tpu.memory_space<vmem_shared>>
      tpu.enqueue_dma source(%dma_start3A_127 : memref<128x128xbf16, #tpu.memory_space<vmem_shared>>) target(%dma_start3A_125 : memref<128x128xbf16, #tpu.memory_space<hbm>>) target_semaphore(%run_scoped3A : memref<!tpu.dma_semaphore, #tpu.memory_space<semaphore_mem>>)
      %dma_wait3A_128 = arith.constant 0 : i32
      %dma_wait3A_129 = tpu.memref_slice %arg6[%arg0, %add3A_122, %dma_wait3A_128] : memref<2x10240x128xbf16, #tpu.memory_space<hbm>> -> memref<1x128x128xbf16, #tpu.memory_space<hbm>>
      %dma_wait3A_130 = tpu.memref_squeeze %dma_wait3A_129 : memref<1x128x128xbf16, #tpu.memory_space<hbm>> -> memref<128x128xbf16, #tpu.memory_space<hbm>>
      %dma_wait3A_131 = arith.constant 0 : i32
      %dma_wait3A_132 = tpu.memref_slice %arg15[%add3A_122, %dma_wait3A_131] : memref<10240x128xbf16, #tpu.memory_space<vmem_shared>> -> memref<128x128xbf16, #tpu.memory_space<vmem_shared>>
      tpu.wait_dma2 semaphore(%run_scoped3A : memref<!tpu.dma_semaphore, #tpu.memory_space<semaphore_mem>>) src(%dma_wait3A_132 : memref<128x128xbf16, #tpu.memory_space<vmem_shared>>) dst(%dma_wait3A_130 : memref<128x128xbf16, #tpu.memory_space<hbm>>)
      tpu.yield
    }) : () -> ()
    return
  }
}

module attributes {stable_mosaic.version = 14 : i64} {
  func.func @_tc_body(%arg0: i32, %arg1: memref<1000x128xbf16, #tpu.memory_space<vmem>>, %arg2: memref<1000x128xbf16, #tpu.memory_space<vmem>>, %arg3: memref<128x128xf32, #tpu.memory_space<vmem>>, %arg4: memref<1x128xf32, #tpu.memory_space<vmem>>, %arg5: memref<1000x128xf32, #tpu.memory_space<vmem>>) attributes {dimension_semantics = [#tpu.dimension_semantics<arbitrary>], iteration_bounds = array<i64: 10>, scalar_prefetch = 0 : i64, scratch_operands = 0 : i64, tpu.core_type = #tpu.core_type<tc>, window_params = [{transform_indices = @transform_0, window_bounds = array<i64: 1000, 128>}, {transform_indices = @transform_1, window_bounds = array<i64: 1000, 128>}, {pipeline_mode = #tpu.pipeline_mode<synchronous>, transform_indices = @transform_2, window_bounds = array<i64: 128, 128>}, {pipeline_mode = #tpu.pipeline_mode<synchronous>, transform_indices = @transform_3, window_bounds = array<i64: 1, 128>}, {transform_indices = @transform_4, window_bounds = array<i64: 1000, 128>}]} {
    %get3A = arith.constant 0 : index
    %get3A_0 = arith.constant 0 : index
    %get3A_1 = vector.load %arg1[%get3A, %get3A_0] : memref<1000x128xbf16, #tpu.memory_space<vmem>>, vector<1000x128xbf16>
    %convert_element_type3A = arith.extf %get3A_1 : vector<1000x128xbf16> to vector<1000x128xf32>
    %get3A_2 = arith.constant 0 : index
    %get3A_3 = arith.constant 0 : index
    %get3A_4 = vector.load %arg2[%get3A_2, %get3A_3] : memref<1000x128xbf16, #tpu.memory_space<vmem>>, vector<1000x128xbf16>
    %convert_element_type3A_5 = arith.extf %get3A_4 : vector<1000x128xbf16> to vector<1000x128xf32>
    %add3A = arith.addf %convert_element_type3A, %convert_element_type3A_5 : vector<1000x128xf32>
    %get3A_6 = arith.constant 0 : index
    %get3A_7 = arith.constant 0 : index
    %get3A_8 = vector.load %arg3[%get3A_6, %get3A_7] : memref<128x128xf32, #tpu.memory_space<vmem>>, vector<128x128xf32>
    %dot_general3A = arith.constant dense<0.000000e+00> : vector<1000x128xf32>
    %dot_general3A_9 = tpu.matmul %add3A, %get3A_8, %dot_general3A {dimension_numbers = #tpu.dot_dimension_numbers<[1], [1], [0], [0], [0, 0, 1, 0], [], []>, transpose_lhs_hint = false} : vector<1000x128xf32>, vector<128x128xf32>, vector<1000x128xf32> -> vector<1000x128xf32>
    %get3A_10 = arith.constant 0 : index
    %get3A_11 = arith.constant 0 : index
    %get3A_12 = vector.load %arg4[%get3A_10, %get3A_11] : memref<1x128xf32, #tpu.memory_space<vmem>>, vector<1x128xf32>
    %add3A_13 = vector.broadcast %get3A_12 : vector<1x128xf32> to vector<1000x128xf32>
    %add3A_14 = arith.addf %dot_general3A_9, %add3A_13 : vector<1000x128xf32>
    %swap3A = arith.constant 0 : index
    %swap3A_15 = arith.constant 0 : index
    %swap3A_16 = vector.load %arg5[%swap3A, %swap3A_15] : memref<1000x128xf32, #tpu.memory_space<vmem>>, vector<1000x128xf32>
    tpu.vector_store %arg5[%swap3A, %swap3A_15], %add3A_14 {strides = array<i32>} : memref<1000x128xf32, #tpu.memory_space<vmem>>, vector<1000x128xf32>,
    return
  }
  func.func @transform_0(%arg0: i32) -> (i32, i32) {
    %c0_i32 = arith.constant 0 : i32
    %c0_i32_0 = arith.constant 0 : i32
    return %arg0, %c0_i32 : i32, i32
  }
  func.func @transform_1(%arg0: i32) -> (i32, i32) {
    %c0_i32 = arith.constant 0 : i32
    %c0_i32_0 = arith.constant 0 : i32
    return %arg0, %c0_i32 : i32, i32
  }
  func.func @transform_2(%arg0: i32) -> (i32, i32) {
    %c0_i32 = arith.constant 0 : i32
    %c0_i32_0 = arith.constant 0 : i32
    %c0_i32_1 = arith.constant 0 : i32
    return %c0_i32, %c0_i32_0 : i32, i32
  }
  func.func @transform_3(%arg0: i32) -> (i32, i32) {
    %c0_i32 = arith.constant 0 : i32
    %c0_i32_0 = arith.constant 0 : i32
    %c0_i32_1 = arith.constant 0 : i32
    return %c0_i32, %c0_i32_0 : i32, i32
  }
  func.func @transform_4(%arg0: i32) -> (i32, i32) {
    %c0_i32 = arith.constant 0 : i32
    %c0_i32_0 = arith.constant 0 : i32
    return %arg0, %c0_i32 : i32, i32
  }
}

</mosaic_0001>

<sc_bundles>
// kernel: kernel.4.cloned.1.call-start
scs
__scs_entry_jumppad:
0x0: {  	(pc) =	sbr.rel $0x88, $3  }
0x1: {  	(tag) =	ssettag $0x0;
	lr =	simm.s32 $0x1  }
0x2: {  	[smem:$0x3F9C] =	sst lr;
	_ =	strace $0xD0000000  }
0x3: {  	_ = 	snop  }
0x4: {  	_ = 	snop  }
0x5: {  	_ = 	snop  }
0x6: {  	_ = 	snop  }
0x7: {  	_ = 	snop  }
__scs_overlays_trampoline_lowered:
0x8: {  	[smem:$0x3FAB] =	sst s0  }
0x9: {  	[smem:$0x3FAC] =	sst s1  }
0xa: {  	[smem:$0x3FAD] =	sst s2  }
0xb: {  	[smem:$0x3FAE] =	sst s3  }
0xc: {  	[smem:$0x3FAF] =	sst s4  }
0xd: {  	[smem:$0x3FB0] =	sst s5  }
0xe: {  	[smem:$0x3FB1] =	sst s6  }
0xf: {  	[smem:$0x3FB2] =	sst s7  }
0x10: {  	[smem:$0x3FB3] =	sst s8  }
0x11: {  	[smem:$0x3FB4] =	sst s9;
	s0 =	simm.s32 @!p0 $0x0  }
0x12: {  	s1 =	sld [smem:$0x3F9A];
	s0 =	simm.s32 @p0 $0x1  }
0x13: {  	[smem:$0x3FB5] =	sst s0;
	s0 =	simm.s32 @!p1 $0x0  }
0x14: {  	s2 =	sld [smem:$0x3F99];
	s0 =	simm.s32 @p1 $0x1  }
0x15: {  	[smem:$0x3FB6] =	sst s0;
	s0 =	simm.s32 @!p2 $0x0  }
0x16: {  	s3 =	sld [smem:$0x3FDB];
	s0 =	simm.s32 @p2 $0x1  }
0x17: {  	s4 =	simm.s32 $0x1BF5;
	[smem:$0x3FB8] =	sst s0  }
0x18: {  	s0 =	sld [smem:$0x3F9B];
	_ =	swait.ge [sflag:s4], $0x0  }
0x19: {  	s7 =	sld [smem:$0x3F9C]  }
0x1a: {  	s8 =	sadd.s32 $0xFFFFE003, lr  }
0x1b: {  	s9 =	sadd.s32 $0xFFFFFEF7, lr;
	s5 =	simm.s32 $0xFFFFFFFF;
	p2 =	slt.u32 s8, $0xFFFFF086  }
0x1c: {  	p1 =	slt.u32 s9, $0xF7A;
	s5 =	simm.s32 @!p2 $0x0  }
0x1d: {  	s5 =	simm.s32 @p1 $0x1;
	p0 =	seq.s32 s7, s2  }
0x1e: {  	s7 =	smul.u32 @!p0 $0xF7A, s2;
	p2 =	seq.s32 @!p0 s5, $0x0  }
0x1f: {  	s9 =	smul.u32 $0xF7A, s1;
	s8 =	simm.s32 @!p0 $0x1BF5;
	p2 =	por !p2, p0  }
0x20: {  	[sflag:s8] =	ssyncset.s32 @!p0 $0xFFFFF086;
	s6 =	sadd.s32 @!p0 s3, s7;
	s7 =	simm.s32 @!p0 $0x108  }
0x21: {  	s3 =	sadd.s32 s3, s9;
	s6 =	sadd.s32 @!p0 $0x88, s6;
	s7 =	simm.s32 @p2 $0x1082  }
0x22: {  	[simem:s7], [sflag:s8] =	dma.local @!p0 [hbm:s6], $0xF7A  }
0x23: {  	s9 =	sor.u32 $0xD0000000, s2;
	s6 =	simm.s32 $0x108;
	_ =	swait.ge @!p0 [sflag:s8], $0x0  }
0x24: {  	s3 =	sadd.s32 $0x88, s3;
	s6 =	simm.s32 @!p1 $0x1082;
	[sflag:s4] =	ssyncset.s32 $0xFFFFF086  }
0x25: {  	[simem:s6], [sflag:s4] =	dma.local [hbm:s3], $0xF7A  }
0x26: {  	[smem:$0x3F9C] =	sst s1;
	(tag) =	ssettag s2;
	_ =	strace s9  }
0x27: {  	s1 =	sld [smem:$0x3FAC]  }
0x28: {  	s2 =	sld [smem:$0x3FAD]  }
0x29: {  	s4 =	sld [smem:$0x3FAF]  }
0x2a: {  	p0 =	seq.s32 s5, $0x0;
	s5 =	sld [smem:$0x3FB0]  }
0x2b: {  	s6 =	sld [smem:$0x3FB1]  }
0x2c: {  	s7 =	sld [smem:$0x3FB2]  }
0x2d: {  	s3 =	simm.s32 $0x108;
	s8 =	sld [smem:$0x3FB3]  }
0x2e: {  	s3 =	simm.s32 @!p0 $0x1082;
	s9 =	sld [smem:$0x3FB4]  }
0x2f: {  	lr =	sadd.s32 s0, s3;
	s0 =	sld [smem:$0x3FAB]  }
0x30: {  	s3 =	sld [smem:$0x3FAE]  }
0x31: {  	[smem:$0x3FB7] =	sst s10  }
0x32: {  	s10 =	sld [smem:$0x3FB5];
	_ =	sdelay $0x3  }
0x33: {  	p0 =	seq.s32 s10, $0x1;
	s10 =	sld [smem:$0x3FB7];
	_ =	sdelay $0x3  }
0x34: {  	[smem:$0x3FB7] =	sst s10  }
0x35: {  	s10 =	sld [smem:$0x3FB6];
	_ =	sdelay $0x3  }
0x36: {  	p1 =	seq.s32 s10, $0x1;
	s10 =	sld [smem:$0x3FB7];
	_ =	sdelay $0x3  }
0x37: {  	[smem:$0x3FB7] =	sst s10  }
0x38: {  	s10 =	sld [smem:$0x3FB8]  }
0x39: {  	_ = 	snop;
	(pc) =	sbr.ind lr, $3  }
0x3a: {  	_ = 	snop  }
0x3b: {  	_ = 	snop  }
0x3c: {  	p2 =	seq.s32 s10, $0x1;
	s10 =	sld [smem:$0x3FB7]  }
0x3d: {  	_ =	shalt  }
0x3e: {  	_ =	shalt  }
0x3f: {  	_ =	shalt  }
0x40: {  	_ =	shalt  }
0x41: {  	_ =	shalt  }
0x42: {  	_ =	shalt  }
0x43: {  	_ =	shalt  }
0x44: {  	_ =	shalt  }
0x45: {  	_ =	shalt  }
0x46: {  	_ =	shalt  }
0x47: {  	_ =	shalt  }
0x48: {  	_ =	shalt  }
0x49: {  	_ =	shalt  }
0x4a: {  	_ =	shalt  }
0x4b: {  	_ =	shalt  }
0x4c: {  	_ =	shalt  }
0x4d: {  	_ =	shalt  }
0x4e: {  	_ =	shalt  }
0x4f: {  	_ =	shalt  }
0x50: {  	_ =	shalt  }
0x51: {  	_ =	shalt  }
0x52: {  	_ =	shalt  }
0x53: {  	_ =	shalt  }
0x54: {  	_ =	shalt  }
0x55: {  	_ =	shalt  }
0x56: {  	_ =	shalt  }
0x57: {  	_ =	shalt  }
0x58: {  	_ =	shalt  }
0x59: {  	_ =	shalt  }
0x5a: {  	_ =	shalt  }
0x5b: {  	_ =	shalt  }
0x5c: {  	_ =	shalt  }
0x5d: {  	_ =	shalt  }
0x5e: {  	_ =	shalt  }
0x5f: {  	_ =	shalt  }
0x60: {  	_ =	shalt  }
0x61: {  	_ =	shalt  }
0x62: {  	_ =	shalt  }
0x63: {  	_ =	shalt  }
0x64: {  	_ =	shalt  }
0x65: {  	_ =	shalt  }
0x66: {  	_ =	shalt  }
0x67: {  	_ =	shalt  }
0x68: {  	_ =	shalt  }
0x69: {  	_ =	shalt  }
0x6a: {  	_ =	shalt  }
0x6b: {  	_ =	shalt  }
0x6c: {  	_ =	shalt  }
0x6d: {  	_ =	shalt  }
0x6e: {  	_ =	shalt  }
0x6f: {  	_ =	shalt  }
0x70: {  	_ =	shalt  }
0x71: {  	_ =	shalt  }
0x72: {  	_ =	shalt  }
0x73: {  	_ =	shalt  }
0x74: {  	_ =	shalt  }
0x75: {  	_ =	shalt  }
0x76: {  	_ =	shalt  }
0x77: {  	_ =	shalt  }
0x78: {  	_ =	shalt  }
0x79: {  	_ =	shalt  }
0x7a: {  	_ =	shalt  }
0x7b: {  	_ =	shalt  }
0x7c: {  	_ =	shalt  }
0x7d: {  	_ =	shalt  }
0x7e: {  	_ =	shalt  }
0x7f: {  	_ =	shalt  }
0x80: {  	_ =	shalt  }
0x81: {  	_ =	shalt  }
0x82: {  	_ =	shalt  }
0x83: {  	_ =	shalt  }
0x84: {  	_ =	shalt  }
0x85: {  	_ =	shalt  }
0x86: {  	_ =	shalt  }
0x87: {  	_ =	shalt  }
.Lfunc_end0:
.L_simem_size_0:
called_computation_lowered:
.L_overlay_start_0:
0x88: {  	s2 =	sld [smem:$0x3FD9]  }
0x89: {  	s3 =	sld [smem:$0x3FFE];
	_ =	sdelay $0x1  }
0x8a: {  	s1 =	srdreg.scid  }
0x8b: {  	s0 =	sand.u32 $0x1, s1  }
0x8c: {  	s17 =	sshll.u32 s0, $0xA;
	s2 =	sadd.s32 s3, s2  }
0x8d: {  	s2 =	sadd.s32 s2, s17  }
0x8e: {  	[smem:$0x3FC3] =	sst s2  }
0x8f: {  	_ = 	snop  }
0x90: {  	s2 =	sld [smem:$0x3FD0];
	(tm) =	ssettm $0x1  }
0x91: {  	s18 =	sld [smem:$0x3FFB];
	_ =	sdelay $0x3  }
0x92: {  	_ =	strace s18  }
0x93: {  	s3 =	sld [smem:$0x3FFC];
	_ =	sdelay $0x3  }
0x94: {  	_ =	strace s3  }
0x95: {  	s3 =	sld [smem:$0x3FFD];
	_ =	sdelay $0x3  }
0x96: {  	_ =	strace s3  }
0x97: {  	_ =	strace $0x8FFFFFFF  }
0x98: {  	s19 =	sld [smem:$0x3FDB];
	_ =	sdelay $0x1  }
0x99: {  	s4 =	simm.s32 $_scs_section_size  }
0x9a: {  	s5 =	simm.s32 $_size__tile_overlayer_lowered;
	s6 =	simm.s32 $_tile_overlayer_lowered  }
0x9b: {  	s22 =	simm.s32 $0x1BFF;
	s21 =	sshll.u32 s6, $0x1;
	s3 =	sadd.s32 s4, s19  }
0x9c: {  	s7 =	simm.s32 $0x0;
	s20 =	sshll.u32 s5, $0x1;
	s5 =	sadd.s32 s21, s3  }
0x9d: {  	[timem:s7], [sflag:s22] =	dma.local [hbm:s5], s20  }
0x9e: {  	_ =	swait.ge [sflag:s22], s20  }
0x9f: {  	s4 =	ssub.s32 $0x0, s20;
	[sflag:s22] =	ssyncset.done $0x0  }
0xa0: {  	[sflag:s22] =	ssyncadd.s32 s4;
	_ =	sdelay $0x1  }
0xa1: {  	s23 =	simm.s32 $0x1B8B  }
0xa2: {  	_ =	swait.ge [sflag:s23], $0x1  }
0xa3: {  	[sflag:s23] =	ssyncset.done $0x0  }
0xa4: {  	s25 =	simm.s32 $0x1B8E;
	s24 =	sld [smem:$0x3FFE];
	[sflag:s23] =	ssyncadd.s32 $0xFFFFFFFF  }
0xa5: {  	s26 =	simm.s32 $execute0_lowered;
	[smem:$0x3FD2] =	sst s25  }
0xa6: {  	s5 =	sshll.u32 s26, $0x1;
	_ =	strace $0x80000046;
	[dreg:$0x1] =	wrdreg $0xFFFFFFFF  }
0xa7: {  	s28 =	simm.s32 $_size_execute0_lowered;
	s3 =	sadd.s32 s3, s5;
	[dreg:$0x0] =	wrdreg $0x0  }
0xa8: {  	s5 =	sshll.u32 s28, $0x1;
	[dreg:$0x2] =	wrdreg s3  }
0xa9: {  	[dreg:$0x3] =	wrdreg s5  }
0xaa: {  	[dreg:$0x4] =	wrdreg $0xC0  }
0xab: {  	_ =	task [dreg:s7], $0x5FFFF  }
0xac: {  	[dreg:$0x1] =	wrdreg $0xFFFFFFFF  }
0xad: {  	[dreg:$0x0] =	wrdreg $0x60  }
0xae: {  	[dreg:$0x2] =	wrdreg s2  }
0xaf: {  	[dreg:$0x3] =	wrdreg s24  }
0xb0: {  	[dreg:$0x4] =	wrdreg $0xBC000  }
0xb1: {  	[dreg:$0x5] =	wrdreg $0x15C000  }
0xb2: {  	[dreg:$0x6] =	wrdreg $0x9  }
0xb3: {  	_ =	task.clear_ibuf [dreg:s7], $0x7FFFF;
	_ =	strace $0x90000046  }
0xb4: {  	s29 =	simm.s32 $0x9;
	_ =	strace $0x80000048  }
0xb5: {  	_ =	swait.ge [sflag:s29], $0x1  }
0xb6: {  	[sflag:s29] =	ssyncadd.s32 $0xFFFFFFFF  }
0xb7: {  	_ =	strace $0x90000048  }
0xb8: {  	_ =	sfence  }
0xb9: {  	s30 =	sld [smem:$0x0];
	_ =	sdelay $0x2  }
0xba: {  	s31 =	sshll.u32 s1, $0xD;
	s1 =	sshrl.u32 s1, $0x2  }
0xbb: {  	s3 =	sand.u32 $0x4000, s31;
	s1 =	sadd.s32 s1, s30  }
0xbc: {  	s0 =	sor.u32 s3, s0;
	s1 =	sshll.u32 s1, $0x11  }
0xbd: {  	s0 =	sor.u32 s1, s0  }
0xbe: {  	s0 =	sadd.s32 $0x8F2B, s0  }
0xbf: {  	[sflag:s0] =	ssyncadd.remote.s32 $0x1  }
0xc0: {  	_ =	sfence.sel $0xFFFF  }
0xc1: {  	[dreg:$0x0] =	wrdreg $0xFFFFFFFF;
	(pc) =	sbr.abs _section_cstart, $3  }
0xc2: {  	[dreg:$0x1] =	wrdreg $0xFFFFFFFF  }
0xc3: {  	_ =	task.clear_ibuf [dreg:s7], $0x2FFFF;
	_ =	strace $0x9FFFFFFF  }
0xc4: {  	(tm) =	ssettm $0x7FFFFFFF  }
0xc5: {  	_ =	shalt  }
tec
execute0_lowered:
.L_overlay_start_1:
0x0: {  	(tag) =	ssettag $0x1  }
0x1: {  	s0 =	rddreg [dreg:$0x0]  }
0x2: {  	s4 =	rddreg [dreg:$0x1]  }
0x3: {  	s1 =	rddreg [dreg:$0x2]  }
0x4: {  	s2 =	rddreg [dreg:$0x3];
	s3 =	simm.s32 $0x0  }
0x5: {  	s6 =	srdreg.scid;
	s9 =	stileid.u32;
	s30 =	simm.s32 $0x80  }
0x6: {  	s31 =	simm.s32 $0x3C00;
	[smem:$0x7FF] =	sst s3;
	s5 =	sadd.s32 $0xA400, s4  }
0x7: {  	s11 =	sadd.s32 $0x400, s4;
	s12 =	sand.u32 $0x1, s6;
	s13 =	sadd.s32 $0x14400, s4  }
0x8: {  	s14 =	smul.u32 $0x14000, s9;
	s4 =	sadd.s32 $0x1E400, s4;
	_ =	strace $0x80000047  }
0x9: {  	s6 =	ssub.s32 $0x2, s12;
	s8 =	sshll.u32 s12, $0x4;
	s12 =	smul.u32 $0x140000, s12  }
0xa: {  	s7 =	sshrl.u32 s6, $0x1;
	s8 =	sor.u32 s9, s8;
	s21 =	sshrl.u32 s14, $0x1  }
0xb: {  	s22 =	sshrl.u32 s14, $0x4;
	s9 =	sshll.u32 s9, $0x6;
	s23 =	sadd.s32 $0x4000, s14  }
0xc: {  	s17 =	sadd.s32 $0x8000, s14;
	s18 =	sadd.s32 $0xC000, s14;
	s15 =	ssub.s32 s6, s7  }
0xd: {  	s16 =	sadd.s32 s21, s1;
	s0 =	sadd.s32 s0, s22;
	s6 =	sor.u32 $0x1C05, s9  }
0xe: {  	s7 =	sadd.s32 s21, s2;
	s24 =	sshrl.u32 s23, $0x1;
	s10 =	smul.u32 $0x2800, s8  }
0xf: {  	s25 =	sshrl.u32 s17, $0x1;
	s19 =	sshrl.u32 s18, $0x1;
	s21 =	sadd.s32 s12, s17  }
0x10: {  	s22 =	sadd.s32 s12, s18;
	[dreg:$0x5] =	wrdreg s0;
	s8 =	sadd.s32 s24, s2  }
0x11: {  	s9 =	sadd.s32 s25, s2;
	s0 =	sadd.s32 s12, s23;
	s20 =	sshrl.u32 s10, $0x3  }
0x12: {  	s24 =	sshrl.u32 s21, $0x4;
	s25 =	sshrl.u32 s22, $0x4;
	s26 =	sadd.s32 s5, s20  }
0x13: {  	s0 =	sshrl.u32 s0, $0x4;
	s28 =	sadd.s32 s11, s20;
	[dreg:$0x6] =	wrdreg s26  }
0x14: {  	s29 =	sadd.s32 $0x280, s20;
	s20 =	sadd.s32 s13, s20;
	[dreg:$0x7] =	wrdreg s28  }
0x15: {  	s10 =	sadd.s32 s19, s2;
	s0 =	sadd.s32 s4, s0;
	[dreg:$0x8] =	wrdreg s20  }
0x16: {  	s19 =	sadd.s32 $0x10000, s14;
	s5 =	sadd.s32 s5, s29;
	[dreg:$0xd] =	wrdreg s0  }
0x17: {  	s11 =	sadd.s32 s11, s29;
	s13 =	sadd.s32 s13, s29;
	[dreg:$0x9] =	wrdreg s5  }
0x18: {  	s20 =	sadd.s32 s14, s12;
	s12 =	sadd.s32 s12, s19;
	[dreg:$0xa] =	wrdreg s11  }
0x19: {  	s0 =	sadd.s32 s4, s24;
	s26 =	sadd.s32 s4, s25;
	[dreg:$0xb] =	wrdreg s13  }
0x1a: {  	s29 =	smax.u32 s15, $0x1;
	s24 =	sshrl.u32 s16, $0x3;
	[dreg:$0xe] =	wrdreg s0  }
0x1b: {  	s25 =	simm.s32 $0x5;
	s5 =	sshrl.u32 s19, $0x1;
	[dreg:$0xf] =	wrdreg s26  }
0x1c: {  	s11 =	sshrl.u32 s20, $0x4;
	s28 =	sshrl.u32 s12, $0x4;
	[dreg:$0x11] =	wrdreg s29  }
0x1d: {  	s26 =	simm.s32 $0x7C00;
	s12 =	simm.s32 $0x3;
	s13 =	simm.s32 $0x4  }
0x1e: {  	s17 =	sadd.s32 s5, s2;
	s23 =	sadd.s32 s4, s11;
	s0 =	sadd.s32 s4, s28  }
0x1f: {  	s4 =	simm.s32 $0x1;
	s5 =	simm.s32 $0x2;
	[dreg:$0xc] =	wrdreg s23  }
0x20: {  	v0 =	vimm.bf16 $0.0e+00;
	s11 =	simm.s32 $0x9C00;
	[dreg:$0x10] =	wrdreg s0;
	s0 =	simm.s32 $0x5C00  }
.LBB2_1:
0x21: {  	s14 =	rddreg [dreg:$0x5]  }
0x22: {  	[spmem:s24], [sflag:s6] =	dma.local [hbm:s14], $0x1400  }
0x23: {  	_ =	swait.ge [sflag:s25], $0x1400  }
0x24: {  	[sflag:s25] =	ssyncset.done $0x0  }
0x25: {  	s15 =	simm.s32 $0x100;
	s14 =	simm.s32 $0x0;
	[sflag:s25] =	ssyncadd.s32 $0xFFFFEC00  }
.LBB2_2:
0x26: {  	p0 =	sne.s32 s15, $0x7F00;
	[tilespmem:s14+$0x7C30] =	vst v0;
	s16 =	smov.u32 s15;
	s15 =	sadd.s32 $0x100, s15  }
.Ltmp0:
0x27: {  	[tilespmem:s14+$0x7C20] =	vst v0;
	(pc) =	sbr.rel @p0 .LBB2_2-.Ltmp0, $3  }
0x28: {  	[tilespmem:s14+$0x7C00] =	vst v0  }
0x29: {  	[tilespmem:s14+$0x7C10] =	vst v0;
	_ =	sdelay $0x1  }
0x2a: {  	s14 =	sshra.s32 s16, $0x2  }
0x2b: {  	[tilespmem:s14+$0x7C30] =	vst v0  }
0x2c: {  	[tilespmem:s14+$0x7C20] =	vst v0  }
0x2d: {  	[tilespmem:s14+$0x7C00] =	vst v0  }
0x2e: {  	[tilespmem:s14+$0x7C10] =	vst v0  }
0x2f: {  	[spmem:s7] =	stream.linear.scatter [tilespmem:s26], [sflag:$0x5], $0x2000, $0x38;
	[tilespmem:$0x1FC00] =	vst v63  }
0x30: {  	_ =	swait.ge [sflag:s25], $0x2000  }
0x31: {  	[sflag:s25] =	ssyncset.done $0x0  }
0x32: {  	[sflag:s25] =	ssyncadd.s32 $0xFFFFE000  }
0x33: {  	[spmem:s8] =	stream.linear.scatter [tilespmem:s26], [sflag:$0x5], $0x2000, $0x38;
	[tilespmem:$0x1FC00] =	vst v63  }
0x34: {  	_ =	swait.ge [sflag:s25], $0x2000  }
0x35: {  	[sflag:s25] =	ssyncset.done $0x0  }
0x36: {  	[sflag:s25] =	ssyncadd.s32 $0xFFFFE000  }
0x37: {  	[spmem:s9] =	stream.linear.scatter [tilespmem:s26], [sflag:$0x5], $0x2000, $0x38;
	[tilespmem:$0x1FC00] =	vst v63  }
0x38: {  	_ =	swait.ge [sflag:s25], $0x2000  }
0x39: {  	[sflag:s25] =	ssyncset.done $0x0  }
0x3a: {  	[sflag:s25] =	ssyncadd.s32 $0xFFFFE000  }
0x3b: {  	[spmem:s10] =	stream.linear.scatter [tilespmem:s26], [sflag:$0x5], $0x2000, $0x38;
	[tilespmem:$0x1FC00] =	vst v63  }
0x3c: {  	_ =	swait.ge [sflag:s25], $0x2000  }
0x3d: {  	[sflag:s25] =	ssyncset.done $0x0  }
0x3e: {  	[sflag:s25] =	ssyncadd.s32 $0xFFFFE000  }
0x3f: {  	[spmem:s17] =	stream.linear.scatter [tilespmem:s26], [sflag:$0x5], $0x2000, $0x38;
	[tilespmem:$0x1FC00] =	vst v63  }
0x40: {  	_ =	swait.ge [sflag:s25], $0x2000  }
0x41: {  	[sflag:s25] =	ssyncset.done $0x0  }
0x42: {  	[sflag:s25] =	ssyncadd.s32 $0xFFFFE000  }
0x43: {  	[bflag:$0x0] =	sbarrier.arrive $0xFFFF  }
0x44: {  	s14 =	simm.s32 $0x0;
	s15 =	rddreg [dreg:$0x6]  }
0x45: {  	[tilespmem:s14], [sflag:$0x5] =	stream.linear.gather [hbm4b:s15+s14], $0x1400, $0x38;
	[tilespmem:$0x1FC00] =	vst v63  }
0x46: {  	_ =	swait.ge [sflag:s25], $0x1400  }
0x47: {  	[sflag:s25] =	ssyncset.done $0x0  }
0x48: {  	s16 =	simm.s32 $0x1400;
	s23 =	rddreg [dreg:$0x7];
	[sflag:s25] =	ssyncadd.s32 $0xFFFFEC00  }
0x49: {  	[tilespmem:s16], [sflag:$0x5] =	stream.linear.gather [hbm4b:s23+s14], $0x1400, $0x38;
	[tilespmem:$0x1FC00] =	vst v63  }
0x4a: {  	_ =	swait.ge [sflag:s25], $0x1400  }
0x4b: {  	[sflag:s25] =	ssyncset.done $0x0  }
0x4c: {  	s29 =	simm.s32 $0x2800;
	s28 =	rddreg [dreg:$0x8];
	[sflag:s25] =	ssyncadd.s32 $0xFFFFEC00  }
0x4d: {  	[tilespmem:s29], [sflag:$0x5] =	stream.linear.gather [hbm4b:s28+s14], $0x1400, $0x38;
	[tilespmem:$0x1FC00] =	vst v63  }
0x4e: {  	_ =	swait.ge [sflag:s25], $0x1400  }
0x4f: {  	[sflag:s25] =	ssyncset.done $0x0  }
0x50: {  	[sflag:s25] =	ssyncadd.s32 $0xFFFFEC00  }
0x51: {  	[tilespmem:s31], [sflag:$0x1] =	stream.indirect.gather [spmem:s1], $0x40, s14, s30, $0xb8;
	[tilespmem:$0x1FC00] =	vst v63  }
0x52: {  	_ = 	snop  }
0x53: {  	[tilespmem:s0], [sflag:$0x2] =	stream.indirect.gather [spmem:s1], $0x40, s30, s30, $0xb8;
	[tilespmem:$0x1FC00] =	vst v63  }
.LBB2_4:
0x54: {  	_ =	swait.ge [sflag:s4], $0x2000  }
0x55: {  	p0 =	seq.s32 s14, $0x0;
	s15 =	sshll.u32 s14, $0xA;
	[sflag:s4] =	ssyncset.done $0x0  }
0x56: {  	s28 =	sshll.u32 s14, $0x1;
	s18 =	simm.s32 @!p0 $0x3;
	[sflag:s4] =	ssyncadd.s32 $0xFFFFE000  }
0x57: {  	s19 =	simm.s32 $0x7C00;
	s16 =	sshrl.u32 s15, $0x2;
	_ =	swait.ge @!p0 [sflag:s18], $0x2000  }
0x58: {  	s29 =	smin.u32 s28, $0x25;
	s20 =	sadd.s32 $0x2800, s16;
	[sflag:s18] =	ssyncset.done @!p0 $0x0  }
0x59: {  	v1 =	vmov s20;
	s20 =	simm.s32 $0x0;
	[sflag:s18] =	ssyncadd.s32 @!p0 $0xFFFFE000;
	s18 =	simm.s32 $0x3E00  }
.LBB2_5:
0x5a: {  	_ = 	snop  }
0x5b: {  	v2 =	vmov s18  }
0x5c: {  	s21 =	sshll.u32 s20, $0x4  }
0x5d: {  	s21 =	sand.u32 $0x3FFFFFF0, s21  }
0x5e: {  	v19 =	vld.idx.msk [tilespmem:v1+s21+$0x0 ss:$0x1], $0xffff  }
0x5f: {  	s21 =	simm.s32 $0x0  }
0x60: {  	v5 =	vld.idx.msk [tilespmem:v2+s21+$0xFFFFFE00 ss:$0x1], $0xffff;
	_ =	sdelay $0x1  }
0x61: {  	v3 =	vmov s19  }
0x62: {  	v4 =	vbroadcast v19, $0x0;
	_ =	sdelay $0x1  }
0x63: {  	v5 =	vmul.bf16 v4, v5;
	_ =	sdelay $0x1  }
0x64: {  	[tilespmem:v3+s21+$0x0 ss:$0x1] =	vst.idx.msk $0xffff, v5  }
0x65: {  	v6 =	vld.idx.msk [tilespmem:v2+s21+$0xFFFFFE40 ss:$0x1], $0xffff;
	_ =	sdelay $0x2  }
0x66: {  	v5 =	vbroadcast v19, $0x1;
	_ =	sdelay $0x1  }
0x67: {  	v6 =	vmul.bf16 v5, v6;
	_ =	sdelay $0x1  }
0x68: {  	[tilespmem:v3+s21+$0x40 ss:$0x1] =	vst.idx.msk $0xffff, v6  }
0x69: {  	v7 =	vld.idx.msk [tilespmem:v2+s21+$0xFFFFFE80 ss:$0x1], $0xffff;
	_ =	sdelay $0x2  }
0x6a: {  	v6 =	vbroadcast v19, $0x2;
	_ =	sdelay $0x1  }
0x6b: {  	v7 =	vmul.bf16 v6, v7;
	_ =	sdelay $0x1  }
0x6c: {  	[tilespmem:v3+s21+$0x80 ss:$0x1] =	vst.idx.msk $0xffff, v7  }
0x6d: {  	v8 =	vld.idx.msk [tilespmem:v2+s21+$0xFFFFFEC0 ss:$0x1], $0xffff;
	_ =	sdelay $0x2  }
0x6e: {  	v7 =	vbroadcast v19, $0x3;
	_ =	sdelay $0x1  }
0x6f: {  	v8 =	vmul.bf16 v7, v8;
	_ =	sdelay $0x1  }
0x70: {  	[tilespmem:v3+s21+$0xC0 ss:$0x1] =	vst.idx.msk $0xffff, v8  }
0x71: {  	v9 =	vld.idx.msk [tilespmem:v2+s21+$0xFFFFFF00 ss:$0x1], $0xffff;
	_ =	sdelay $0x2  }
0x72: {  	v8 =	vbroadcast v19, $0x4;
	_ =	sdelay $0x1  }
0x73: {  	v9 =	vmul.bf16 v8, v9;
	_ =	sdelay $0x1  }
0x74: {  	[tilespmem:v3+s21+$0x100 ss:$0x1] =	vst.idx.msk $0xffff, v9  }
0x75: {  	v10 =	vld.idx.msk [tilespmem:v2+s21+$0xFFFFFF40 ss:$0x1], $0xffff;
	_ =	sdelay $0x2  }
0x76: {  	v9 =	vbroadcast v19, $0x5;
	_ =	sdelay $0x1  }
0x77: {  	v10 =	vmul.bf16 v9, v10;
	_ =	sdelay $0x1  }
0x78: {  	[tilespmem:v3+s21+$0x140 ss:$0x1] =	vst.idx.msk $0xffff, v10  }
0x79: {  	v11 =	vld.idx.msk [tilespmem:v2+s21+$0xFFFFFF80 ss:$0x1], $0xffff;
	_ =	sdelay $0x2  }
0x7a: {  	v10 =	vbroadcast v19, $0x6;
	_ =	sdelay $0x1  }
0x7b: {  	v11 =	vmul.bf16 v10, v11;
	_ =	sdelay $0x1  }
0x7c: {  	[tilespmem:v3+s21+$0x180 ss:$0x1] =	vst.idx.msk $0xffff, v11  }
0x7d: {  	v12 =	vld.idx.msk [tilespmem:v2+s21+$0xFFFFFFC0 ss:$0x1], $0xffff;
	_ =	sdelay $0x2  }
0x7e: {  	v11 =	vbroadcast v19, $0x7;
	_ =	sdelay $0x1  }
0x7f: {  	v12 =	vmul.bf16 v11, v12;
	_ =	sdelay $0x1  }
0x80: {  	[tilespmem:v3+s21+$0x1C0 ss:$0x1] =	vst.idx.msk $0xffff, v12  }
0x81: {  	v13 =	vld.idx.msk [tilespmem:v2+s21+$0x0 ss:$0x1], $0xffff;
	_ =	sdelay $0x2  }
0x82: {  	v12 =	vbroadcast v19, $0x8;
	_ =	sdelay $0x1  }
0x83: {  	v13 =	vmul.bf16 v12, v13;
	_ =	sdelay $0x1  }
0x84: {  	[tilespmem:v3+s21+$0x200 ss:$0x1] =	vst.idx.msk $0xffff, v13  }
0x85: {  	v14 =	vld.idx.msk [tilespmem:v2+s21+$0x40 ss:$0x1], $0xffff;
	_ =	sdelay $0x2  }
0x86: {  	v13 =	vbroadcast v19, $0x9;
	_ =	sdelay $0x1  }
0x87: {  	v14 =	vmul.bf16 v13, v14;
	_ =	sdelay $0x1  }
0x88: {  	[tilespmem:v3+s21+$0x240 ss:$0x1] =	vst.idx.msk $0xffff, v14  }
0x89: {  	v15 =	vld.idx.msk [tilespmem:v2+s21+$0x80 ss:$0x1], $0xffff;
	_ =	sdelay $0x2  }
0x8a: {  	v14 =	vbroadcast v19, $0xA;
	_ =	sdelay $0x1  }
0x8b: {  	v15 =	vmul.bf16 v14, v15;
	_ =	sdelay $0x1  }
0x8c: {  	[tilespmem:v3+s21+$0x280 ss:$0x1] =	vst.idx.msk $0xffff, v15  }
0x8d: {  	v16 =	vld.idx.msk [tilespmem:v2+s21+$0xC0 ss:$0x1], $0xffff;
	_ =	sdelay $0x2  }
0x8e: {  	v15 =	vbroadcast v19, $0xB;
	_ =	sdelay $0x1  }
0x8f: {  	v16 =	vmul.bf16 v15, v16;
	_ =	sdelay $0x1  }
0x90: {  	[tilespmem:v3+s21+$0x2C0 ss:$0x1] =	vst.idx.msk $0xffff, v16  }
0x91: {  	v17 =	vld.idx.msk [tilespmem:v2+s21+$0x100 ss:$0x1], $0xffff;
	_ =	sdelay $0x2  }
0x92: {  	v16 =	vbroadcast v19, $0xC;
	_ =	sdelay $0x1  }
0x93: {  	v17 =	vmul.bf16 v16, v17;
	_ =	sdelay $0x1  }
0x94: {  	[tilespmem:v3+s21+$0x300 ss:$0x1] =	vst.idx.msk $0xffff, v17  }
0x95: {  	v18 =	vld.idx.msk [tilespmem:v2+s21+$0x140 ss:$0x1], $0xffff;
	_ =	sdelay $0x2  }
0x96: {  	v17 =	vbroadcast v19, $0xD;
	_ =	sdelay $0x1  }
0x97: {  	v18 =	vmul.bf16 v17, v18;
	_ =	sdelay $0x1  }
0x98: {  	[tilespmem:v3+s21+$0x340 ss:$0x1] =	vst.idx.msk $0xffff, v18  }
0x99: {  	v20 =	vld.idx.msk [tilespmem:v2+s21+$0x180 ss:$0x1], $0xffff;
	_ =	sdelay $0x2  }
0x9a: {  	v18 =	vbroadcast v19, $0xE;
	_ =	sdelay $0x1  }
0x9b: {  	v20 =	vmul.bf16 v18, v20;
	_ =	sdelay $0x1  }
0x9c: {  	[tilespmem:v3+s21+$0x380 ss:$0x1] =	vst.idx.msk $0xffff, v20  }
0x9d: {  	v20 =	vld.idx.msk [tilespmem:v2+s21+$0x1C0 ss:$0x1], $0xffff;
	_ =	sdelay $0x2  }
0x9e: {  	v19 =	vbroadcast v19, $0xF;
	_ =	sdelay $0x1  }
0x9f: {  	s22 =	simm.s32 $0x40;
	s23 =	simm.s32 $0x80;
	v20 =	vmul.bf16 v19, v20  }
.LBB2_6:
0xa0: {  	p1 =	sne.s32 s23, $0xC0  }
0xa1: {  	[tilespmem:v3+s21+$0x3C0 ss:$0x1] =	vst.idx.msk $0xffff, v20;
	s21 =	sshra.s32 s22, $0x2;
	s22 =	smov.u32 s23;
	s23 =	sadd.s32 $0x40, s23  }
0xa2: {  	v20 =	vld.idx.msk [tilespmem:v2+s21+$0xFFFFFE00 ss:$0x1], $0xffff;
	_ =	sdelay $0x5  }
0xa3: {  	v20 =	vmul.bf16 v4, v20;
	_ =	sdelay $0x1  }
0xa4: {  	[tilespmem:v3+s21+$0x0 ss:$0x1] =	vst.idx.msk $0xffff, v20  }
0xa5: {  	v20 =	vld.idx.msk [tilespmem:v2+s21+$0xFFFFFE40 ss:$0x1], $0xffff;
	_ =	sdelay $0x5  }
0xa6: {  	v20 =	vmul.bf16 v5, v20;
	_ =	sdelay $0x1  }
0xa7: {  	[tilespmem:v3+s21+$0x40 ss:$0x1] =	vst.idx.msk $0xffff, v20  }
0xa8: {  	v20 =	vld.idx.msk [tilespmem:v2+s21+$0xFFFFFE80 ss:$0x1], $0xffff;
	_ =	sdelay $0x5  }
0xa9: {  	v20 =	vmul.bf16 v6, v20;
	_ =	sdelay $0x1  }
0xaa: {  	[tilespmem:v3+s21+$0x80 ss:$0x1] =	vst.idx.msk $0xffff, v20  }
0xab: {  	v20 =	vld.idx.msk [tilespmem:v2+s21+$0xFFFFFEC0 ss:$0x1], $0xffff;
	_ =	sdelay $0x5  }
0xac: {  	v20 =	vmul.bf16 v7, v20;
	_ =	sdelay $0x1  }
0xad: {  	[tilespmem:v3+s21+$0xC0 ss:$0x1] =	vst.idx.msk $0xffff, v20  }
0xae: {  	v20 =	vld.idx.msk [tilespmem:v2+s21+$0xFFFFFF00 ss:$0x1], $0xffff;
	_ =	sdelay $0x5  }
0xaf: {  	v20 =	vmul.bf16 v8, v20;
	_ =	sdelay $0x1  }
0xb0: {  	[tilespmem:v3+s21+$0x100 ss:$0x1] =	vst.idx.msk $0xffff, v20  }
0xb1: {  	v20 =	vld.idx.msk [tilespmem:v2+s21+$0xFFFFFF40 ss:$0x1], $0xffff;
	_ =	sdelay $0x5  }
0xb2: {  	v20 =	vmul.bf16 v9, v20;
	_ =	sdelay $0x1  }
0xb3: {  	[tilespmem:v3+s21+$0x140 ss:$0x1] =	vst.idx.msk $0xffff, v20  }
0xb4: {  	v20 =	vld.idx.msk [tilespmem:v2+s21+$0xFFFFFF80 ss:$0x1], $0xffff;
	_ =	sdelay $0x5  }
0xb5: {  	v20 =	vmul.bf16 v10, v20;
	_ =	sdelay $0x1  }
0xb6: {  	[tilespmem:v3+s21+$0x180 ss:$0x1] =	vst.idx.msk $0xffff, v20  }
0xb7: {  	v20 =	vld.idx.msk [tilespmem:v2+s21+$0xFFFFFFC0 ss:$0x1], $0xffff;
	_ =	sdelay $0x5  }
0xb8: {  	v20 =	vmul.bf16 v11, v20;
	_ =	sdelay $0x1  }
0xb9: {  	[tilespmem:v3+s21+$0x1C0 ss:$0x1] =	vst.idx.msk $0xffff, v20  }
0xba: {  	v20 =	vld.idx.msk [tilespmem:v2+s21+$0x0 ss:$0x1], $0xffff;
	_ =	sdelay $0x5  }
0xbb: {  	v20 =	vmul.bf16 v12, v20;
	_ =	sdelay $0x1  }
0xbc: {  	[tilespmem:v3+s21+$0x200 ss:$0x1] =	vst.idx.msk $0xffff, v20  }
0xbd: {  	v20 =	vld.idx.msk [tilespmem:v2+s21+$0x40 ss:$0x1], $0xffff;
	_ =	sdelay $0x5  }
0xbe: {  	v20 =	vmul.bf16 v13, v20;
	_ =	sdelay $0x1  }
0xbf: {  	[tilespmem:v3+s21+$0x240 ss:$0x1] =	vst.idx.msk $0xffff, v20  }
0xc0: {  	v20 =	vld.idx.msk [tilespmem:v2+s21+$0x80 ss:$0x1], $0xffff;
	_ =	sdelay $0x5  }
0xc1: {  	v20 =	vmul.bf16 v14, v20;
	_ =	sdelay $0x1  }
0xc2: {  	[tilespmem:v3+s21+$0x280 ss:$0x1] =	vst.idx.msk $0xffff, v20  }
0xc3: {  	v20 =	vld.idx.msk [tilespmem:v2+s21+$0xC0 ss:$0x1], $0xffff;
	_ =	sdelay $0x5  }
0xc4: {  	v20 =	vmul.bf16 v15, v20;
	_ =	sdelay $0x1  }
0xc5: {  	[tilespmem:v3+s21+$0x2C0 ss:$0x1] =	vst.idx.msk $0xffff, v20  }
0xc6: {  	v20 =	vld.idx.msk [tilespmem:v2+s21+$0x100 ss:$0x1], $0xffff;
	_ =	sdelay $0x5  }
0xc7: {  	v20 =	vmul.bf16 v16, v20;
	_ =	sdelay $0x1  }
0xc8: {  	[tilespmem:v3+s21+$0x300 ss:$0x1] =	vst.idx.msk $0xffff, v20  }
0xc9: {  	v20 =	vld.idx.msk [tilespmem:v2+s21+$0x140 ss:$0x1], $0xffff;
	_ =	sdelay $0x5  }
0xca: {  	v20 =	vmul.bf16 v17, v20;
	_ =	sdelay $0x1  }
0xcb: {  	[tilespmem:v3+s21+$0x340 ss:$0x1] =	vst.idx.msk $0xffff, v20  }
0xcc: {  	v20 =	vld.idx.msk [tilespmem:v2+s21+$0x180 ss:$0x1], $0xffff;
	_ =	sdelay $0x5  }
0xcd: {  	v20 =	vmul.bf16 v18, v20;
	_ =	sdelay $0x1  }
0xce: {  	[tilespmem:v3+s21+$0x380 ss:$0x1] =	vst.idx.msk $0xffff, v20  }
0xcf: {  	v20 =	vld.idx.msk [tilespmem:v2+s21+$0x1C0 ss:$0x1], $0xffff;
	_ =	sdelay $0x1  }
.Ltmp1:
0xd0: {  	(pc) =	sbr.rel @p1 .LBB2_6-.Ltmp1, $2  }
0xd1: {  	_ =	sdelay $0x2  }
0xd2: {  	v20 =	vmul.bf16 v19, v20  }
0xd3: {  	_ =	sdelay $0x3  }
0xd4: {  	s22 =	sshra.s32 s22, $0x2;
	[tilespmem:v3+s21+$0x3C0 ss:$0x1] =	vst.idx.msk $0xffff, v20  }
0xd5: {  	v20 =	vld.idx.msk [tilespmem:v2+s22+$0xFFFFFE00 ss:$0x1], $0xffff;
	_ =	sdelay $0x4  }
0xd6: {  	v4 =	vmul.bf16 v4, v20;
	_ =	sdelay $0x1  }
0xd7: {  	[tilespmem:v3+s22+$0x0 ss:$0x1] =	vst.idx.msk $0xffff, v4  }
0xd8: {  	v4 =	vld.idx.msk [tilespmem:v2+s22+$0xFFFFFE40 ss:$0x1], $0xffff;
	_ =	sdelay $0x4  }
0xd9: {  	v4 =	vmul.bf16 v5, v4;
	_ =	sdelay $0x1  }
0xda: {  	[tilespmem:v3+s22+$0x40 ss:$0x1] =	vst.idx.msk $0xffff, v4  }
0xdb: {  	v4 =	vld.idx.msk [tilespmem:v2+s22+$0xFFFFFE80 ss:$0x1], $0xffff;
	_ =	sdelay $0x4  }
0xdc: {  	v4 =	vmul.bf16 v6, v4;
	_ =	sdelay $0x1  }
0xdd: {  	[tilespmem:v3+s22+$0x80 ss:$0x1] =	vst.idx.msk $0xffff, v4  }
0xde: {  	v4 =	vld.idx.msk [tilespmem:v2+s22+$0xFFFFFEC0 ss:$0x1], $0xffff;
	_ =	sdelay $0x4  }
0xdf: {  	v4 =	vmul.bf16 v7, v4;
	_ =	sdelay $0x1  }
0xe0: {  	[tilespmem:v3+s22+$0xC0 ss:$0x1] =	vst.idx.msk $0xffff, v4  }
0xe1: {  	v4 =	vld.idx.msk [tilespmem:v2+s22+$0xFFFFFF00 ss:$0x1], $0xffff;
	_ =	sdelay $0x4  }
0xe2: {  	v4 =	vmul.bf16 v8, v4;
	_ =	sdelay $0x1  }
0xe3: {  	[tilespmem:v3+s22+$0x100 ss:$0x1] =	vst.idx.msk $0xffff, v4  }
0xe4: {  	v4 =	vld.idx.msk [tilespmem:v2+s22+$0xFFFFFF40 ss:$0x1], $0xffff;
	_ =	sdelay $0x4  }
0xe5: {  	v4 =	vmul.bf16 v9, v4;
	_ =	sdelay $0x1  }
0xe6: {  	[tilespmem:v3+s22+$0x140 ss:$0x1] =	vst.idx.msk $0xffff, v4  }
0xe7: {  	v4 =	vld.idx.msk [tilespmem:v2+s22+$0xFFFFFF80 ss:$0x1], $0xffff;
	_ =	sdelay $0x4  }
0xe8: {  	v4 =	vmul.bf16 v10, v4;
	_ =	sdelay $0x1  }
0xe9: {  	[tilespmem:v3+s22+$0x180 ss:$0x1] =	vst.idx.msk $0xffff, v4  }
0xea: {  	v4 =	vld.idx.msk [tilespmem:v2+s22+$0xFFFFFFC0 ss:$0x1], $0xffff;
	_ =	sdelay $0x4  }
0xeb: {  	v4 =	vmul.bf16 v11, v4;
	_ =	sdelay $0x1  }
0xec: {  	[tilespmem:v3+s22+$0x1C0 ss:$0x1] =	vst.idx.msk $0xffff, v4  }
0xed: {  	v4 =	vld.idx.msk [tilespmem:v2+s22+$0x0 ss:$0x1], $0xffff;
	_ =	sdelay $0x4  }
0xee: {  	v4 =	vmul.bf16 v12, v4;
	_ =	sdelay $0x1  }
0xef: {  	[tilespmem:v3+s22+$0x200 ss:$0x1] =	vst.idx.msk $0xffff, v4  }
0xf0: {  	v4 =	vld.idx.msk [tilespmem:v2+s22+$0x40 ss:$0x1], $0xffff;
	_ =	sdelay $0x4  }
0xf1: {  	v4 =	vmul.bf16 v13, v4;
	_ =	sdelay $0x1  }
0xf2: {  	[tilespmem:v3+s22+$0x240 ss:$0x1] =	vst.idx.msk $0xffff, v4  }
0xf3: {  	v4 =	vld.idx.msk [tilespmem:v2+s22+$0x80 ss:$0x1], $0xffff;
	_ =	sdelay $0x4  }
0xf4: {  	v4 =	vmul.bf16 v14, v4;
	_ =	sdelay $0x1  }
0xf5: {  	[tilespmem:v3+s22+$0x280 ss:$0x1] =	vst.idx.msk $0xffff, v4  }
0xf6: {  	v4 =	vld.idx.msk [tilespmem:v2+s22+$0xC0 ss:$0x1], $0xffff;
	_ =	sdelay $0x4  }
0xf7: {  	v4 =	vmul.bf16 v15, v4;
	_ =	sdelay $0x1  }
0xf8: {  	[tilespmem:v3+s22+$0x2C0 ss:$0x1] =	vst.idx.msk $0xffff, v4  }
0xf9: {  	v4 =	vld.idx.msk [tilespmem:v2+s22+$0x100 ss:$0x1], $0xffff;
	_ =	sdelay $0x4  }
0xfa: {  	v4 =	vmul.bf16 v16, v4;
	_ =	sdelay $0x1  }
0xfb: {  	[tilespmem:v3+s22+$0x300 ss:$0x1] =	vst.idx.msk $0xffff, v4  }
0xfc: {  	v4 =	vld.idx.msk [tilespmem:v2+s22+$0x140 ss:$0x1], $0xffff;
	_ =	sdelay $0x4  }
0xfd: {  	v4 =	vmul.bf16 v17, v4;
	_ =	sdelay $0x1  }
0xfe: {  	[tilespmem:v3+s22+$0x340 ss:$0x1] =	vst.idx.msk $0xffff, v4  }
0xff: {  	v4 =	vld.idx.msk [tilespmem:v2+s22+$0x180 ss:$0x1], $0xffff;
	_ =	sdelay $0x4  }
0x100: {  	v4 =	vmul.bf16 v18, v4;
	_ =	sdelay $0x1  }
0x101: {  	[tilespmem:v3+s22+$0x380 ss:$0x1] =	vst.idx.msk $0xffff, v4  }
0x102: {  	v2 =	vld.idx.msk [tilespmem:v2+s22+$0x1C0 ss:$0x1], $0xffff  }
0x103: {  	s20 =	sadd.s32 $0x1, s20  }
0x104: {  	p1 =	sne.s32 s20, $0x8  }
.Ltmp2:
0x105: {  	_ = 	snop;
	(pc) =	sbr.rel @p1 .LBB2_5-.Ltmp2, $3  }
0x106: {  	_ = 	snop  }
0x107: {  	v2 =	vmul.bf16 v19, v2;
	_ =	sdelay $0x1  }
0x108: {  	s18 =	sadd.s32 $0x400, s18;
	s19 =	sadd.s32 $0x400, s19;
	[tilespmem:v3+s22+$0x3C0 ss:$0x1] =	vst.idx.msk $0xffff, v2  }
0x109: {  	s16 =	sadd.s32 $0x1400, s16;
	s29 =	sshll.u32 s29, $0x7  }
0x10a: {  	[spmem:s2] =	stream.indirect.scatter.add.bf16 [tilespmem:s26], [sflag:$0x3], $0x40, s16, s30, $0xb8;
	[tilespmem:$0x1FC00] =	vst v63  }
0x10b: {  	s16 =	sadd.s32 $0x100, s29  }
0x10c: {  	[tilespmem:s31], [sflag:$0x1] =	stream.indirect.gather [spmem:s1], $0x40, s16, s30, $0xb8;
	[tilespmem:$0x1FC00] =	vst v63  }
0x10d: {  	_ =	swait.ge [sflag:s5], $0x2000  }
0x10e: {  	[sflag:s5] =	ssyncset.done $0x0  }
0x10f: {  	s18 =	simm.s32 @!p0 $0x4;
	s15 =	sor.u32 $0x200, s15;
	[sflag:s5] =	ssyncadd.s32 $0xFFFFE000  }
0x110: {  	s19 =	simm.s32 $0x5E00;
	s16 =	sshrl.u32 s15, $0x2;
	_ =	swait.ge @!p0 [sflag:s18], $0x2000  }
0x111: {  	s15 =	smin.u32 s28, $0x24;
	s20 =	sadd.s32 $0x2800, s16;
	[sflag:s18] =	ssyncset.done @!p0 $0x0  }
0x112: {  	s28 =	simm.s32 $0x9C00;
	v1 =	vmov s20;
	[sflag:s18] =	ssyncadd.s32 @!p0 $0xFFFFE000;
	s18 =	simm.s32 $0x0  }
.LBB2_9:
0x113: {  	_ = 	snop  }
0x114: {  	v2 =	vmov s19  }
0x115: {  	s20 =	sshll.u32 s18, $0x4  }
0x116: {  	s20 =	sand.u32 $0x3FFFFFF0, s20  }
0x117: {  	v19 =	vld.idx.msk [tilespmem:v1+s20+$0x0 ss:$0x1], $0xffff  }
0x118: {  	s20 =	simm.s32 $0x0  }
0x119: {  	v5 =	vld.idx.msk [tilespmem:v2+s20+$0xFFFFFE00 ss:$0x1], $0xffff;
	_ =	sdelay $0x1  }
0x11a: {  	v3 =	vmov s28  }
0x11b: {  	v4 =	vbroadcast v19, $0x0;
	_ =	sdelay $0x1  }
0x11c: {  	v5 =	vmul.bf16 v4, v5;
	_ =	sdelay $0x1  }
0x11d: {  	[tilespmem:v3+s20+$0x0 ss:$0x1] =	vst.idx.msk $0xffff, v5  }
0x11e: {  	v6 =	vld.idx.msk [tilespmem:v2+s20+$0xFFFFFE40 ss:$0x1], $0xffff;
	_ =	sdelay $0x2  }
0x11f: {  	v5 =	vbroadcast v19, $0x1;
	_ =	sdelay $0x1  }
0x120: {  	v6 =	vmul.bf16 v5, v6;
	_ =	sdelay $0x1  }
0x121: {  	[tilespmem:v3+s20+$0x40 ss:$0x1] =	vst.idx.msk $0xffff, v6  }
0x122: {  	v7 =	vld.idx.msk [tilespmem:v2+s20+$0xFFFFFE80 ss:$0x1], $0xffff;
	_ =	sdelay $0x2  }
0x123: {  	v6 =	vbroadcast v19, $0x2;
	_ =	sdelay $0x1  }
0x124: {  	v7 =	vmul.bf16 v6, v7;
	_ =	sdelay $0x1  }
0x125: {  	[tilespmem:v3+s20+$0x80 ss:$0x1] =	vst.idx.msk $0xffff, v7  }
0x126: {  	v8 =	vld.idx.msk [tilespmem:v2+s20+$0xFFFFFEC0 ss:$0x1], $0xffff;
	_ =	sdelay $0x2  }
0x127: {  	v7 =	vbroadcast v19, $0x3;
	_ =	sdelay $0x1  }
0x128: {  	v8 =	vmul.bf16 v7, v8;
	_ =	sdelay $0x1  }
0x129: {  	[tilespmem:v3+s20+$0xC0 ss:$0x1] =	vst.idx.msk $0xffff, v8  }
0x12a: {  	v9 =	vld.idx.msk [tilespmem:v2+s20+$0xFFFFFF00 ss:$0x1], $0xffff;
	_ =	sdelay $0x2  }
0x12b: {  	v8 =	vbroadcast v19, $0x4;
	_ =	sdelay $0x1  }
0x12c: {  	v9 =	vmul.bf16 v8, v9;
	_ =	sdelay $0x1  }
0x12d: {  	[tilespmem:v3+s20+$0x100 ss:$0x1] =	vst.idx.msk $0xffff, v9  }
0x12e: {  	v10 =	vld.idx.msk [tilespmem:v2+s20+$0xFFFFFF40 ss:$0x1], $0xffff;
	_ =	sdelay $0x2  }
0x12f: {  	v9 =	vbroadcast v19, $0x5;
	_ =	sdelay $0x1  }
0x130: {  	v10 =	vmul.bf16 v9, v10;
	_ =	sdelay $0x1  }
0x131: {  	[tilespmem:v3+s20+$0x140 ss:$0x1] =	vst.idx.msk $0xffff, v10  }
0x132: {  	v11 =	vld.idx.msk [tilespmem:v2+s20+$0xFFFFFF80 ss:$0x1], $0xffff;
	_ =	sdelay $0x2  }
0x133: {  	v10 =	vbroadcast v19, $0x6;
	_ =	sdelay $0x1  }
0x134: {  	v11 =	vmul.bf16 v10, v11;
	_ =	sdelay $0x1  }
0x135: {  	[tilespmem:v3+s20+$0x180 ss:$0x1] =	vst.idx.msk $0xffff, v11  }
0x136: {  	v12 =	vld.idx.msk [tilespmem:v2+s20+$0xFFFFFFC0 ss:$0x1], $0xffff;
	_ =	sdelay $0x2  }
0x137: {  	v11 =	vbroadcast v19, $0x7;
	_ =	sdelay $0x1  }
0x138: {  	v12 =	vmul.bf16 v11, v12;
	_ =	sdelay $0x1  }
0x139: {  	[tilespmem:v3+s20+$0x1C0 ss:$0x1] =	vst.idx.msk $0xffff, v12  }
0x13a: {  	v13 =	vld.idx.msk [tilespmem:v2+s20+$0x0 ss:$0x1], $0xffff;
	_ =	sdelay $0x2  }
0x13b: {  	v12 =	vbroadcast v19, $0x8;
	_ =	sdelay $0x1  }
0x13c: {  	v13 =	vmul.bf16 v12, v13;
	_ =	sdelay $0x1  }
0x13d: {  	[tilespmem:v3+s20+$0x200 ss:$0x1] =	vst.idx.msk $0xffff, v13  }
0x13e: {  	v14 =	vld.idx.msk [tilespmem:v2+s20+$0x40 ss:$0x1], $0xffff;
	_ =	sdelay $0x2  }
0x13f: {  	v13 =	vbroadcast v19, $0x9;
	_ =	sdelay $0x1  }
0x140: {  	v14 =	vmul.bf16 v13, v14;
	_ =	sdelay $0x1  }
0x141: {  	[tilespmem:v3+s20+$0x240 ss:$0x1] =	vst.idx.msk $0xffff, v14  }
0x142: {  	v15 =	vld.idx.msk [tilespmem:v2+s20+$0x80 ss:$0x1], $0xffff;
	_ =	sdelay $0x2  }
0x143: {  	v14 =	vbroadcast v19, $0xA;
	_ =	sdelay $0x1  }
0x144: {  	v15 =	vmul.bf16 v14, v15;
	_ =	sdelay $0x1  }
0x145: {  	[tilespmem:v3+s20+$0x280 ss:$0x1] =	vst.idx.msk $0xffff, v15  }
0x146: {  	v16 =	vld.idx.msk [tilespmem:v2+s20+$0xC0 ss:$0x1], $0xffff;
	_ =	sdelay $0x2  }
0x147: {  	v15 =	vbroadcast v19, $0xB;
	_ =	sdelay $0x1  }
0x148: {  	v16 =	vmul.bf16 v15, v16;
	_ =	sdelay $0x1  }
0x149: {  	[tilespmem:v3+s20+$0x2C0 ss:$0x1] =	vst.idx.msk $0xffff, v16  }
0x14a: {  	v17 =	vld.idx.msk [tilespmem:v2+s20+$0x100 ss:$0x1], $0xffff;
	_ =	sdelay $0x2  }
0x14b: {  	v16 =	vbroadcast v19, $0xC;
	_ =	sdelay $0x1  }
0x14c: {  	v17 =	vmul.bf16 v16, v17;
	_ =	sdelay $0x1  }
0x14d: {  	[tilespmem:v3+s20+$0x300 ss:$0x1] =	vst.idx.msk $0xffff, v17  }
0x14e: {  	v18 =	vld.idx.msk [tilespmem:v2+s20+$0x140 ss:$0x1], $0xffff;
	_ =	sdelay $0x2  }
0x14f: {  	v17 =	vbroadcast v19, $0xD;
	_ =	sdelay $0x1  }
0x150: {  	v18 =	vmul.bf16 v17, v18;
	_ =	sdelay $0x1  }
0x151: {  	[tilespmem:v3+s20+$0x340 ss:$0x1] =	vst.idx.msk $0xffff, v18  }
0x152: {  	v20 =	vld.idx.msk [tilespmem:v2+s20+$0x180 ss:$0x1], $0xffff;
	_ =	sdelay $0x2  }
0x153: {  	v18 =	vbroadcast v19, $0xE;
	_ =	sdelay $0x1  }
0x154: {  	v20 =	vmul.bf16 v18, v20;
	_ =	sdelay $0x1  }
0x155: {  	[tilespmem:v3+s20+$0x380 ss:$0x1] =	vst.idx.msk $0xffff, v20  }
0x156: {  	v20 =	vld.idx.msk [tilespmem:v2+s20+$0x1C0 ss:$0x1], $0xffff;
	_ =	sdelay $0x2  }
0x157: {  	v19 =	vbroadcast v19, $0xF;
	_ =	sdelay $0x1  }
0x158: {  	s21 =	simm.s32 $0x40;
	s22 =	simm.s32 $0x80;
	v20 =	vmul.bf16 v19, v20  }
.LBB2_10:
0x159: {  	p0 =	sne.s32 s22, $0xC0  }
0x15a: {  	[tilespmem:v3+s20+$0x3C0 ss:$0x1] =	vst.idx.msk $0xffff, v20;
	s20 =	sshra.s32 s21, $0x2;
	s21 =	smov.u32 s22;
	s22 =	sadd.s32 $0x40, s22  }
0x15b: {  	v20 =	vld.idx.msk [tilespmem:v2+s20+$0xFFFFFE00 ss:$0x1], $0xffff;
	_ =	sdelay $0x5  }
0x15c: {  	v20 =	vmul.bf16 v4, v20;
	_ =	sdelay $0x1  }
0x15d: {  	[tilespmem:v3+s20+$0x0 ss:$0x1] =	vst.idx.msk $0xffff, v20  }
0x15e: {  	v20 =	vld.idx.msk [tilespmem:v2+s20+$0xFFFFFE40 ss:$0x1], $0xffff;
	_ =	sdelay $0x5  }
0x15f: {  	v20 =	vmul.bf16 v5, v20;
	_ =	sdelay $0x1  }
0x160: {  	[tilespmem:v3+s20+$0x40 ss:$0x1] =	vst.idx.msk $0xffff, v20  }
0x161: {  	v20 =	vld.idx.msk [tilespmem:v2+s20+$0xFFFFFE80 ss:$0x1], $0xffff;
	_ =	sdelay $0x5  }
0x162: {  	v20 =	vmul.bf16 v6, v20;
	_ =	sdelay $0x1  }
0x163: {  	[tilespmem:v3+s20+$0x80 ss:$0x1] =	vst.idx.msk $0xffff, v20  }
0x164: {  	v20 =	vld.idx.msk [tilespmem:v2+s20+$0xFFFFFEC0 ss:$0x1], $0xffff;
	_ =	sdelay $0x5  }
0x165: {  	v20 =	vmul.bf16 v7, v20;
	_ =	sdelay $0x1  }
0x166: {  	[tilespmem:v3+s20+$0xC0 ss:$0x1] =	vst.idx.msk $0xffff, v20  }
0x167: {  	v20 =	vld.idx.msk [tilespmem:v2+s20+$0xFFFFFF00 ss:$0x1], $0xffff;
	_ =	sdelay $0x5  }
0x168: {  	v20 =	vmul.bf16 v8, v20;
	_ =	sdelay $0x1  }
0x169: {  	[tilespmem:v3+s20+$0x100 ss:$0x1] =	vst.idx.msk $0xffff, v20  }
0x16a: {  	v20 =	vld.idx.msk [tilespmem:v2+s20+$0xFFFFFF40 ss:$0x1], $0xffff;
	_ =	sdelay $0x5  }
0x16b: {  	v20 =	vmul.bf16 v9, v20;
	_ =	sdelay $0x1  }
0x16c: {  	[tilespmem:v3+s20+$0x140 ss:$0x1] =	vst.idx.msk $0xffff, v20  }
0x16d: {  	v20 =	vld.idx.msk [tilespmem:v2+s20+$0xFFFFFF80 ss:$0x1], $0xffff;
	_ =	sdelay $0x5  }
0x16e: {  	v20 =	vmul.bf16 v10, v20;
	_ =	sdelay $0x1  }
0x16f: {  	[tilespmem:v3+s20+$0x180 ss:$0x1] =	vst.idx.msk $0xffff, v20  }
0x170: {  	v20 =	vld.idx.msk [tilespmem:v2+s20+$0xFFFFFFC0 ss:$0x1], $0xffff;
	_ =	sdelay $0x5  }
0x171: {  	v20 =	vmul.bf16 v11, v20;
	_ =	sdelay $0x1  }
0x172: {  	[tilespmem:v3+s20+$0x1C0 ss:$0x1] =	vst.idx.msk $0xffff, v20  }
0x173: {  	v20 =	vld.idx.msk [tilespmem:v2+s20+$0x0 ss:$0x1], $0xffff;
	_ =	sdelay $0x5  }
0x174: {  	v20 =	vmul.bf16 v12, v20;
	_ =	sdelay $0x1  }
0x175: {  	[tilespmem:v3+s20+$0x200 ss:$0x1] =	vst.idx.msk $0xffff, v20  }
0x176: {  	v20 =	vld.idx.msk [tilespmem:v2+s20+$0x40 ss:$0x1], $0xffff;
	_ =	sdelay $0x5  }
0x177: {  	v20 =	vmul.bf16 v13, v20;
	_ =	sdelay $0x1  }
0x178: {  	[tilespmem:v3+s20+$0x240 ss:$0x1] =	vst.idx.msk $0xffff, v20  }
0x179: {  	v20 =	vld.idx.msk [tilespmem:v2+s20+$0x80 ss:$0x1], $0xffff;
	_ =	sdelay $0x5  }
0x17a: {  	v20 =	vmul.bf16 v14, v20;
	_ =	sdelay $0x1  }
0x17b: {  	[tilespmem:v3+s20+$0x280 ss:$0x1] =	vst.idx.msk $0xffff, v20  }
0x17c: {  	v20 =	vld.idx.msk [tilespmem:v2+s20+$0xC0 ss:$0x1], $0xffff;
	_ =	sdelay $0x5  }
0x17d: {  	v20 =	vmul.bf16 v15, v20;
	_ =	sdelay $0x1  }
0x17e: {  	[tilespmem:v3+s20+$0x2C0 ss:$0x1] =	vst.idx.msk $0xffff, v20  }
0x17f: {  	v20 =	vld.idx.msk [tilespmem:v2+s20+$0x100 ss:$0x1], $0xffff;
	_ =	sdelay $0x5  }
0x180: {  	v20 =	vmul.bf16 v16, v20;
	_ =	sdelay $0x1  }
0x181: {  	[tilespmem:v3+s20+$0x300 ss:$0x1] =	vst.idx.msk $0xffff, v20  }
0x182: {  	v20 =	vld.idx.msk [tilespmem:v2+s20+$0x140 ss:$0x1], $0xffff;
	_ =	sdelay $0x5  }
0x183: {  	v20 =	vmul.bf16 v17, v20;
	_ =	sdelay $0x1  }
0x184: {  	[tilespmem:v3+s20+$0x340 ss:$0x1] =	vst.idx.msk $0xffff, v20  }
0x185: {  	v20 =	vld.idx.msk [tilespmem:v2+s20+$0x180 ss:$0x1], $0xffff;
	_ =	sdelay $0x5  }
0x186: {  	v20 =	vmul.bf16 v18, v20;
	_ =	sdelay $0x1  }
0x187: {  	[tilespmem:v3+s20+$0x380 ss:$0x1] =	vst.idx.msk $0xffff, v20  }
0x188: {  	v20 =	vld.idx.msk [tilespmem:v2+s20+$0x1C0 ss:$0x1], $0xffff;
	_ =	sdelay $0x1  }
.Ltmp3:
0x189: {  	(pc) =	sbr.rel @p0 .LBB2_10-.Ltmp3, $2  }
0x18a: {  	_ =	sdelay $0x2  }
0x18b: {  	v20 =	vmul.bf16 v19, v20  }
0x18c: {  	_ =	sdelay $0x3  }
0x18d: {  	s21 =	sshra.s32 s21, $0x2;
	[tilespmem:v3+s20+$0x3C0 ss:$0x1] =	vst.idx.msk $0xffff, v20  }
0x18e: {  	v20 =	vld.idx.msk [tilespmem:v2+s21+$0xFFFFFE00 ss:$0x1], $0xffff;
	_ =	sdelay $0x4  }
0x18f: {  	v4 =	vmul.bf16 v4, v20;
	_ =	sdelay $0x1  }
0x190: {  	[tilespmem:v3+s21+$0x0 ss:$0x1] =	vst.idx.msk $0xffff, v4  }
0x191: {  	v4 =	vld.idx.msk [tilespmem:v2+s21+$0xFFFFFE40 ss:$0x1], $0xffff;
	_ =	sdelay $0x4  }
0x192: {  	v4 =	vmul.bf16 v5, v4;
	_ =	sdelay $0x1  }
0x193: {  	[tilespmem:v3+s21+$0x40 ss:$0x1] =	vst.idx.msk $0xffff, v4  }
0x194: {  	v4 =	vld.idx.msk [tilespmem:v2+s21+$0xFFFFFE80 ss:$0x1], $0xffff;
	_ =	sdelay $0x4  }
0x195: {  	v4 =	vmul.bf16 v6, v4;
	_ =	sdelay $0x1  }
0x196: {  	[tilespmem:v3+s21+$0x80 ss:$0x1] =	vst.idx.msk $0xffff, v4  }
0x197: {  	v4 =	vld.idx.msk [tilespmem:v2+s21+$0xFFFFFEC0 ss:$0x1], $0xffff;
	_ =	sdelay $0x4  }
0x198: {  	v4 =	vmul.bf16 v7, v4;
	_ =	sdelay $0x1  }
0x199: {  	[tilespmem:v3+s21+$0xC0 ss:$0x1] =	vst.idx.msk $0xffff, v4  }
0x19a: {  	v4 =	vld.idx.msk [tilespmem:v2+s21+$0xFFFFFF00 ss:$0x1], $0xffff;
	_ =	sdelay $0x4  }
0x19b: {  	v4 =	vmul.bf16 v8, v4;
	_ =	sdelay $0x1  }
0x19c: {  	[tilespmem:v3+s21+$0x100 ss:$0x1] =	vst.idx.msk $0xffff, v4  }
0x19d: {  	v4 =	vld.idx.msk [tilespmem:v2+s21+$0xFFFFFF40 ss:$0x1], $0xffff;
	_ =	sdelay $0x4  }
0x19e: {  	v4 =	vmul.bf16 v9, v4;
	_ =	sdelay $0x1  }
0x19f: {  	[tilespmem:v3+s21+$0x140 ss:$0x1] =	vst.idx.msk $0xffff, v4  }
0x1a0: {  	v4 =	vld.idx.msk [tilespmem:v2+s21+$0xFFFFFF80 ss:$0x1], $0xffff;
	_ =	sdelay $0x4  }
0x1a1: {  	v4 =	vmul.bf16 v10, v4;
	_ =	sdelay $0x1  }
0x1a2: {  	[tilespmem:v3+s21+$0x180 ss:$0x1] =	vst.idx.msk $0xffff, v4  }
0x1a3: {  	v4 =	vld.idx.msk [tilespmem:v2+s21+$0xFFFFFFC0 ss:$0x1], $0xffff;
	_ =	sdelay $0x4  }
0x1a4: {  	v4 =	vmul.bf16 v11, v4;
	_ =	sdelay $0x1  }
0x1a5: {  	[tilespmem:v3+s21+$0x1C0 ss:$0x1] =	vst.idx.msk $0xffff, v4  }
0x1a6: {  	v4 =	vld.idx.msk [tilespmem:v2+s21+$0x0 ss:$0x1], $0xffff;
	_ =	sdelay $0x4  }
0x1a7: {  	v4 =	vmul.bf16 v12, v4;
	_ =	sdelay $0x1  }
0x1a8: {  	[tilespmem:v3+s21+$0x200 ss:$0x1] =	vst.idx.msk $0xffff, v4  }
0x1a9: {  	v4 =	vld.idx.msk [tilespmem:v2+s21+$0x40 ss:$0x1], $0xffff;
	_ =	sdelay $0x4  }
0x1aa: {  	v4 =	vmul.bf16 v13, v4;
	_ =	sdelay $0x1  }
0x1ab: {  	[tilespmem:v3+s21+$0x240 ss:$0x1] =	vst.idx.msk $0xffff, v4  }
0x1ac: {  	v4 =	vld.idx.msk [tilespmem:v2+s21+$0x80 ss:$0x1], $0xffff;
	_ =	sdelay $0x4  }
0x1ad: {  	v4 =	vmul.bf16 v14, v4;
	_ =	sdelay $0x1  }
0x1ae: {  	[tilespmem:v3+s21+$0x280 ss:$0x1] =	vst.idx.msk $0xffff, v4  }
0x1af: {  	v4 =	vld.idx.msk [tilespmem:v2+s21+$0xC0 ss:$0x1], $0xffff;
	_ =	sdelay $0x4  }
0x1b0: {  	v4 =	vmul.bf16 v15, v4;
	_ =	sdelay $0x1  }
0x1b1: {  	[tilespmem:v3+s21+$0x2C0 ss:$0x1] =	vst.idx.msk $0xffff, v4  }
0x1b2: {  	v4 =	vld.idx.msk [tilespmem:v2+s21+$0x100 ss:$0x1], $0xffff;
	_ =	sdelay $0x4  }
0x1b3: {  	v4 =	vmul.bf16 v16, v4;
	_ =	sdelay $0x1  }
0x1b4: {  	[tilespmem:v3+s21+$0x300 ss:$0x1] =	vst.idx.msk $0xffff, v4  }
0x1b5: {  	v4 =	vld.idx.msk [tilespmem:v2+s21+$0x140 ss:$0x1], $0xffff;
	_ =	sdelay $0x4  }
0x1b6: {  	v4 =	vmul.bf16 v17, v4;
	_ =	sdelay $0x1  }
0x1b7: {  	[tilespmem:v3+s21+$0x340 ss:$0x1] =	vst.idx.msk $0xffff, v4  }
0x1b8: {  	v4 =	vld.idx.msk [tilespmem:v2+s21+$0x180 ss:$0x1], $0xffff;
	_ =	sdelay $0x4  }
0x1b9: {  	v4 =	vmul.bf16 v18, v4;
	_ =	sdelay $0x1  }
0x1ba: {  	[tilespmem:v3+s21+$0x380 ss:$0x1] =	vst.idx.msk $0xffff, v4  }
0x1bb: {  	v2 =	vld.idx.msk [tilespmem:v2+s21+$0x1C0 ss:$0x1], $0xffff  }
0x1bc: {  	s18 =	sadd.s32 $0x1, s18  }
0x1bd: {  	p0 =	sne.s32 s18, $0x8  }
.Ltmp4:
0x1be: {  	_ = 	snop;
	(pc) =	sbr.rel @p0 .LBB2_9-.Ltmp4, $3  }
0x1bf: {  	_ = 	snop  }
0x1c0: {  	v2 =	vmul.bf16 v19, v2;
	_ =	sdelay $0x1  }
0x1c1: {  	s19 =	sadd.s32 $0x400, s19;
	s28 =	sadd.s32 $0x400, s28;
	[tilespmem:v3+s21+$0x3C0 ss:$0x1] =	vst.idx.msk $0xffff, v2  }
0x1c2: {  	s14 =	sadd.s32 $0x1, s14  }
0x1c3: {  	p0 =	sne.s32 s14, $0x14  }
.Ltmp5:
0x1c4: {  	_ = 	snop;
	(pc) =	sbr.rel @p0 .LBB2_4-.Ltmp5, $4  }
0x1c5: {  	s16 =	sadd.s32 $0x1400, s16;
	s15 =	sshll.u32 s15, $0x7  }
0x1c6: {  	[spmem:s2] =	stream.indirect.scatter.add.bf16 [tilespmem:s11], [sflag:$0x4], $0x40, s16, s30, $0xb8;
	[tilespmem:$0x1FC00] =	vst v63  }
0x1c7: {  	s15 =	sadd.s32 $0x180, s15  }
0x1c8: {  	[tilespmem:s0], [sflag:$0x2] =	stream.indirect.gather [spmem:s1], $0x40, s15, s30, $0xb8;
	[tilespmem:$0x1FC00] =	vst v63  }
0x1c9: {  	_ =	swait.ge [sflag:s4], $0x2000  }
0x1ca: {  	[sflag:s4] =	ssyncset.done $0x0  }
0x1cb: {  	[sflag:s4] =	ssyncadd.s32 $0xFFFFE000  }
0x1cc: {  	_ =	swait.ge [sflag:s12], $0x2000  }
0x1cd: {  	[sflag:s12] =	ssyncset.done $0x0  }
0x1ce: {  	[sflag:s12] =	ssyncadd.s32 $0xFFFFE000  }
0x1cf: {  	_ =	swait.ge [sflag:s5], $0x2000  }
0x1d0: {  	[sflag:s5] =	ssyncset.done $0x0  }
0x1d1: {  	[sflag:s5] =	ssyncadd.s32 $0xFFFFE000  }
0x1d2: {  	_ =	swait.ge [sflag:s13], $0x2000  }
0x1d3: {  	[sflag:s13] =	ssyncset.done $0x0  }
0x1d4: {  	s14 =	simm.s32 $0x0;
	s15 =	rddreg [dreg:$0x9];
	[sflag:s13] =	ssyncadd.s32 $0xFFFFE000  }
0x1d5: {  	[tilespmem:s14], [sflag:$0x5] =	stream.linear.gather [hbm4b:s15+s14], $0x1400, $0x38;
	[tilespmem:$0x1FC00] =	vst v63  }
0x1d6: {  	_ =	swait.ge [sflag:s25], $0x1400  }
0x1d7: {  	[sflag:s25] =	ssyncset.done $0x0  }
0x1d8: {  	s16 =	simm.s32 $0x1400;
	s23 =	rddreg [dreg:$0xa];
	[sflag:s25] =	ssyncadd.s32 $0xFFFFEC00  }
0x1d9: {  	[tilespmem:s16], [sflag:$0x5] =	stream.linear.gather [hbm4b:s23+s14], $0x1400, $0x38;
	[tilespmem:$0x1FC00] =	vst v63  }
0x1da: {  	_ =	swait.ge [sflag:s25], $0x1400  }
0x1db: {  	[sflag:s25] =	ssyncset.done $0x0  }
0x1dc: {  	s29 =	simm.s32 $0x2800;
	s28 =	rddreg [dreg:$0xb];
	[sflag:s25] =	ssyncadd.s32 $0xFFFFEC00  }
0x1dd: {  	[tilespmem:s29], [sflag:$0x5] =	stream.linear.gather [hbm4b:s28+s14], $0x1400, $0x38;
	[tilespmem:$0x1FC00] =	vst v63  }
0x1de: {  	_ =	swait.ge [sflag:s25], $0x1400  }
0x1df: {  	[sflag:s25] =	ssyncset.done $0x0  }
0x1e0: {  	[sflag:s25] =	ssyncadd.s32 $0xFFFFEC00  }
0x1e1: {  	[tilespmem:s31], [sflag:$0x1] =	stream.indirect.gather [spmem:s1], $0x40, s14, s30, $0xb8;
	[tilespmem:$0x1FC00] =	vst v63  }
0x1e2: {  	_ = 	snop  }
0x1e3: {  	[tilespmem:s0], [sflag:$0x2] =	stream.indirect.gather [spmem:s1], $0x40, s30, s30, $0xb8;
	[tilespmem:$0x1FC00] =	vst v63  }
.LBB2_14:
0x1e4: {  	_ =	swait.ge [sflag:s4], $0x2000  }
0x1e5: {  	p0 =	seq.s32 s14, $0x0;
	s15 =	sshll.u32 s14, $0xA;
	[sflag:s4] =	ssyncset.done $0x0  }
0x1e6: {  	s28 =	sshll.u32 s14, $0x1;
	s18 =	simm.s32 @!p0 $0x3;
	[sflag:s4] =	ssyncadd.s32 $0xFFFFE000  }
0x1e7: {  	s19 =	simm.s32 $0x7C00;
	s16 =	sshrl.u32 s15, $0x2;
	_ =	swait.ge @!p0 [sflag:s18], $0x2000  }
0x1e8: {  	s29 =	smin.u32 s28, $0x25;
	s20 =	sadd.s32 $0x2800, s16;
	[sflag:s18] =	ssyncset.done @!p0 $0x0  }
0x1e9: {  	v1 =	vmov s20;
	s20 =	simm.s32 $0x0;
	[sflag:s18] =	ssyncadd.s32 @!p0 $0xFFFFE000;
	s18 =	simm.s32 $0x3E00  }
.LBB2_15:
0x1ea: {  	_ = 	snop  }
0x1eb: {  	v2 =	vmov s18  }
0x1ec: {  	s21 =	sshll.u32 s20, $0x4  }
0x1ed: {  	s21 =	sand.u32 $0x3FFFFFF0, s21  }
0x1ee: {  	v19 =	vld.idx.msk [tilespmem:v1+s21+$0x0 ss:$0x1], $0xffff  }
0x1ef: {  	s21 =	simm.s32 $0x0  }
0x1f0: {  	v5 =	vld.idx.msk [tilespmem:v2+s21+$0xFFFFFE00 ss:$0x1], $0xffff;
	_ =	sdelay $0x1  }
0x1f1: {  	v3 =	vmov s19  }
0x1f2: {  	v4 =	vbroadcast v19, $0x0;
	_ =	sdelay $0x1  }
0x1f3: {  	v5 =	vmul.bf16 v4, v5;
	_ =	sdelay $0x1  }
0x1f4: {  	[tilespmem:v3+s21+$0x0 ss:$0x1] =	vst.idx.msk $0xffff, v5  }
0x1f5: {  	v6 =	vld.idx.msk [tilespmem:v2+s21+$0xFFFFFE40 ss:$0x1], $0xffff;
	_ =	sdelay $0x2  }
0x1f6: {  	v5 =	vbroadcast v19, $0x1;
	_ =	sdelay $0x1  }
0x1f7: {  	v6 =	vmul.bf16 v5, v6;
	_ =	sdelay $0x1  }
0x1f8: {  	[tilespmem:v3+s21+$0x40 ss:$0x1] =	vst.idx.msk $0xffff, v6  }
0x1f9: {  	v7 =	vld.idx.msk [tilespmem:v2+s21+$0xFFFFFE80 ss:$0x1], $0xffff;
	_ =	sdelay $0x2  }
0x1fa: {  	v6 =	vbroadcast v19, $0x2;
	_ =	sdelay $0x1  }
0x1fb: {  	v7 =	vmul.bf16 v6, v7;
	_ =	sdelay $0x1  }
0x1fc: {  	[tilespmem:v3+s21+$0x80 ss:$0x1] =	vst.idx.msk $0xffff, v7  }
0x1fd: {  	v8 =	vld.idx.msk [tilespmem:v2+s21+$0xFFFFFEC0 ss:$0x1], $0xffff;
	_ =	sdelay $0x2  }
0x1fe: {  	v7 =	vbroadcast v19, $0x3;
	_ =	sdelay $0x1  }
0x1ff: {  	v8 =	vmul.bf16 v7, v8;
	_ =	sdelay $0x1  }
0x200: {  	[tilespmem:v3+s21+$0xC0 ss:$0x1] =	vst.idx.msk $0xffff, v8  }
0x201: {  	v9 =	vld.idx.msk [tilespmem:v2+s21+$0xFFFFFF00 ss:$0x1], $0xffff;
	_ =	sdelay $0x2  }
0x202: {  	v8 =	vbroadcast v19, $0x4;
	_ =	sdelay $0x1  }
0x203: {  	v9 =	vmul.bf16 v8, v9;
	_ =	sdelay $0x1  }
0x204: {  	[tilespmem:v3+s21+$0x100 ss:$0x1] =	vst.idx.msk $0xffff, v9  }
0x205: {  	v10 =	vld.idx.msk [tilespmem:v2+s21+$0xFFFFFF40 ss:$0x1], $0xffff;
	_ =	sdelay $0x2  }
0x206: {  	v9 =	vbroadcast v19, $0x5;
	_ =	sdelay $0x1  }
0x207: {  	v10 =	vmul.bf16 v9, v10;
	_ =	sdelay $0x1  }
0x208: {  	[tilespmem:v3+s21+$0x140 ss:$0x1] =	vst.idx.msk $0xffff, v10  }
0x209: {  	v11 =	vld.idx.msk [tilespmem:v2+s21+$0xFFFFFF80 ss:$0x1], $0xffff;
	_ =	sdelay $0x2  }
0x20a: {  	v10 =	vbroadcast v19, $0x6;
	_ =	sdelay $0x1  }
0x20b: {  	v11 =	vmul.bf16 v10, v11;
	_ =	sdelay $0x1  }
0x20c: {  	[tilespmem:v3+s21+$0x180 ss:$0x1] =	vst.idx.msk $0xffff, v11  }
0x20d: {  	v12 =	vld.idx.msk [tilespmem:v2+s21+$0xFFFFFFC0 ss:$0x1], $0xffff;
	_ =	sdelay $0x2  }
0x20e: {  	v11 =	vbroadcast v19, $0x7;
	_ =	sdelay $0x1  }
0x20f: {  	v12 =	vmul.bf16 v11, v12;
	_ =	sdelay $0x1  }
0x210: {  	[tilespmem:v3+s21+$0x1C0 ss:$0x1] =	vst.idx.msk $0xffff, v12  }
0x211: {  	v13 =	vld.idx.msk [tilespmem:v2+s21+$0x0 ss:$0x1], $0xffff;
	_ =	sdelay $0x2  }
0x212: {  	v12 =	vbroadcast v19, $0x8;
	_ =	sdelay $0x1  }
0x213: {  	v13 =	vmul.bf16 v12, v13;
	_ =	sdelay $0x1  }
0x214: {  	[tilespmem:v3+s21+$0x200 ss:$0x1] =	vst.idx.msk $0xffff, v13  }
0x215: {  	v14 =	vld.idx.msk [tilespmem:v2+s21+$0x40 ss:$0x1], $0xffff;
	_ =	sdelay $0x2  }
0x216: {  	v13 =	vbroadcast v19, $0x9;
	_ =	sdelay $0x1  }
0x217: {  	v14 =	vmul.bf16 v13, v14;
	_ =	sdelay $0x1  }
0x218: {  	[tilespmem:v3+s21+$0x240 ss:$0x1] =	vst.idx.msk $0xffff, v14  }
0x219: {  	v15 =	vld.idx.msk [tilespmem:v2+s21+$0x80 ss:$0x1], $0xffff;
	_ =	sdelay $0x2  }
0x21a: {  	v14 =	vbroadcast v19, $0xA;
	_ =	sdelay $0x1  }
0x21b: {  	v15 =	vmul.bf16 v14, v15;
	_ =	sdelay $0x1  }
0x21c: {  	[tilespmem:v3+s21+$0x280 ss:$0x1] =	vst.idx.msk $0xffff, v15  }
0x21d: {  	v16 =	vld.idx.msk [tilespmem:v2+s21+$0xC0 ss:$0x1], $0xffff;
	_ =	sdelay $0x2  }
0x21e: {  	v15 =	vbroadcast v19, $0xB;
	_ =	sdelay $0x1  }
0x21f: {  	v16 =	vmul.bf16 v15, v16;
	_ =	sdelay $0x1  }
0x220: {  	[tilespmem:v3+s21+$0x2C0 ss:$0x1] =	vst.idx.msk $0xffff, v16  }
0x221: {  	v17 =	vld.idx.msk [tilespmem:v2+s21+$0x100 ss:$0x1], $0xffff;
	_ =	sdelay $0x2  }
0x222: {  	v16 =	vbroadcast v19, $0xC;
	_ =	sdelay $0x1  }
0x223: {  	v17 =	vmul.bf16 v16, v17;
	_ =	sdelay $0x1  }
0x224: {  	[tilespmem:v3+s21+$0x300 ss:$0x1] =	vst.idx.msk $0xffff, v17  }
0x225: {  	v18 =	vld.idx.msk [tilespmem:v2+s21+$0x140 ss:$0x1], $0xffff;
	_ =	sdelay $0x2  }
0x226: {  	v17 =	vbroadcast v19, $0xD;
	_ =	sdelay $0x1  }
0x227: {  	v18 =	vmul.bf16 v17, v18;
	_ =	sdelay $0x1  }
0x228: {  	[tilespmem:v3+s21+$0x340 ss:$0x1] =	vst.idx.msk $0xffff, v18  }
0x229: {  	v20 =	vld.idx.msk [tilespmem:v2+s21+$0x180 ss:$0x1], $0xffff;
	_ =	sdelay $0x2  }
0x22a: {  	v18 =	vbroadcast v19, $0xE;
	_ =	sdelay $0x1  }
0x22b: {  	v20 =	vmul.bf16 v18, v20;
	_ =	sdelay $0x1  }
0x22c: {  	[tilespmem:v3+s21+$0x380 ss:$0x1] =	vst.idx.msk $0xffff, v20  }
0x22d: {  	v20 =	vld.idx.msk [tilespmem:v2+s21+$0x1C0 ss:$0x1], $0xffff;
	_ =	sdelay $0x2  }
0x22e: {  	v19 =	vbroadcast v19, $0xF;
	_ =	sdelay $0x1  }
0x22f: {  	s22 =	simm.s32 $0x40;
	s23 =	simm.s32 $0x80;
	v20 =	vmul.bf16 v19, v20  }
.LBB2_16:
0x230: {  	p1 =	sne.s32 s23, $0xC0  }
0x231: {  	[tilespmem:v3+s21+$0x3C0 ss:$0x1] =	vst.idx.msk $0xffff, v20;
	s21 =	sshra.s32 s22, $0x2;
	s22 =	smov.u32 s23;
	s23 =	sadd.s32 $0x40, s23  }
0x232: {  	v20 =	vld.idx.msk [tilespmem:v2+s21+$0xFFFFFE00 ss:$0x1], $0xffff;
	_ =	sdelay $0x5  }
0x233: {  	v20 =	vmul.bf16 v4, v20;
	_ =	sdelay $0x1  }
0x234: {  	[tilespmem:v3+s21+$0x0 ss:$0x1] =	vst.idx.msk $0xffff, v20  }
0x235: {  	v20 =	vld.idx.msk [tilespmem:v2+s21+$0xFFFFFE40 ss:$0x1], $0xffff;
	_ =	sdelay $0x5  }
0x236: {  	v20 =	vmul.bf16 v5, v20;
	_ =	sdelay $0x1  }
0x237: {  	[tilespmem:v3+s21+$0x40 ss:$0x1] =	vst.idx.msk $0xffff, v20  }
0x238: {  	v20 =	vld.idx.msk [tilespmem:v2+s21+$0xFFFFFE80 ss:$0x1], $0xffff;
	_ =	sdelay $0x5  }
0x239: {  	v20 =	vmul.bf16 v6, v20;
	_ =	sdelay $0x1  }
0x23a: {  	[tilespmem:v3+s21+$0x80 ss:$0x1] =	vst.idx.msk $0xffff, v20  }
0x23b: {  	v20 =	vld.idx.msk [tilespmem:v2+s21+$0xFFFFFEC0 ss:$0x1], $0xffff;
	_ =	sdelay $0x5  }
0x23c: {  	v20 =	vmul.bf16 v7, v20;
	_ =	sdelay $0x1  }
0x23d: {  	[tilespmem:v3+s21+$0xC0 ss:$0x1] =	vst.idx.msk $0xffff, v20  }
0x23e: {  	v20 =	vld.idx.msk [tilespmem:v2+s21+$0xFFFFFF00 ss:$0x1], $0xffff;
	_ =	sdelay $0x5  }
0x23f: {  	v20 =	vmul.bf16 v8, v20;
	_ =	sdelay $0x1  }
0x240: {  	[tilespmem:v3+s21+$0x100 ss:$0x1] =	vst.idx.msk $0xffff, v20  }
0x241: {  	v20 =	vld.idx.msk [tilespmem:v2+s21+$0xFFFFFF40 ss:$0x1], $0xffff;
	_ =	sdelay $0x5  }
0x242: {  	v20 =	vmul.bf16 v9, v20;
	_ =	sdelay $0x1  }
0x243: {  	[tilespmem:v3+s21+$0x140 ss:$0x1] =	vst.idx.msk $0xffff, v20  }
0x244: {  	v20 =	vld.idx.msk [tilespmem:v2+s21+$0xFFFFFF80 ss:$0x1], $0xffff;
	_ =	sdelay $0x5  }
0x245: {  	v20 =	vmul.bf16 v10, v20;
	_ =	sdelay $0x1  }
0x246: {  	[tilespmem:v3+s21+$0x180 ss:$0x1] =	vst.idx.msk $0xffff, v20  }
0x247: {  	v20 =	vld.idx.msk [tilespmem:v2+s21+$0xFFFFFFC0 ss:$0x1], $0xffff;
	_ =	sdelay $0x5  }
0x248: {  	v20 =	vmul.bf16 v11, v20;
	_ =	sdelay $0x1  }
0x249: {  	[tilespmem:v3+s21+$0x1C0 ss:$0x1] =	vst.idx.msk $0xffff, v20  }
0x24a: {  	v20 =	vld.idx.msk [tilespmem:v2+s21+$0x0 ss:$0x1], $0xffff;
	_ =	sdelay $0x5  }
0x24b: {  	v20 =	vmul.bf16 v12, v20;
	_ =	sdelay $0x1  }
0x24c: {  	[tilespmem:v3+s21+$0x200 ss:$0x1] =	vst.idx.msk $0xffff, v20  }
0x24d: {  	v20 =	vld.idx.msk [tilespmem:v2+s21+$0x40 ss:$0x1], $0xffff;
	_ =	sdelay $0x5  }
0x24e: {  	v20 =	vmul.bf16 v13, v20;
	_ =	sdelay $0x1  }
0x24f: {  	[tilespmem:v3+s21+$0x240 ss:$0x1] =	vst.idx.msk $0xffff, v20  }
0x250: {  	v20 =	vld.idx.msk [tilespmem:v2+s21+$0x80 ss:$0x1], $0xffff;
	_ =	sdelay $0x5  }
0x251: {  	v20 =	vmul.bf16 v14, v20;
	_ =	sdelay $0x1  }
0x252: {  	[tilespmem:v3+s21+$0x280 ss:$0x1] =	vst.idx.msk $0xffff, v20  }
0x253: {  	v20 =	vld.idx.msk [tilespmem:v2+s21+$0xC0 ss:$0x1], $0xffff;
	_ =	sdelay $0x5  }
0x254: {  	v20 =	vmul.bf16 v15, v20;
	_ =	sdelay $0x1  }
0x255: {  	[tilespmem:v3+s21+$0x2C0 ss:$0x1] =	vst.idx.msk $0xffff, v20  }
0x256: {  	v20 =	vld.idx.msk [tilespmem:v2+s21+$0x100 ss:$0x1], $0xffff;
	_ =	sdelay $0x5  }
0x257: {  	v20 =	vmul.bf16 v16, v20;
	_ =	sdelay $0x1  }
0x258: {  	[tilespmem:v3+s21+$0x300 ss:$0x1] =	vst.idx.msk $0xffff, v20  }
0x259: {  	v20 =	vld.idx.msk [tilespmem:v2+s21+$0x140 ss:$0x1], $0xffff;
	_ =	sdelay $0x5  }
0x25a: {  	v20 =	vmul.bf16 v17, v20;
	_ =	sdelay $0x1  }
0x25b: {  	[tilespmem:v3+s21+$0x340 ss:$0x1] =	vst.idx.msk $0xffff, v20  }
0x25c: {  	v20 =	vld.idx.msk [tilespmem:v2+s21+$0x180 ss:$0x1], $0xffff;
	_ =	sdelay $0x5  }
0x25d: {  	v20 =	vmul.bf16 v18, v20;
	_ =	sdelay $0x1  }
0x25e: {  	[tilespmem:v3+s21+$0x380 ss:$0x1] =	vst.idx.msk $0xffff, v20  }
0x25f: {  	v20 =	vld.idx.msk [tilespmem:v2+s21+$0x1C0 ss:$0x1], $0xffff;
	_ =	sdelay $0x1  }
.Ltmp6:
0x260: {  	(pc) =	sbr.rel @p1 .LBB2_16-.Ltmp6, $2  }
0x261: {  	_ =	sdelay $0x2  }
0x262: {  	v20 =	vmul.bf16 v19, v20  }
0x263: {  	_ =	sdelay $0x3  }
0x264: {  	s22 =	sshra.s32 s22, $0x2;
	[tilespmem:v3+s21+$0x3C0 ss:$0x1] =	vst.idx.msk $0xffff, v20  }
0x265: {  	v20 =	vld.idx.msk [tilespmem:v2+s22+$0xFFFFFE00 ss:$0x1], $0xffff;
	_ =	sdelay $0x4  }
0x266: {  	v4 =	vmul.bf16 v4, v20;
	_ =	sdelay $0x1  }
0x267: {  	[tilespmem:v3+s22+$0x0 ss:$0x1] =	vst.idx.msk $0xffff, v4  }
0x268: {  	v4 =	vld.idx.msk [tilespmem:v2+s22+$0xFFFFFE40 ss:$0x1], $0xffff;
	_ =	sdelay $0x4  }
0x269: {  	v4 =	vmul.bf16 v5, v4;
	_ =	sdelay $0x1  }
0x26a: {  	[tilespmem:v3+s22+$0x40 ss:$0x1] =	vst.idx.msk $0xffff, v4  }
0x26b: {  	v4 =	vld.idx.msk [tilespmem:v2+s22+$0xFFFFFE80 ss:$0x1], $0xffff;
	_ =	sdelay $0x4  }
0x26c: {  	v4 =	vmul.bf16 v6, v4;
	_ =	sdelay $0x1  }
0x26d: {  	[tilespmem:v3+s22+$0x80 ss:$0x1] =	vst.idx.msk $0xffff, v4  }
0x26e: {  	v4 =	vld.idx.msk [tilespmem:v2+s22+$0xFFFFFEC0 ss:$0x1], $0xffff;
	_ =	sdelay $0x4  }
0x26f: {  	v4 =	vmul.bf16 v7, v4;
	_ =	sdelay $0x1  }
0x270: {  	[tilespmem:v3+s22+$0xC0 ss:$0x1] =	vst.idx.msk $0xffff, v4  }
0x271: {  	v4 =	vld.idx.msk [tilespmem:v2+s22+$0xFFFFFF00 ss:$0x1], $0xffff;
	_ =	sdelay $0x4  }
0x272: {  	v4 =	vmul.bf16 v8, v4;
	_ =	sdelay $0x1  }
0x273: {  	[tilespmem:v3+s22+$0x100 ss:$0x1] =	vst.idx.msk $0xffff, v4  }
0x274: {  	v4 =	vld.idx.msk [tilespmem:v2+s22+$0xFFFFFF40 ss:$0x1], $0xffff;
	_ =	sdelay $0x4  }
0x275: {  	v4 =	vmul.bf16 v9, v4;
	_ =	sdelay $0x1  }
0x276: {  	[tilespmem:v3+s22+$0x140 ss:$0x1] =	vst.idx.msk $0xffff, v4  }
0x277: {  	v4 =	vld.idx.msk [tilespmem:v2+s22+$0xFFFFFF80 ss:$0x1], $0xffff;
	_ =	sdelay $0x4  }
0x278: {  	v4 =	vmul.bf16 v10, v4;
	_ =	sdelay $0x1  }
0x279: {  	[tilespmem:v3+s22+$0x180 ss:$0x1] =	vst.idx.msk $0xffff, v4  }
0x27a: {  	v4 =	vld.idx.msk [tilespmem:v2+s22+$0xFFFFFFC0 ss:$0x1], $0xffff;
	_ =	sdelay $0x4  }
0x27b: {  	v4 =	vmul.bf16 v11, v4;
	_ =	sdelay $0x1  }
0x27c: {  	[tilespmem:v3+s22+$0x1C0 ss:$0x1] =	vst.idx.msk $0xffff, v4  }
0x27d: {  	v4 =	vld.idx.msk [tilespmem:v2+s22+$0x0 ss:$0x1], $0xffff;
	_ =	sdelay $0x4  }
0x27e: {  	v4 =	vmul.bf16 v12, v4;
	_ =	sdelay $0x1  }
0x27f: {  	[tilespmem:v3+s22+$0x200 ss:$0x1] =	vst.idx.msk $0xffff, v4  }
0x280: {  	v4 =	vld.idx.msk [tilespmem:v2+s22+$0x40 ss:$0x1], $0xffff;
	_ =	sdelay $0x4  }
0x281: {  	v4 =	vmul.bf16 v13, v4;
	_ =	sdelay $0x1  }
0x282: {  	[tilespmem:v3+s22+$0x240 ss:$0x1] =	vst.idx.msk $0xffff, v4  }
0x283: {  	v4 =	vld.idx.msk [tilespmem:v2+s22+$0x80 ss:$0x1], $0xffff;
	_ =	sdelay $0x4  }
0x284: {  	v4 =	vmul.bf16 v14, v4;
	_ =	sdelay $0x1  }
0x285: {  	[tilespmem:v3+s22+$0x280 ss:$0x1] =	vst.idx.msk $0xffff, v4  }
0x286: {  	v4 =	vld.idx.msk [tilespmem:v2+s22+$0xC0 ss:$0x1], $0xffff;
	_ =	sdelay $0x4  }
0x287: {  	v4 =	vmul.bf16 v15, v4;
	_ =	sdelay $0x1  }
0x288: {  	[tilespmem:v3+s22+$0x2C0 ss:$0x1] =	vst.idx.msk $0xffff, v4  }
0x289: {  	v4 =	vld.idx.msk [tilespmem:v2+s22+$0x100 ss:$0x1], $0xffff;
	_ =	sdelay $0x4  }
0x28a: {  	v4 =	vmul.bf16 v16, v4;
	_ =	sdelay $0x1  }
0x28b: {  	[tilespmem:v3+s22+$0x300 ss:$0x1] =	vst.idx.msk $0xffff, v4  }
0x28c: {  	v4 =	vld.idx.msk [tilespmem:v2+s22+$0x140 ss:$0x1], $0xffff;
	_ =	sdelay $0x4  }
0x28d: {  	v4 =	vmul.bf16 v17, v4;
	_ =	sdelay $0x1  }
0x28e: {  	[tilespmem:v3+s22+$0x340 ss:$0x1] =	vst.idx.msk $0xffff, v4  }
0x28f: {  	v4 =	vld.idx.msk [tilespmem:v2+s22+$0x180 ss:$0x1], $0xffff;
	_ =	sdelay $0x4  }
0x290: {  	v4 =	vmul.bf16 v18, v4;
	_ =	sdelay $0x1  }
0x291: {  	[tilespmem:v3+s22+$0x380 ss:$0x1] =	vst.idx.msk $0xffff, v4  }
0x292: {  	v2 =	vld.idx.msk [tilespmem:v2+s22+$0x1C0 ss:$0x1], $0xffff  }
0x293: {  	s20 =	sadd.s32 $0x1, s20  }
0x294: {  	p1 =	sne.s32 s20, $0x8  }
.Ltmp7:
0x295: {  	_ = 	snop;
	(pc) =	sbr.rel @p1 .LBB2_15-.Ltmp7, $3  }
0x296: {  	_ = 	snop  }
0x297: {  	v2 =	vmul.bf16 v19, v2;
	_ =	sdelay $0x1  }
0x298: {  	s18 =	sadd.s32 $0x400, s18;
	s19 =	sadd.s32 $0x400, s19;
	[tilespmem:v3+s22+$0x3C0 ss:$0x1] =	vst.idx.msk $0xffff, v2  }
0x299: {  	s16 =	sadd.s32 $0x1400, s16;
	s29 =	sshll.u32 s29, $0x7  }
0x29a: {  	[spmem:s2] =	stream.indirect.scatter.add.bf16 [tilespmem:s26], [sflag:$0x3], $0x40, s16, s30, $0xb8;
	[tilespmem:$0x1FC00] =	vst v63  }
0x29b: {  	s16 =	sadd.s32 $0x100, s29  }
0x29c: {  	[tilespmem:s31], [sflag:$0x1] =	stream.indirect.gather [spmem:s1], $0x40, s16, s30, $0xb8;
	[tilespmem:$0x1FC00] =	vst v63  }
0x29d: {  	_ =	swait.ge [sflag:s5], $0x2000  }
0x29e: {  	[sflag:s5] =	ssyncset.done $0x0  }
0x29f: {  	s18 =	simm.s32 @!p0 $0x4;
	s15 =	sor.u32 $0x200, s15;
	[sflag:s5] =	ssyncadd.s32 $0xFFFFE000  }
0x2a0: {  	s19 =	simm.s32 $0x5E00;
	s16 =	sshrl.u32 s15, $0x2;
	_ =	swait.ge @!p0 [sflag:s18], $0x2000  }
0x2a1: {  	s15 =	smin.u32 s28, $0x24;
	s20 =	sadd.s32 $0x2800, s16;
	[sflag:s18] =	ssyncset.done @!p0 $0x0  }
0x2a2: {  	s28 =	simm.s32 $0x9C00;
	v1 =	vmov s20;
	[sflag:s18] =	ssyncadd.s32 @!p0 $0xFFFFE000;
	s18 =	simm.s32 $0x0  }
.LBB2_19:
0x2a3: {  	_ = 	snop  }
0x2a4: {  	v2 =	vmov s19  }
0x2a5: {  	s20 =	sshll.u32 s18, $0x4  }
0x2a6: {  	s20 =	sand.u32 $0x3FFFFFF0, s20  }
0x2a7: {  	v19 =	vld.idx.msk [tilespmem:v1+s20+$0x0 ss:$0x1], $0xffff  }
0x2a8: {  	s20 =	simm.s32 $0x0  }
0x2a9: {  	v5 =	vld.idx.msk [tilespmem:v2+s20+$0xFFFFFE00 ss:$0x1], $0xffff;
	_ =	sdelay $0x1  }
0x2aa: {  	v3 =	vmov s28  }
0x2ab: {  	v4 =	vbroadcast v19, $0x0;
	_ =	sdelay $0x1  }
0x2ac: {  	v5 =	vmul.bf16 v4, v5;
	_ =	sdelay $0x1  }
0x2ad: {  	[tilespmem:v3+s20+$0x0 ss:$0x1] =	vst.idx.msk $0xffff, v5  }
0x2ae: {  	v6 =	vld.idx.msk [tilespmem:v2+s20+$0xFFFFFE40 ss:$0x1], $0xffff;
	_ =	sdelay $0x2  }
0x2af: {  	v5 =	vbroadcast v19, $0x1;
	_ =	sdelay $0x1  }
0x2b0: {  	v6 =	vmul.bf16 v5, v6;
	_ =	sdelay $0x1  }
0x2b1: {  	[tilespmem:v3+s20+$0x40 ss:$0x1] =	vst.idx.msk $0xffff, v6  }
0x2b2: {  	v7 =	vld.idx.msk [tilespmem:v2+s20+$0xFFFFFE80 ss:$0x1], $0xffff;
	_ =	sdelay $0x2  }
0x2b3: {  	v6 =	vbroadcast v19, $0x2;
	_ =	sdelay $0x1  }
0x2b4: {  	v7 =	vmul.bf16 v6, v7;
	_ =	sdelay $0x1  }
0x2b5: {  	[tilespmem:v3+s20+$0x80 ss:$0x1] =	vst.idx.msk $0xffff, v7  }
0x2b6: {  	v8 =	vld.idx.msk [tilespmem:v2+s20+$0xFFFFFEC0 ss:$0x1], $0xffff;
	_ =	sdelay $0x2  }
0x2b7: {  	v7 =	vbroadcast v19, $0x3;
	_ =	sdelay $0x1  }
0x2b8: {  	v8 =	vmul.bf16 v7, v8;
	_ =	sdelay $0x1  }
0x2b9: {  	[tilespmem:v3+s20+$0xC0 ss:$0x1] =	vst.idx.msk $0xffff, v8  }
0x2ba: {  	v9 =	vld.idx.msk [tilespmem:v2+s20+$0xFFFFFF00 ss:$0x1], $0xffff;
	_ =	sdelay $0x2  }
0x2bb: {  	v8 =	vbroadcast v19, $0x4;
	_ =	sdelay $0x1  }
0x2bc: {  	v9 =	vmul.bf16 v8, v9;
	_ =	sdelay $0x1  }
0x2bd: {  	[tilespmem:v3+s20+$0x100 ss:$0x1] =	vst.idx.msk $0xffff, v9  }
0x2be: {  	v10 =	vld.idx.msk [tilespmem:v2+s20+$0xFFFFFF40 ss:$0x1], $0xffff;
	_ =	sdelay $0x2  }
0x2bf: {  	v9 =	vbroadcast v19, $0x5;
	_ =	sdelay $0x1  }
0x2c0: {  	v10 =	vmul.bf16 v9, v10;
	_ =	sdelay $0x1  }
0x2c1: {  	[tilespmem:v3+s20+$0x140 ss:$0x1] =	vst.idx.msk $0xffff, v10  }
0x2c2: {  	v11 =	vld.idx.msk [tilespmem:v2+s20+$0xFFFFFF80 ss:$0x1], $0xffff;
	_ =	sdelay $0x2  }
0x2c3: {  	v10 =	vbroadcast v19, $0x6;
	_ =	sdelay $0x1  }
0x2c4: {  	v11 =	vmul.bf16 v10, v11;
	_ =	sdelay $0x1  }
0x2c5: {  	[tilespmem:v3+s20+$0x180 ss:$0x1] =	vst.idx.msk $0xffff, v11  }
0x2c6: {  	v12 =	vld.idx.msk [tilespmem:v2+s20+$0xFFFFFFC0 ss:$0x1], $0xffff;
	_ =	sdelay $0x2  }
0x2c7: {  	v11 =	vbroadcast v19, $0x7;
	_ =	sdelay $0x1  }
0x2c8: {  	v12 =	vmul.bf16 v11, v12;
	_ =	sdelay $0x1  }
0x2c9: {  	[tilespmem:v3+s20+$0x1C0 ss:$0x1] =	vst.idx.msk $0xffff, v12  }
0x2ca: {  	v13 =	vld.idx.msk [tilespmem:v2+s20+$0x0 ss:$0x1], $0xffff;
	_ =	sdelay $0x2  }
0x2cb: {  	v12 =	vbroadcast v19, $0x8;
	_ =	sdelay $0x1  }
0x2cc: {  	v13 =	vmul.bf16 v12, v13;
	_ =	sdelay $0x1  }
0x2cd: {  	[tilespmem:v3+s20+$0x200 ss:$0x1] =	vst.idx.msk $0xffff, v13  }
0x2ce: {  	v14 =	vld.idx.msk [tilespmem:v2+s20+$0x40 ss:$0x1], $0xffff;
	_ =	sdelay $0x2  }
0x2cf: {  	v13 =	vbroadcast v19, $0x9;
	_ =	sdelay $0x1  }
0x2d0: {  	v14 =	vmul.bf16 v13, v14;
	_ =	sdelay $0x1  }
0x2d1: {  	[tilespmem:v3+s20+$0x240 ss:$0x1] =	vst.idx.msk $0xffff, v14  }
0x2d2: {  	v15 =	vld.idx.msk [tilespmem:v2+s20+$0x80 ss:$0x1], $0xffff;
	_ =	sdelay $0x2  }
0x2d3: {  	v14 =	vbroadcast v19, $0xA;
	_ =	sdelay $0x1  }
0x2d4: {  	v15 =	vmul.bf16 v14, v15;
	_ =	sdelay $0x1  }
0x2d5: {  	[tilespmem:v3+s20+$0x280 ss:$0x1] =	vst.idx.msk $0xffff, v15  }
0x2d6: {  	v16 =	vld.idx.msk [tilespmem:v2+s20+$0xC0 ss:$0x1], $0xffff;
	_ =	sdelay $0x2  }
0x2d7: {  	v15 =	vbroadcast v19, $0xB;
	_ =	sdelay $0x1  }
0x2d8: {  	v16 =	vmul.bf16 v15, v16;
	_ =	sdelay $0x1  }
0x2d9: {  	[tilespmem:v3+s20+$0x2C0 ss:$0x1] =	vst.idx.msk $0xffff, v16  }
0x2da: {  	v17 =	vld.idx.msk [tilespmem:v2+s20+$0x100 ss:$0x1], $0xffff;
	_ =	sdelay $0x2  }
0x2db: {  	v16 =	vbroadcast v19, $0xC;
	_ =	sdelay $0x1  }
0x2dc: {  	v17 =	vmul.bf16 v16, v17;
	_ =	sdelay $0x1  }
0x2dd: {  	[tilespmem:v3+s20+$0x300 ss:$0x1] =	vst.idx.msk $0xffff, v17  }
0x2de: {  	v18 =	vld.idx.msk [tilespmem:v2+s20+$0x140 ss:$0x1], $0xffff;
	_ =	sdelay $0x2  }
0x2df: {  	v17 =	vbroadcast v19, $0xD;
	_ =	sdelay $0x1  }
0x2e0: {  	v18 =	vmul.bf16 v17, v18;
	_ =	sdelay $0x1  }
0x2e1: {  	[tilespmem:v3+s20+$0x340 ss:$0x1] =	vst.idx.msk $0xffff, v18  }
0x2e2: {  	v20 =	vld.idx.msk [tilespmem:v2+s20+$0x180 ss:$0x1], $0xffff;
	_ =	sdelay $0x2  }
0x2e3: {  	v18 =	vbroadcast v19, $0xE;
	_ =	sdelay $0x1  }
0x2e4: {  	v20 =	vmul.bf16 v18, v20;
	_ =	sdelay $0x1  }
0x2e5: {  	[tilespmem:v3+s20+$0x380 ss:$0x1] =	vst.idx.msk $0xffff, v20  }
0x2e6: {  	v20 =	vld.idx.msk [tilespmem:v2+s20+$0x1C0 ss:$0x1], $0xffff;
	_ =	sdelay $0x2  }
0x2e7: {  	v19 =	vbroadcast v19, $0xF;
	_ =	sdelay $0x1  }
0x2e8: {  	s21 =	simm.s32 $0x40;
	s22 =	simm.s32 $0x80;
	v20 =	vmul.bf16 v19, v20  }
.LBB2_20:
0x2e9: {  	p0 =	sne.s32 s22, $0xC0  }
0x2ea: {  	[tilespmem:v3+s20+$0x3C0 ss:$0x1] =	vst.idx.msk $0xffff, v20;
	s20 =	sshra.s32 s21, $0x2;
	s21 =	smov.u32 s22;
	s22 =	sadd.s32 $0x40, s22  }
0x2eb: {  	v20 =	vld.idx.msk [tilespmem:v2+s20+$0xFFFFFE00 ss:$0x1], $0xffff;
	_ =	sdelay $0x5  }
0x2ec: {  	v20 =	vmul.bf16 v4, v20;
	_ =	sdelay $0x1  }
0x2ed: {  	[tilespmem:v3+s20+$0x0 ss:$0x1] =	vst.idx.msk $0xffff, v20  }
0x2ee: {  	v20 =	vld.idx.msk [tilespmem:v2+s20+$0xFFFFFE40 ss:$0x1], $0xffff;
	_ =	sdelay $0x5  }
0x2ef: {  	v20 =	vmul.bf16 v5, v20;
	_ =	sdelay $0x1  }
0x2f0: {  	[tilespmem:v3+s20+$0x40 ss:$0x1] =	vst.idx.msk $0xffff, v20  }
0x2f1: {  	v20 =	vld.idx.msk [tilespmem:v2+s20+$0xFFFFFE80 ss:$0x1], $0xffff;
	_ =	sdelay $0x5  }
0x2f2: {  	v20 =	vmul.bf16 v6, v20;
	_ =	sdelay $0x1  }
0x2f3: {  	[tilespmem:v3+s20+$0x80 ss:$0x1] =	vst.idx.msk $0xffff, v20  }
0x2f4: {  	v20 =	vld.idx.msk [tilespmem:v2+s20+$0xFFFFFEC0 ss:$0x1], $0xffff;
	_ =	sdelay $0x5  }
0x2f5: {  	v20 =	vmul.bf16 v7, v20;
	_ =	sdelay $0x1  }
0x2f6: {  	[tilespmem:v3+s20+$0xC0 ss:$0x1] =	vst.idx.msk $0xffff, v20  }
0x2f7: {  	v20 =	vld.idx.msk [tilespmem:v2+s20+$0xFFFFFF00 ss:$0x1], $0xffff;
	_ =	sdelay $0x5  }
0x2f8: {  	v20 =	vmul.bf16 v8, v20;
	_ =	sdelay $0x1  }
0x2f9: {  	[tilespmem:v3+s20+$0x100 ss:$0x1] =	vst.idx.msk $0xffff, v20  }
0x2fa: {  	v20 =	vld.idx.msk [tilespmem:v2+s20+$0xFFFFFF40 ss:$0x1], $0xffff;
	_ =	sdelay $0x5  }
0x2fb: {  	v20 =	vmul.bf16 v9, v20;
	_ =	sdelay $0x1  }
0x2fc: {  	[tilespmem:v3+s20+$0x140 ss:$0x1] =	vst.idx.msk $0xffff, v20  }
0x2fd: {  	v20 =	vld.idx.msk [tilespmem:v2+s20+$0xFFFFFF80 ss:$0x1], $0xffff;
	_ =	sdelay $0x5  }
0x2fe: {  	v20 =	vmul.bf16 v10, v20;
	_ =	sdelay $0x1  }
0x2ff: {  	[tilespmem:v3+s20+$0x180 ss:$0x1] =	vst.idx.msk $0xffff, v20  }
0x300: {  	v20 =	vld.idx.msk [tilespmem:v2+s20+$0xFFFFFFC0 ss:$0x1], $0xffff;
	_ =	sdelay $0x5  }
0x301: {  	v20 =	vmul.bf16 v11, v20;
	_ =	sdelay $0x1  }
0x302: {  	[tilespmem:v3+s20+$0x1C0 ss:$0x1] =	vst.idx.msk $0xffff, v20  }
0x303: {  	v20 =	vld.idx.msk [tilespmem:v2+s20+$0x0 ss:$0x1], $0xffff;
	_ =	sdelay $0x5  }
0x304: {  	v20 =	vmul.bf16 v12, v20;
	_ =	sdelay $0x1  }
0x305: {  	[tilespmem:v3+s20+$0x200 ss:$0x1] =	vst.idx.msk $0xffff, v20  }
0x306: {  	v20 =	vld.idx.msk [tilespmem:v2+s20+$0x40 ss:$0x1], $0xffff;
	_ =	sdelay $0x5  }
0x307: {  	v20 =	vmul.bf16 v13, v20;
	_ =	sdelay $0x1  }
0x308: {  	[tilespmem:v3+s20+$0x240 ss:$0x1] =	vst.idx.msk $0xffff, v20  }
0x309: {  	v20 =	vld.idx.msk [tilespmem:v2+s20+$0x80 ss:$0x1], $0xffff;
	_ =	sdelay $0x5  }
0x30a: {  	v20 =	vmul.bf16 v14, v20;
	_ =	sdelay $0x1  }
0x30b: {  	[tilespmem:v3+s20+$0x280 ss:$0x1] =	vst.idx.msk $0xffff, v20  }
0x30c: {  	v20 =	vld.idx.msk [tilespmem:v2+s20+$0xC0 ss:$0x1], $0xffff;
	_ =	sdelay $0x5  }
0x30d: {  	v20 =	vmul.bf16 v15, v20;
	_ =	sdelay $0x1  }
0x30e: {  	[tilespmem:v3+s20+$0x2C0 ss:$0x1] =	vst.idx.msk $0xffff, v20  }
0x30f: {  	v20 =	vld.idx.msk [tilespmem:v2+s20+$0x100 ss:$0x1], $0xffff;
	_ =	sdelay $0x5  }
0x310: {  	v20 =	vmul.bf16 v16, v20;
	_ =	sdelay $0x1  }
0x311: {  	[tilespmem:v3+s20+$0x300 ss:$0x1] =	vst.idx.msk $0xffff, v20  }
0x312: {  	v20 =	vld.idx.msk [tilespmem:v2+s20+$0x140 ss:$0x1], $0xffff;
	_ =	sdelay $0x5  }
0x313: {  	v20 =	vmul.bf16 v17, v20;
	_ =	sdelay $0x1  }
0x314: {  	[tilespmem:v3+s20+$0x340 ss:$0x1] =	vst.idx.msk $0xffff, v20  }
0x315: {  	v20 =	vld.idx.msk [tilespmem:v2+s20+$0x180 ss:$0x1], $0xffff;
	_ =	sdelay $0x5  }
0x316: {  	v20 =	vmul.bf16 v18, v20;
	_ =	sdelay $0x1  }
0x317: {  	[tilespmem:v3+s20+$0x380 ss:$0x1] =	vst.idx.msk $0xffff, v20  }
0x318: {  	v20 =	vld.idx.msk [tilespmem:v2+s20+$0x1C0 ss:$0x1], $0xffff;
	_ =	sdelay $0x1  }
.Ltmp8:
0x319: {  	(pc) =	sbr.rel @p0 .LBB2_20-.Ltmp8, $2  }
0x31a: {  	_ =	sdelay $0x2  }
0x31b: {  	v20 =	vmul.bf16 v19, v20  }
0x31c: {  	_ =	sdelay $0x3  }
0x31d: {  	s21 =	sshra.s32 s21, $0x2;
	[tilespmem:v3+s20+$0x3C0 ss:$0x1] =	vst.idx.msk $0xffff, v20  }
0x31e: {  	v20 =	vld.idx.msk [tilespmem:v2+s21+$0xFFFFFE00 ss:$0x1], $0xffff;
	_ =	sdelay $0x4  }
0x31f: {  	v4 =	vmul.bf16 v4, v20;
	_ =	sdelay $0x1  }
0x320: {  	[tilespmem:v3+s21+$0x0 ss:$0x1] =	vst.idx.msk $0xffff, v4  }
0x321: {  	v4 =	vld.idx.msk [tilespmem:v2+s21+$0xFFFFFE40 ss:$0x1], $0xffff;
	_ =	sdelay $0x4  }
0x322: {  	v4 =	vmul.bf16 v5, v4;
	_ =	sdelay $0x1  }
0x323: {  	[tilespmem:v3+s21+$0x40 ss:$0x1] =	vst.idx.msk $0xffff, v4  }
0x324: {  	v4 =	vld.idx.msk [tilespmem:v2+s21+$0xFFFFFE80 ss:$0x1], $0xffff;
	_ =	sdelay $0x4  }
0x325: {  	v4 =	vmul.bf16 v6, v4;
	_ =	sdelay $0x1  }
0x326: {  	[tilespmem:v3+s21+$0x80 ss:$0x1] =	vst.idx.msk $0xffff, v4  }
0x327: {  	v4 =	vld.idx.msk [tilespmem:v2+s21+$0xFFFFFEC0 ss:$0x1], $0xffff;
	_ =	sdelay $0x4  }
0x328: {  	v4 =	vmul.bf16 v7, v4;
	_ =	sdelay $0x1  }
0x329: {  	[tilespmem:v3+s21+$0xC0 ss:$0x1] =	vst.idx.msk $0xffff, v4  }
0x32a: {  	v4 =	vld.idx.msk [tilespmem:v2+s21+$0xFFFFFF00 ss:$0x1], $0xffff;
	_ =	sdelay $0x4  }
0x32b: {  	v4 =	vmul.bf16 v8, v4;
	_ =	sdelay $0x1  }
0x32c: {  	[tilespmem:v3+s21+$0x100 ss:$0x1] =	vst.idx.msk $0xffff, v4  }
0x32d: {  	v4 =	vld.idx.msk [tilespmem:v2+s21+$0xFFFFFF40 ss:$0x1], $0xffff;
	_ =	sdelay $0x4  }
0x32e: {  	v4 =	vmul.bf16 v9, v4;
	_ =	sdelay $0x1  }
0x32f: {  	[tilespmem:v3+s21+$0x140 ss:$0x1] =	vst.idx.msk $0xffff, v4  }
0x330: {  	v4 =	vld.idx.msk [tilespmem:v2+s21+$0xFFFFFF80 ss:$0x1], $0xffff;
	_ =	sdelay $0x4  }
0x331: {  	v4 =	vmul.bf16 v10, v4;
	_ =	sdelay $0x1  }
0x332: {  	[tilespmem:v3+s21+$0x180 ss:$0x1] =	vst.idx.msk $0xffff, v4  }
0x333: {  	v4 =	vld.idx.msk [tilespmem:v2+s21+$0xFFFFFFC0 ss:$0x1], $0xffff;
	_ =	sdelay $0x4  }
0x334: {  	v4 =	vmul.bf16 v11, v4;
	_ =	sdelay $0x1  }
0x335: {  	[tilespmem:v3+s21+$0x1C0 ss:$0x1] =	vst.idx.msk $0xffff, v4  }
0x336: {  	v4 =	vld.idx.msk [tilespmem:v2+s21+$0x0 ss:$0x1], $0xffff;
	_ =	sdelay $0x4  }
0x337: {  	v4 =	vmul.bf16 v12, v4;
	_ =	sdelay $0x1  }
0x338: {  	[tilespmem:v3+s21+$0x200 ss:$0x1] =	vst.idx.msk $0xffff, v4  }
0x339: {  	v4 =	vld.idx.msk [tilespmem:v2+s21+$0x40 ss:$0x1], $0xffff;
	_ =	sdelay $0x4  }
0x33a: {  	v4 =	vmul.bf16 v13, v4;
	_ =	sdelay $0x1  }
0x33b: {  	[tilespmem:v3+s21+$0x240 ss:$0x1] =	vst.idx.msk $0xffff, v4  }
0x33c: {  	v4 =	vld.idx.msk [tilespmem:v2+s21+$0x80 ss:$0x1], $0xffff;
	_ =	sdelay $0x4  }
0x33d: {  	v4 =	vmul.bf16 v14, v4;
	_ =	sdelay $0x1  }
0x33e: {  	[tilespmem:v3+s21+$0x280 ss:$0x1] =	vst.idx.msk $0xffff, v4  }
0x33f: {  	v4 =	vld.idx.msk [tilespmem:v2+s21+$0xC0 ss:$0x1], $0xffff;
	_ =	sdelay $0x4  }
0x340: {  	v4 =	vmul.bf16 v15, v4;
	_ =	sdelay $0x1  }
0x341: {  	[tilespmem:v3+s21+$0x2C0 ss:$0x1] =	vst.idx.msk $0xffff, v4  }
0x342: {  	v4 =	vld.idx.msk [tilespmem:v2+s21+$0x100 ss:$0x1], $0xffff;
	_ =	sdelay $0x4  }
0x343: {  	v4 =	vmul.bf16 v16, v4;
	_ =	sdelay $0x1  }
0x344: {  	[tilespmem:v3+s21+$0x300 ss:$0x1] =	vst.idx.msk $0xffff, v4  }
0x345: {  	v4 =	vld.idx.msk [tilespmem:v2+s21+$0x140 ss:$0x1], $0xffff;
	_ =	sdelay $0x4  }
0x346: {  	v4 =	vmul.bf16 v17, v4;
	_ =	sdelay $0x1  }
0x347: {  	[tilespmem:v3+s21+$0x340 ss:$0x1] =	vst.idx.msk $0xffff, v4  }
0x348: {  	v4 =	vld.idx.msk [tilespmem:v2+s21+$0x180 ss:$0x1], $0xffff;
	_ =	sdelay $0x4  }
0x349: {  	v4 =	vmul.bf16 v18, v4;
	_ =	sdelay $0x1  }
0x34a: {  	[tilespmem:v3+s21+$0x380 ss:$0x1] =	vst.idx.msk $0xffff, v4  }
0x34b: {  	v2 =	vld.idx.msk [tilespmem:v2+s21+$0x1C0 ss:$0x1], $0xffff  }
0x34c: {  	s18 =	sadd.s32 $0x1, s18  }
0x34d: {  	p0 =	sne.s32 s18, $0x8  }
.Ltmp9:
0x34e: {  	_ = 	snop;
	(pc) =	sbr.rel @p0 .LBB2_19-.Ltmp9, $3  }
0x34f: {  	_ = 	snop  }
0x350: {  	v2 =	vmul.bf16 v19, v2;
	_ =	sdelay $0x1  }
0x351: {  	s19 =	sadd.s32 $0x400, s19;
	s28 =	sadd.s32 $0x400, s28;
	[tilespmem:v3+s21+$0x3C0 ss:$0x1] =	vst.idx.msk $0xffff, v2  }
0x352: {  	s14 =	sadd.s32 $0x1, s14  }
0x353: {  	p0 =	sne.s32 s14, $0x14  }
.Ltmp10:
0x354: {  	_ = 	snop;
	(pc) =	sbr.rel @p0 .LBB2_14-.Ltmp10, $4  }
0x355: {  	s16 =	sadd.s32 $0x1400, s16;
	s15 =	sshll.u32 s15, $0x7  }
0x356: {  	[spmem:s2] =	stream.indirect.scatter.add.bf16 [tilespmem:s11], [sflag:$0x4], $0x40, s16, s30, $0xb8;
	[tilespmem:$0x1FC00] =	vst v63  }
0x357: {  	s15 =	sadd.s32 $0x180, s15  }
0x358: {  	[tilespmem:s0], [sflag:$0x2] =	stream.indirect.gather [spmem:s1], $0x40, s15, s30, $0xb8;
	[tilespmem:$0x1FC00] =	vst v63  }
0x359: {  	_ =	swait.ge [sflag:s4], $0x2000  }
0x35a: {  	[sflag:s4] =	ssyncset.done $0x0  }
0x35b: {  	[sflag:s4] =	ssyncadd.s32 $0xFFFFE000  }
0x35c: {  	_ =	swait.ge [sflag:s12], $0x2000  }
0x35d: {  	[sflag:s12] =	ssyncset.done $0x0  }
0x35e: {  	[sflag:s12] =	ssyncadd.s32 $0xFFFFE000  }
0x35f: {  	_ =	swait.ge [sflag:s5], $0x2000  }
0x360: {  	[sflag:s5] =	ssyncset.done $0x0  }
0x361: {  	[sflag:s5] =	ssyncadd.s32 $0xFFFFE000  }
0x362: {  	_ =	swait.ge [sflag:s13], $0x2000  }
0x363: {  	[sflag:s13] =	ssyncset.done $0x0  }
0x364: {  	[sflag:s13] =	ssyncadd.s32 $0xFFFFE000  }
0x365: {  	[bflag:$0x0] =	sbarrier.arrive $0xFFFF  }
0x366: {  	s14 =	sshrl.u32 s7, $0x3;
	s15 =	rddreg [dreg:$0xc]  }
0x367: {  	[hbm:s15], [sflag:s6] =	dma.local [spmem:s14], $0x400  }
0x368: {  	_ =	swait.ge [sflag:s25], $0x400  }
0x369: {  	[sflag:s25] =	ssyncset.done $0x0  }
0x36a: {  	s16 =	sshrl.u32 s8, $0x3;
	s18 =	rddreg [dreg:$0xd];
	[sflag:s25] =	ssyncadd.s32 $0xFFFFFC00  }
0x36b: {  	[hbm:s18], [sflag:s6] =	dma.local [spmem:s16], $0x400  }
0x36c: {  	_ =	swait.ge [sflag:s25], $0x400  }
0x36d: {  	[sflag:s25] =	ssyncset.done $0x0  }
0x36e: {  	s19 =	sshrl.u32 s9, $0x3;
	s20 =	rddreg [dreg:$0xe];
	[sflag:s25] =	ssyncadd.s32 $0xFFFFFC00  }
0x36f: {  	[hbm:s20], [sflag:s6] =	dma.local [spmem:s19], $0x400  }
0x370: {  	_ =	swait.ge [sflag:s25], $0x400  }
0x371: {  	[sflag:s25] =	ssyncset.done $0x0  }
0x372: {  	s21 =	sshrl.u32 s10, $0x3;
	s22 =	rddreg [dreg:$0xf];
	[sflag:s25] =	ssyncadd.s32 $0xFFFFFC00  }
0x373: {  	[hbm:s22], [sflag:s6] =	dma.local [spmem:s21], $0x400  }
0x374: {  	_ =	swait.ge [sflag:s25], $0x400  }
0x375: {  	[sflag:s25] =	ssyncset.done $0x0  }
0x376: {  	s23 =	sshrl.u32 s17, $0x3;
	s28 =	rddreg [dreg:$0x10];
	[sflag:s25] =	ssyncadd.s32 $0xFFFFFC00  }
0x377: {  	[hbm:s28], [sflag:s6] =	dma.local [spmem:s23], $0x400  }
0x378: {  	_ =	swait.ge [sflag:s25], $0x400  }
0x379: {  	s3 =	sadd.s32 $0x1, s3;
	s29 =	rddreg [dreg:$0x11]  }
0x37a: {  	p0 =	sne.s32 s3, s29  }
.Ltmp11:
0x37b: {  	_ = 	snop;
	(pc) =	sbr.rel @p0 .LBB2_1-.Ltmp11, $3  }
0x37c: {  	_ =	sdelay $0x1  }
0x37d: {  	[sflag:s25] =	ssyncset.done $0x0  }
0x37e: {  	[sflag:s25] =	ssyncadd.s32 $0xFFFFFC00  }
0x37f: {  	_ =	sfence.sel $0x180000  }
0x380: {  	[bflag:$0x0] =	sbarrier.arrive $0xFFFF  }
0x381: {  	_ =	strace $0x90000047  }
0x382: {  	s0 =	stileid.u32;
	[bflag:$0x2] =	sbarrier.arrive $0xFFFF  }
0x383: {  	p0 =	sne.s32 s0, $0x0;
	s0 =	rddreg [dreg:$0x4]  }
0x384: {  	s0 =	sadd.s32 @!p0 $0x100000, s0  }
0x385: {  	[sflag:s0] =	ssyncadd.tile.s32 @!p0 $0x1;
	_ =	shalt  }
.Lfunc_end2:
_tile_overlayer_lowered:
.L_overlay_start_2:
0x386: {  	(tag) =	ssettag $0x2  }
0x387: {  	s0 =	rddreg [dreg:$0x0];
	s2 =	stileid.u32  }
0x388: {  	s1 =	rddreg [dreg:$0x1];
	p0 =	sne.s32 s2, $0x0  }
0x389: {  	s3 =	rddreg [dreg:$0x2];
	[bflag:$0x3] =	sbarrier.arrive $0xFFFF;
	s2 =	simm.s32 @!p0 $0x1C05  }
0x38a: {  	[timem:s3], [sflag:s2] =	dma.local @!p0 [hbm:s0], s1  }
0x38b: {  	s0 =	simm.s32 @!p0 $0x5  }
0x38c: {  	_ =	swait.ge @!p0 [sflag:s0], s1  }
0x38d: {  	s1 =	ssub.s32 @!p0 $0x0, s1;
	[sflag:s0] =	ssyncset.done @!p0 $0x0  }
0x38e: {  	[sflag:s0] =	ssyncadd.s32 @!p0 s1  }
0x38f: {  	[bflag:$0x3] =	sbarrier.arrive $0xFFFF  }
0x390: {  	_ =	shalt  }

</sc_bundles>
